<compile_context>
chip_gen: v7x
topology: tpu7x:2x2x1
jax: 0.10.2.dev20260603
libtpu: 0.0.44.dev20260713+nightly
codegen_flags: <defaults>
</compile_context>

<pallas_src>
import math
import jax
import jax.numpy as jnp
from jax import lax
from jax.experimental import pallas as pl
from jax.experimental.pallas import tpu as pltpu
from jax.experimental.pallas import tpu_sc as plsc

_S = 64.0
_M = 0.5
_COS_M = math.cos(_M)
_SIN_M = math.sin(_M)
_THRESHOLD = math.cos(math.pi - _M)
_MM = math.sin(math.pi - _M) * _M

_B = 1024
_C = 100000

_TC_ROWS = 608
_SC_ROWS = _B - _TC_ROWS
_RB = 32

_NC = 2
_NS = 16
_NW = _NC * _NS
_GPW = _B // _NW
_SC_RPT = _SC_ROWS // _NW if _SC_ROWS else 0
_SC_CH = _C // 2
_SC_VREGS = _SC_CH // 16


def _sc_gather_body(labels_hbm, logits_flat_hbm, out_hbm, lbl_v, idx_v, val_v, sem):
    wid = lax.axis_index("s") * _NC + lax.axis_index("c")
    base = wid * _GPW
    pltpu.sync_copy(labels_hbm.at[pl.ds(base, _GPW)], lbl_v)
    for c in range(_GPW // 16):
        rows = base + c * 16 + lax.iota(jnp.int32, 16)
        idx_v[pl.ds(c * 16, 16)] = rows * _C + lbl_v[pl.ds(c * 16, 16)]
    pltpu.async_copy(logits_flat_hbm.at[idx_v], val_v, sem).wait()
    pltpu.sync_copy(val_v, out_hbm.at[pl.ds(base, _GPW)])


def _gather_targets(logits, labels):
    run = pl.kernel(
        _sc_gather_body,
        out_type=jax.ShapeDtypeStruct((_B,), jnp.float32),
        mesh=plsc.VectorSubcoreMesh(core_axis_name="c", subcore_axis_name="s"),
        scratch_types=[
            pltpu.VMEM((_GPW,), jnp.int32),
            pltpu.VMEM((_GPW,), jnp.int32),
            pltpu.VMEM((_GPW,), jnp.float32),
            pltpu.SemaphoreType.DMA,
        ],
    )
    return run(labels, logits.reshape(_B * _C))


def _tc_prep_body(target_ref, t_ref, ctm_ref, num_ref, corr_ref, tnew_ref):
    tl = target_ref[:, :]
    t_new = 0.01 * jnp.mean(tl) + 0.99 * t_ref[0]
    sin_theta = jnp.sqrt(1.0 - tl * tl)
    ctm = tl * _COS_M - sin_theta * _SIN_M
    final = jnp.where(tl > _THRESHOLD, ctm, tl - _MM)
    num = _S * final
    mod_tl = jnp.where(tl > ctm, tl * (t_new + tl), tl)
    ctm_ref[:, :] = jnp.broadcast_to(ctm, (_B, 16))
    num_ref[:, :] = num
    corr_ref[:, :] = jnp.exp(num) - jnp.exp(_S * mod_tl)
    tnew_ref[:, :] = t_new * jnp.ones((1, 16), jnp.float32)


def _tc_prep(target2d, t):
    return pl.pallas_call(
        _tc_prep_body,
        in_specs=[
            pl.BlockSpec((_B, 1), lambda: (0, 0)),
            pl.BlockSpec(memory_space=pltpu.SMEM),
        ],
        out_specs=[
            pl.BlockSpec((_B, 16), lambda: (0, 0)),
            pl.BlockSpec((_B, 1), lambda: (0, 0)),
            pl.BlockSpec((_B, 1), lambda: (0, 0)),
            pl.BlockSpec((1, 16), lambda: (0, 0)),
        ],
        out_shape=[
            jax.ShapeDtypeStruct((_B, 16), jnp.float32),
            jax.ShapeDtypeStruct((_B, 1), jnp.float32),
            jax.ShapeDtypeStruct((_B, 1), jnp.float32),
            jax.ShapeDtypeStruct((1, 16), jnp.float32),
        ],
    )(target2d, t)


def _sc_rowsum_body(ctm_hbm, tnew_hbm, logits_flat_hbm, out_hbm,
                    ctm_v, tnew_v, buf0, buf1, out_v, sem0, sem1):
    wid = lax.axis_index("s") * _NC + lax.axis_index("c")
    rbase = _TC_ROWS + wid * _SC_RPT
    pltpu.sync_copy(ctm_hbm.at[pl.ds(rbase * 16, _SC_RPT * 16)], ctm_v)
    pltpu.sync_copy(tnew_hbm, tnew_v)
    tn = tnew_v[...]

    def _chunk_sum(buf, ctm_vec, acc0):
        def inner(j, acc):
            v = buf[pl.ds(j * 16, 16)]
            xm = jnp.where(v > ctm_vec, v * (tn + v), v)
            return acc + jnp.exp(_S * xm)
        return lax.fori_loop(0, _SC_VREGS, inner, acc0)

    def _issue(row, half, buf, sem):
        base = row * _C + half * _SC_CH
        return pltpu.async_copy(logits_flat_hbm.at[pl.ds(base, _SC_CH)], buf, sem)

    cp0 = _issue(rbase, 0, buf0, sem0)
    for r in range(_SC_RPT):
        row = rbase + r
        cp1 = _issue(row, 1, buf1, sem1)
        ctm_vec = ctm_v[pl.ds(r * 16, 16)]
        cp0.wait()
        acc = _chunk_sum(buf0, ctm_vec, jnp.zeros((16,), jnp.float32))
        if r + 1 < _SC_RPT:
            cp0 = _issue(row + 1, 0, buf0, sem0)
        cp1.wait()
        acc = _chunk_sum(buf1, ctm_vec, acc)
        out_v[pl.ds(r * 16, 16)] = acc
    pltpu.sync_copy(out_v, out_hbm.at[pl.ds((rbase - _TC_ROWS) * 16,
                                            _SC_RPT * 16)])


def _sc_rowsum(ctm, tnew, logits):
    run = pl.kernel(
        _sc_rowsum_body,
        out_type=jax.ShapeDtypeStruct((_SC_ROWS * 16,), jnp.float32),
        mesh=plsc.VectorSubcoreMesh(core_axis_name="c", subcore_axis_name="s"),
        scratch_types=[
            pltpu.VMEM((_SC_RPT * 16,), jnp.float32),
            pltpu.VMEM((16,), jnp.float32),
            pltpu.VMEM((_SC_CH,), jnp.float32),
            pltpu.VMEM((_SC_CH,), jnp.float32),
            pltpu.VMEM((_SC_RPT * 16,), jnp.float32),
            pltpu.SemaphoreType.DMA,
            pltpu.SemaphoreType.DMA,
        ],
    )
    return run(ctm.reshape(_B * 16), tnew.reshape(16), logits.reshape(_B * _C))


def _tc_loss_body(tfull_ref, tblk_ref, t_ref, logits_ref, lacc_out_ref,
                  tnew_ref, lacc_ref):
    i = pl.program_id(0)

    @pl.when(i == 0)
    def _prep():
        tnew_ref[0] = 0.01 * jnp.mean(tfull_ref[:, :]) + 0.99 * t_ref[0]
        lacc_ref[0] = 0.0

    t_new = tnew_ref[0]
    tl = tblk_ref[:, :]
    sin_theta = jnp.sqrt(1.0 - tl * tl)
    ctm = tl * _COS_M - sin_theta * _SIN_M
    final = jnp.where(tl > _THRESHOLD, ctm, tl - _MM)
    num = _S * final
    mod_tl = jnp.where(tl > ctm, tl * (t_new + tl), tl)
    corr = jnp.exp(num) - jnp.exp(_S * mod_tl)

    x = logits_ref[:, :]
    xm = jnp.where(x > ctm, x * (t_new + x), x)
    e = jnp.exp(_S * xm)
    rowsum = jnp.sum(e, axis=1, keepdims=True) + corr
    lacc_ref[0] += jnp.sum(num - jnp.log(rowsum))

    @pl.when(i == _TC_ROWS // _RB - 1)
    def _finish():
        lacc_out_ref[0] = lacc_ref[0]


def _tc_loss_partial(target2d, t, logits):
    return pl.pallas_call(
        _tc_loss_body,
        grid=(_TC_ROWS // _RB,),
        in_specs=[
            pl.BlockSpec((_B, 1), lambda i: (0, 0)),
            pl.BlockSpec((_RB, 1), lambda i: (i, 0)),
            pl.BlockSpec(memory_space=pltpu.SMEM),
            pl.BlockSpec((_RB, _C), lambda i: (i, 0)),
        ],
        out_specs=pl.BlockSpec(memory_space=pltpu.SMEM),
        out_shape=jax.ShapeDtypeStruct((1,), jnp.float32),
        scratch_shapes=[
            pltpu.SMEM((1,), jnp.float32),
            pltpu.SMEM((1,), jnp.float32),
        ],
    )(target2d, target2d, t, logits)


def _tc_epilogue_body(tc_lacc_ref, num_sc_ref, corr_sc_ref, part_sc_ref,
                      loss_ref):
    rowsum = (jnp.sum(part_sc_ref[:, :], axis=1, keepdims=True)
              + corr_sc_ref[:, :])
    l_sc = jnp.sum(num_sc_ref[:, :] - jnp.log(rowsum))
    loss_ref[0] = -(tc_lacc_ref[0] + l_sc) / _B


def _tc_epilogue(tc_lacc, num_sc, corr_sc, part_sc):
    return pl.pallas_call(
        _tc_epilogue_body,
        in_specs=[
            pl.BlockSpec(memory_space=pltpu.SMEM),
            pl.BlockSpec((_SC_ROWS, 1), lambda: (0, 0)),
            pl.BlockSpec((_SC_ROWS, 1), lambda: (0, 0)),
            pl.BlockSpec((_SC_ROWS, 16), lambda: (0, 0)),
        ],
        out_specs=pl.BlockSpec(memory_space=pltpu.SMEM),
        out_shape=jax.ShapeDtypeStruct((1,), jnp.float32),
    )(tc_lacc, num_sc, corr_sc, part_sc)


def kernel(logits, labels, t):
    target = _gather_targets(logits, labels)
    target2d = target.reshape(_B, 1)
    ctm, num, corr, tnew = _tc_prep(target2d, t)
    part_sc = _sc_rowsum(ctm, tnew, logits)
    if _TC_ROWS:
        tc_lacc = _tc_loss_partial(target2d, t, logits)
    else:
        tc_lacc = jnp.zeros((1,), jnp.float32)
    loss = _tc_epilogue(tc_lacc, num[_TC_ROWS:], corr[_TC_ROWS:],
                        part_sc.reshape(_SC_ROWS, 16))
    return loss[0]

# --- scband reference (transcript-rebuilt; emitter-appended) ---
"""Pipeline reference for scband-curricular-face-penalty-smloss-43808666419808 (READ-ONLY COPY).

The authoritative reference and input builder live on the scoring server;
editing this copy changes nothing except your own understanding.
"""

import math
import jax, jax.numpy as jnp
import numpy as np


def setup_inputs(seed: int = 0) -> dict:
    key = jax.random.key(seed)
    k1, k2 = jax.random.split(key)
    B, C = 1024, 100000
    logits = jax.random.uniform(k1, (B, C), dtype=jnp.float32)
    labels = jax.random.randint(k2, (B,), 0, C, dtype=jnp.int32)
    t = jnp.zeros((1,), dtype=jnp.float32)  # registered buffer, initialized to zeros
    return {"logits": logits, "labels": labels, "t": t}


def reference(logits, labels, t):
    s = 64.0
    m = 0.5
    eps = 1e-07
    cos_m = math.cos(m)
    sin_m = math.sin(m)
    threshold = math.cos(math.pi - m)
    mm = math.sin(math.pi - m) * m

    B = logits.shape[0]
    idx = jnp.arange(B)

    target_logit = logits[idx, labels][:, None]
    sin_theta = jnp.sqrt(1.0 - jnp.power(target_logit, 2))
    cos_theta_m = target_logit * cos_m - sin_theta * sin_m
    mask = logits > cos_theta_m
    final_target_logit = jnp.where(target_logit > threshold, cos_theta_m, target_logit - mm)

    # buffer update happens under no_grad in torch
    t_new = jax.lax.stop_gradient(jnp.mean(target_logit) * 0.01 + (1 - 0.01) * t[0])

    # hard example re-weighting: logits[mask] = hard * (t + hard)
    logits_mod = jnp.where(mask, logits * (t_new + logits), logits)
    # scatter final target logit into label positions
    logits_mod = logits_mod.at[idx, labels].set(final_target_logit[:, 0])

    cos_theta = logits_mod[idx, labels]
    numerator = s * cos_theta
    # excl = logits without the label column; sum exp over excl
    row_sum = jnp.sum(jnp.exp(s * logits_mod), axis=1)
    excl_sum = row_sum - jnp.exp(s * logits_mod[idx, labels])
    denominator = jnp.exp(numerator) + excl_sum
    L = numerator - jnp.log(denominator)
    return -jnp.mean(L)

if __name__ == "__main__":
    import jax
    _d = setup_inputs()
    print(jax.jit(kernel)(*tuple(_d.values())))

</pallas_src>

<mosaic_0001>
#map = affine_map<(d0, d1) -> (0)>
module attributes {stable_mosaic.version = 14 : i64} {
  func.func @_sc_rowsum_body(%arg0: i32, %arg1: i32, %arg2: memref<16384xf32, #tpu.memory_space<hbm>>, %arg3: memref<16xf32, #tpu.memory_space<hbm>>, %arg4: memref<102400000xf32, #tpu.memory_space<hbm>>, %arg5: memref<6656xf32, #tpu.memory_space<hbm>>, %arg6: memref<208xf32, #tpu.memory_space<vmem>>, %arg7: memref<16xf32, #tpu.memory_space<vmem>>, %arg8: memref<50000xf32, #tpu.memory_space<vmem>>, %arg9: memref<50000xf32, #tpu.memory_space<vmem>>, %arg10: memref<208xf32, #tpu.memory_space<vmem>>, %arg11: memref<!tpu.dma_semaphore, #tpu.memory_space<semaphore_mem>>, %arg12: memref<!tpu.dma_semaphore, #tpu.memory_space<semaphore_mem>>) attributes {dimension_semantics = [#tpu.dimension_semantics<core_parallel>, #tpu.dimension_semantics<subcore_parallel>], iteration_bounds = array<i64: 2, 16>, scalar_prefetch = 0 : i64, scratch_operands = 7 : i64, tpu.core_type = #tpu.core_type<sc_vector_subcore>, window_params = [{transform_indices = #map}, {transform_indices = #map}, {transform_indices = #map}, {transform_indices = #map}]} {
    %mul3A = arith.constant 2 : i32
    %mul3A_0 = arith.muli %arg1, %mul3A : i32
    %add3A = arith.addi %mul3A_0, %arg0 : i32
    %mul3A_1 = arith.constant 13 : i32
    %mul3A_2 = arith.muli %add3A, %mul3A_1 : i32
    %add3A_3 = arith.constant 608 : i32
    %add3A_4 = arith.addi %add3A_3, %mul3A_2 : i32
    %mul3A_5 = arith.constant 16 : i32
    %mul3A_6 = arith.muli %add3A_4, %mul3A_5 : i32
    "tpu.region"() ({
      %run_scoped3A = tpu.sem_alloc : memref<!tpu.dma_semaphore, #tpu.memory_space<semaphore_mem>>
      %dma_start3A_538 = tpu.memref_slice %arg2[%mul3A_6] : memref<16384xf32, #tpu.memory_space<hbm>> -> memref<208xf32, #tpu.memory_space<hbm>>
      %dma_start3A_539 = tpu.memref_slice %arg2[%mul3A_6] : memref<16384xf32, #tpu.memory_space<hbm>> -> memref<208xf32, #tpu.memory_space<hbm>>
      tpu.enqueue_dma source(%dma_start3A_539 : memref<208xf32, #tpu.memory_space<hbm>>) target(%arg6 : memref<208xf32, #tpu.memory_space<vmem>>) target_semaphore(%run_scoped3A : memref<!tpu.dma_semaphore, #tpu.memory_space<semaphore_mem>>)
      %dma_wait3A_540 = tpu.memref_slice %arg2[%mul3A_6] : memref<16384xf32, #tpu.memory_space<hbm>> -> memref<208xf32, #tpu.memory_space<hbm>>
      %dma_wait3A_541 = tpu.memref_slice %arg2[%mul3A_6] : memref<16384xf32, #tpu.memory_space<hbm>> -> memref<208xf32, #tpu.memory_space<hbm>>
      tpu.wait_dma2 semaphore(%run_scoped3A : memref<!tpu.dma_semaphore, #tpu.memory_space<semaphore_mem>>) src(%dma_wait3A_541 : memref<208xf32, #tpu.memory_space<hbm>>) dst(%arg6 : memref<208xf32, #tpu.memory_space<vmem>>)
      tpu.yield
    }) : () -> ()
    "tpu.region"() ({
      %run_scoped3A = tpu.sem_alloc : memref<!tpu.dma_semaphore, #tpu.memory_space<semaphore_mem>>
      tpu.enqueue_dma source(%arg3 : memref<16xf32, #tpu.memory_space<hbm>>) target(%arg7 : memref<16xf32, #tpu.memory_space<vmem>>) target_semaphore(%run_scoped3A : memref<!tpu.dma_semaphore, #tpu.memory_space<semaphore_mem>>)
      tpu.wait_dma2 semaphore(%run_scoped3A : memref<!tpu.dma_semaphore, #tpu.memory_space<semaphore_mem>>) src(%arg3 : memref<16xf32, #tpu.memory_space<hbm>>) dst(%arg7 : memref<16xf32, #tpu.memory_space<vmem>>)
      tpu.yield
    }) : () -> ()
    %get3A = arith.constant 0 : index
    %get3A_7 = tpu.vector_load %arg7[%get3A] {strides = array<i32>} : memref<16xf32, #tpu.memory_space<vmem>>, vector<16xf32>,
    %get3A_8 = vector.shape_cast %get3A_7 : vector<16xf32> to vector<16xf32>
    %mul3A_9 = arith.constant 100000 : i32
    %mul3A_10 = arith.muli %add3A_4, %mul3A_9 : i32
    %add3A_11 = arith.constant 0 : i32
    %add3A_12 = arith.addi %mul3A_10, %add3A_11 : i32
    %dma_start3A = tpu.memref_slice %arg4[%add3A_12] : memref<102400000xf32, #tpu.memory_space<hbm>> -> memref<50000xf32, #tpu.memory_space<hbm>>
    %dma_start3A_13 = tpu.memref_slice %arg4[%add3A_12] : memref<102400000xf32, #tpu.memory_space<hbm>> -> memref<50000xf32, #tpu.memory_space<hbm>>
    tpu.enqueue_dma source(%dma_start3A_13 : memref<50000xf32, #tpu.memory_space<hbm>>) target(%arg8 : memref<50000xf32, #tpu.memory_space<vmem>>) target_semaphore(%arg11 : memref<!tpu.dma_semaphore, #tpu.memory_space<semaphore_mem>>)
    %add3A_14 = arith.constant 0 : i32
    %add3A_15 = arith.addi %add3A_4, %add3A_14 : i32
    %mul3A_16 = arith.constant 100000 : i32
    %mul3A_17 = arith.muli %add3A_15, %mul3A_16 : i32
    %add3A_18 = arith.constant 50000 : i32
    %add3A_19 = arith.addi %mul3A_17, %add3A_18 : i32
    %dma_start3A_20 = tpu.memref_slice %arg4[%add3A_19] : memref<102400000xf32, #tpu.memory_space<hbm>> -> memref<50000xf32, #tpu.memory_space<hbm>>
    %dma_start3A_21 = tpu.memref_slice %arg4[%add3A_19] : memref<102400000xf32, #tpu.memory_space<hbm>> -> memref<50000xf32, #tpu.memory_space<hbm>>
    tpu.enqueue_dma source(%dma_start3A_21 : memref<50000xf32, #tpu.memory_space<hbm>>) target(%arg9 : memref<50000xf32, #tpu.memory_space<vmem>>) target_semaphore(%arg12 : memref<!tpu.dma_semaphore, #tpu.memory_space<semaphore_mem>>)
    %get3A_22 = arith.constant 0 : index
    %get3A_23 = tpu.vector_load %arg6[%get3A_22] {strides = array<i32>} : memref<208xf32, #tpu.memory_space<vmem>>, vector<16xf32>,
    %get3A_24 = vector.shape_cast %get3A_23 : vector<16xf32> to vector<16xf32>
    %dma_wait3A = tpu.memref_slice %arg4[%add3A_12] : memref<102400000xf32, #tpu.memory_space<hbm>> -> memref<50000xf32, #tpu.memory_space<hbm>>
    %dma_wait3A_25 = tpu.memref_slice %arg4[%add3A_12] : memref<102400000xf32, #tpu.memory_space<hbm>> -> memref<50000xf32, #tpu.memory_space<hbm>>
    tpu.wait_dma2 semaphore(%arg11 : memref<!tpu.dma_semaphore, #tpu.memory_space<semaphore_mem>>) src(%dma_wait3A_25 : memref<50000xf32, #tpu.memory_space<hbm>>) dst(%arg8 : memref<50000xf32, #tpu.memory_space<vmem>>)
    %broadcast_in_dim3A = arith.constant 0.000000e+00 : f32
    %broadcast_in_dim3A_26 = vector.broadcast %broadcast_in_dim3A : f32 to vector<16xf32>
    %scan3A = arith.constant 0 : i32
    %scan3A_27 = arith.constant 3125 : i32
    %scan3A_28 = arith.addi %scan3A, %scan3A_27 : i32
    %scan3A_29 = arith.constant 1 : i32
    %scan3A_30 = scf.for %scan3A_538 = %scan3A to %scan3A_28 step %scan3A_29 iter_args(%scan3A_539 = %broadcast_in_dim3A_26) -> (vector<16xf32>)  : i32 {
      %mul3A_540 = arith.constant 16 : i32
      %mul3A_541 = arith.muli %scan3A_538, %mul3A_540 : i32
      %get3A_542 = arith.index_cast %mul3A_541 : i32 to index
      %get3A_543 = tpu.vector_load %arg8[%get3A_542] {strides = array<i32>} : memref<50000xf32, #tpu.memory_space<vmem>>, vector<16xf32>,
      %get3A_544 = vector.shape_cast %get3A_543 : vector<16xf32> to vector<16xf32>
      %gt3A = arith.cmpf ogt, %get3A_544, %get3A_24 : vector<16xf32>
      %add3A_545 = arith.addf %get3A_8, %get3A_544 : vector<16xf32>
      %mul3A_546 = arith.mulf %get3A_544, %add3A_545 : vector<16xf32>
      %select_n3A = arith.select %gt3A, %mul3A_546, %get3A_544 : vector<16xi1>, vector<16xf32>
      %mul3A_547 = arith.constant 6.400000e+01 : f32
      %mul3A_548 = vector.broadcast %mul3A_547 : f32 to vector<16xf32>
      %mul3A_549 = arith.mulf %mul3A_548, %select_n3A : vector<16xf32>
      %exp3A = math.exp %mul3A_549 : vector<16xf32>
      %add3A_550 = arith.addf %scan3A_539, %exp3A : vector<16xf32>
      scf.yield %add3A_550 : vector<16xf32>
    }
    %scan3A_31 = arith.constant 3125 : i32
    %add3A_32 = arith.constant 1 : i32
    %add3A_33 = arith.addi %add3A_15, %add3A_32 : i32
    %mul3A_34 = arith.constant 100000 : i32
    %mul3A_35 = arith.muli %add3A_33, %mul3A_34 : i32
    %add3A_36 = arith.constant 0 : i32
    %add3A_37 = arith.addi %mul3A_35, %add3A_36 : i32
    %dma_start3A_38 = tpu.memref_slice %arg4[%add3A_37] : memref<102400000xf32, #tpu.memory_space<hbm>> -> memref<50000xf32, #tpu.memory_space<hbm>>
    %dma_start3A_39 = tpu.memref_slice %arg4[%add3A_37] : memref<102400000xf32, #tpu.memory_space<hbm>> -> memref<50000xf32, #tpu.memory_space<hbm>>
    tpu.enqueue_dma source(%dma_start3A_39 : memref<50000xf32, #tpu.memory_space<hbm>>) target(%arg8 : memref<50000xf32, #tpu.memory_space<vmem>>) target_semaphore(%arg11 : memref<!tpu.dma_semaphore, #tpu.memory_space<semaphore_mem>>)
    %dma_wait3A_40 = tpu.memref_slice %arg4[%add3A_19] : memref<102400000xf32, #tpu.memory_space<hbm>> -> memref<50000xf32, #tpu.memory_space<hbm>>
    %dma_wait3A_41 = tpu.memref_slice %arg4[%add3A_19] : memref<102400000xf32, #tpu.memory_space<hbm>> -> memref<50000xf32, #tpu.memory_space<hbm>>
    tpu.wait_dma2 semaphore(%arg12 : memref<!tpu.dma_semaphore, #tpu.memory_space<semaphore_mem>>) src(%dma_wait3A_41 : memref<50000xf32, #tpu.memory_space<hbm>>) dst(%arg9 : memref<50000xf32, #tpu.memory_space<vmem>>)
    %scan3A_42 = arith.constant 0 : i32
    %scan3A_43 = arith.constant 3125 : i32
    %scan3A_44 = arith.addi %scan3A_42, %scan3A_43 : i32
    %scan3A_45 = arith.constant 1 : i32
    %scan3A_46 = scf.for %scan3A_538 = %scan3A_42 to %scan3A_44 step %scan3A_45 iter_args(%scan3A_539 = %scan3A_30) -> (vector<16xf32>)  : i32 {
      %mul3A_540 = arith.constant 16 : i32
      %mul3A_541 = arith.muli %scan3A_538, %mul3A_540 : i32
      %get3A_542 = arith.index_cast %mul3A_541 : i32 to index
      %get3A_543 = tpu.vector_load %arg9[%get3A_542] {strides = array<i32>} : memref<50000xf32, #tpu.memory_space<vmem>>, vector<16xf32>,
      %get3A_544 = vector.shape_cast %get3A_543 : vector<16xf32> to vector<16xf32>
      %gt3A = arith.cmpf ogt, %get3A_544, %get3A_24 : vector<16xf32>
      %add3A_545 = arith.addf %get3A_8, %get3A_544 : vector<16xf32>
      %mul3A_546 = arith.mulf %get3A_544, %add3A_545 : vector<16xf32>
      %select_n3A = arith.select %gt3A, %mul3A_546, %get3A_544 : vector<16xi1>, vector<16xf32>
      %mul3A_547 = arith.constant 6.400000e+01 : f32
      %mul3A_548 = vector.broadcast %mul3A_547 : f32 to vector<16xf32>
      %mul3A_549 = arith.mulf %mul3A_548, %select_n3A : vector<16xf32>
      %exp3A = math.exp %mul3A_549 : vector<16xf32>
      %add3A_550 = arith.addf %scan3A_539, %exp3A : vector<16xf32>
      scf.yield %add3A_550 : vector<16xf32>
    }
    %scan3A_47 = arith.constant 3125 : i32
    %swap3A = arith.constant 0 : index
    %swap3A_48 = tpu.vector_load %arg10[%swap3A] {strides = array<i32>} : memref<208xf32, #tpu.memory_space<vmem>>, vector<16xf32>,
    %swap3A_49 = vector.shape_cast %swap3A_48 : vector<16xf32> to vector<16xf32>
    %swap3A_50 = vector.shape_cast %scan3A_46 : vector<16xf32> to vector<16xf32>
    tpu.vector_store %arg10[%swap3A], %swap3A_50 {strides = array<i32>} : memref<208xf32, #tpu.memory_space<vmem>>, vector<16xf32>,
    %add3A_51 = arith.constant 1 : i32
    %add3A_52 = arith.addi %add3A_4, %add3A_51 : i32
    %mul3A_53 = arith.constant 100000 : i32
    %mul3A_54 = arith.muli %add3A_52, %mul3A_53 : i32
    %add3A_55 = arith.constant 50000 : i32
    %add3A_56 = arith.addi %mul3A_54, %add3A_55 : i32
    %dma_start3A_57 = tpu.memref_slice %arg4[%add3A_56] : memref<102400000xf32, #tpu.memory_space<hbm>> -> memref<50000xf32, #tpu.memory_space<hbm>>
    %dma_start3A_58 = tpu.memref_slice %arg4[%add3A_56] : memref<102400000xf32, #tpu.memory_space<hbm>> -> memref<50000xf32, #tpu.memory_space<hbm>>
    tpu.enqueue_dma source(%dma_start3A_58 : memref<50000xf32, #tpu.memory_space<hbm>>) target(%arg9 : memref<50000xf32, #tpu.memory_space<vmem>>) target_semaphore(%arg12 : memref<!tpu.dma_semaphore, #tpu.memory_space<semaphore_mem>>)
    %get3A_59 = arith.constant 16 : index
    %get3A_60 = tpu.vector_load %arg6[%get3A_59] {strides = array<i32>} : memref<208xf32, #tpu.memory_space<vmem>>, vector<16xf32>,
    %get3A_61 = vector.shape_cast %get3A_60 : vector<16xf32> to vector<16xf32>
    %dma_wait3A_62 = tpu.memref_slice %arg4[%add3A_37] : memref<102400000xf32, #tpu.memory_space<hbm>> -> memref<50000xf32, #tpu.memory_space<hbm>>
    %dma_wait3A_63 = tpu.memref_slice %arg4[%add3A_37] : memref<102400000xf32, #tpu.memory_space<hbm>> -> memref<50000xf32, #tpu.memory_space<hbm>>
    tpu.wait_dma2 semaphore(%arg11 : memref<!tpu.dma_semaphore, #tpu.memory_space<semaphore_mem>>) src(%dma_wait3A_63 : memref<50000xf32, #tpu.memory_space<hbm>>) dst(%arg8 : memref<50000xf32, #tpu.memory_space<vmem>>)
    %broadcast_in_dim3A_64 = arith.constant 0.000000e+00 : f32
    %broadcast_in_dim3A_65 = vector.broadcast %broadcast_in_dim3A_64 : f32 to vector<16xf32>
    %scan3A_66 = arith.constant 0 : i32
    %scan3A_67 = arith.constant 3125 : i32
    %scan3A_68 = arith.addi %scan3A_66, %scan3A_67 : i32
    %scan3A_69 = arith.constant 1 : i32
    %scan3A_70 = scf.for %scan3A_538 = %scan3A_66 to %scan3A_68 step %scan3A_69 iter_args(%scan3A_539 = %broadcast_in_dim3A_65) -> (vector<16xf32>)  : i32 {
      %mul3A_540 = arith.constant 16 : i32
      %mul3A_541 = arith.muli %scan3A_538, %mul3A_540 : i32
      %get3A_542 = arith.index_cast %mul3A_541 : i32 to index
      %get3A_543 = tpu.vector_load %arg8[%get3A_542] {strides = array<i32>} : memref<50000xf32, #tpu.memory_space<vmem>>, vector<16xf32>,
      %get3A_544 = vector.shape_cast %get3A_543 : vector<16xf32> to vector<16xf32>
      %gt3A = arith.cmpf ogt, %get3A_544, %get3A_61 : vector<16xf32>
      %add3A_545 = arith.addf %get3A_8, %get3A_544 : vector<16xf32>
      %mul3A_546 = arith.mulf %get3A_544, %add3A_545 : vector<16xf32>
      %select_n3A = arith.select %gt3A, %mul3A_546, %get3A_544 : vector<16xi1>, vector<16xf32>
      %mul3A_547 = arith.constant 6.400000e+01 : f32
      %mul3A_548 = vector.broadcast %mul3A_547 : f32 to vector<16xf32>
      %mul3A_549 = arith.mulf %mul3A_548, %select_n3A : vector<16xf32>
      %exp3A = math.exp %mul3A_549 : vector<16xf32>
      %add3A_550 = arith.addf %scan3A_539, %exp3A : vector<16xf32>
      scf.yield %add3A_550 : vector<16xf32>
    }
    %scan3A_71 = arith.constant 3125 : i32
    %add3A_72 = arith.constant 1 : i32
    %add3A_73 = arith.addi %add3A_52, %add3A_72 : i32
    %mul3A_74 = arith.constant 100000 : i32
    %mul3A_75 = arith.muli %add3A_73, %mul3A_74 : i32
    %add3A_76 = arith.constant 0 : i32
    %add3A_77 = arith.addi %mul3A_75, %add3A_76 : i32
    %dma_start3A_78 = tpu.memref_slice %arg4[%add3A_77] : memref<102400000xf32, #tpu.memory_space<hbm>> -> memref<50000xf32, #tpu.memory_space<hbm>>
    %dma_start3A_79 = tpu.memref_slice %arg4[%add3A_77] : memref<102400000xf32, #tpu.memory_space<hbm>> -> memref<50000xf32, #tpu.memory_space<hbm>>
    tpu.enqueue_dma source(%dma_start3A_79 : memref<50000xf32, #tpu.memory_space<hbm>>) target(%arg8 : memref<50000xf32, #tpu.memory_space<vmem>>) target_semaphore(%arg11 : memref<!tpu.dma_semaphore, #tpu.memory_space<semaphore_mem>>)
    %dma_wait3A_80 = tpu.memref_slice %arg4[%add3A_56] : memref<102400000xf32, #tpu.memory_space<hbm>> -> memref<50000xf32, #tpu.memory_space<hbm>>
    %dma_wait3A_81 = tpu.memref_slice %arg4[%add3A_56] : memref<102400000xf32, #tpu.memory_space<hbm>> -> memref<50000xf32, #tpu.memory_space<hbm>>
    tpu.wait_dma2 semaphore(%arg12 : memref<!tpu.dma_semaphore, #tpu.memory_space<semaphore_mem>>) src(%dma_wait3A_81 : memref<50000xf32, #tpu.memory_space<hbm>>) dst(%arg9 : memref<50000xf32, #tpu.memory_space<vmem>>)
    %scan3A_82 = arith.constant 0 : i32
    %scan3A_83 = arith.constant 3125 : i32
    %scan3A_84 = arith.addi %scan3A_82, %scan3A_83 : i32
    %scan3A_85 = arith.constant 1 : i32
    %scan3A_86 = scf.for %scan3A_538 = %scan3A_82 to %scan3A_84 step %scan3A_85 iter_args(%scan3A_539 = %scan3A_70) -> (vector<16xf32>)  : i32 {
      %mul3A_540 = arith.constant 16 : i32
      %mul3A_541 = arith.muli %scan3A_538, %mul3A_540 : i32
      %get3A_542 = arith.index_cast %mul3A_541 : i32 to index
      %get3A_543 = tpu.vector_load %arg9[%get3A_542] {strides = array<i32>} : memref<50000xf32, #tpu.memory_space<vmem>>, vector<16xf32>,
      %get3A_544 = vector.shape_cast %get3A_543 : vector<16xf32> to vector<16xf32>
      %gt3A = arith.cmpf ogt, %get3A_544, %get3A_61 : vector<16xf32>
      %add3A_545 = arith.addf %get3A_8, %get3A_544 : vector<16xf32>
      %mul3A_546 = arith.mulf %get3A_544, %add3A_545 : vector<16xf32>
      %select_n3A = arith.select %gt3A, %mul3A_546, %get3A_544 : vector<16xi1>, vector<16xf32>
      %mul3A_547 = arith.constant 6.400000e+01 : f32
      %mul3A_548 = vector.broadcast %mul3A_547 : f32 to vector<16xf32>
      %mul3A_549 = arith.mulf %mul3A_548, %select_n3A : vector<16xf32>
      %exp3A = math.exp %mul3A_549 : vector<16xf32>
      %add3A_550 = arith.addf %scan3A_539, %exp3A : vector<16xf32>
      scf.yield %add3A_550 : vector<16xf32>
    }
    %scan3A_87 = arith.constant 3125 : i32
    %swap3A_88 = arith.constant 16 : index
    %swap3A_89 = tpu.vector_load %arg10[%swap3A_88] {strides = array<i32>} : memref<208xf32, #tpu.memory_space<vmem>>, vector<16xf32>,
    %swap3A_90 = vector.shape_cast %swap3A_89 : vector<16xf32> to vector<16xf32>
    %swap3A_91 = vector.shape_cast %scan3A_86 : vector<16xf32> to vector<16xf32>
    tpu.vector_store %arg10[%swap3A_88], %swap3A_91 {strides = array<i32>} : memref<208xf32, #tpu.memory_space<vmem>>, vector<16xf32>,
    %add3A_92 = arith.constant 2 : i32
    %add3A_93 = arith.addi %add3A_4, %add3A_92 : i32
    %mul3A_94 = arith.constant 100000 : i32
    %mul3A_95 = arith.muli %add3A_93, %mul3A_94 : i32
    %add3A_96 = arith.constant 50000 : i32
    %add3A_97 = arith.addi %mul3A_95, %add3A_96 : i32
    %dma_start3A_98 = tpu.memref_slice %arg4[%add3A_97] : memref<102400000xf32, #tpu.memory_space<hbm>> -> memref<50000xf32, #tpu.memory_space<hbm>>
    %dma_start3A_99 = tpu.memref_slice %arg4[%add3A_97] : memref<102400000xf32, #tpu.memory_space<hbm>> -> memref<50000xf32, #tpu.memory_space<hbm>>
    tpu.enqueue_dma source(%dma_start3A_99 : memref<50000xf32, #tpu.memory_space<hbm>>) target(%arg9 : memref<50000xf32, #tpu.memory_space<vmem>>) target_semaphore(%arg12 : memref<!tpu.dma_semaphore, #tpu.memory_space<semaphore_mem>>)
    %get3A_100 = arith.constant 32 : index
    %get3A_101 = tpu.vector_load %arg6[%get3A_100] {strides = array<i32>} : memref<208xf32, #tpu.memory_space<vmem>>, vector<16xf32>,
    %get3A_102 = vector.shape_cast %get3A_101 : vector<16xf32> to vector<16xf32>
    %dma_wait3A_103 = tpu.memref_slice %arg4[%add3A_77] : memref<102400000xf32, #tpu.memory_space<hbm>> -> memref<50000xf32, #tpu.memory_space<hbm>>
    %dma_wait3A_104 = tpu.memref_slice %arg4[%add3A_77] : memref<102400000xf32, #tpu.memory_space<hbm>> -> memref<50000xf32, #tpu.memory_space<hbm>>
    tpu.wait_dma2 semaphore(%arg11 : memref<!tpu.dma_semaphore, #tpu.memory_space<semaphore_mem>>) src(%dma_wait3A_104 : memref<50000xf32, #tpu.memory_space<hbm>>) dst(%arg8 : memref<50000xf32, #tpu.memory_space<vmem>>)
    %broadcast_in_dim3A_105 = arith.constant 0.000000e+00 : f32
    %broadcast_in_dim3A_106 = vector.broadcast %broadcast_in_dim3A_105 : f32 to vector<16xf32>
    %scan3A_107 = arith.constant 0 : i32
    %scan3A_108 = arith.constant 3125 : i32
    %scan3A_109 = arith.addi %scan3A_107, %scan3A_108 : i32
    %scan3A_110 = arith.constant 1 : i32
    %scan3A_111 = scf.for %scan3A_538 = %scan3A_107 to %scan3A_109 step %scan3A_110 iter_args(%scan3A_539 = %broadcast_in_dim3A_106) -> (vector<16xf32>)  : i32 {
      %mul3A_540 = arith.constant 16 : i32
      %mul3A_541 = arith.muli %scan3A_538, %mul3A_540 : i32
      %get3A_542 = arith.index_cast %mul3A_541 : i32 to index
      %get3A_543 = tpu.vector_load %arg8[%get3A_542] {strides = array<i32>} : memref<50000xf32, #tpu.memory_space<vmem>>, vector<16xf32>,
      %get3A_544 = vector.shape_cast %get3A_543 : vector<16xf32> to vector<16xf32>
      %gt3A = arith.cmpf ogt, %get3A_544, %get3A_102 : vector<16xf32>
      %add3A_545 = arith.addf %get3A_8, %get3A_544 : vector<16xf32>
      %mul3A_546 = arith.mulf %get3A_544, %add3A_545 : vector<16xf32>
      %select_n3A = arith.select %gt3A, %mul3A_546, %get3A_544 : vector<16xi1>, vector<16xf32>
      %mul3A_547 = arith.constant 6.400000e+01 : f32
      %mul3A_548 = vector.broadcast %mul3A_547 : f32 to vector<16xf32>
      %mul3A_549 = arith.mulf %mul3A_548, %select_n3A : vector<16xf32>
      %exp3A = math.exp %mul3A_549 : vector<16xf32>
      %add3A_550 = arith.addf %scan3A_539, %exp3A : vector<16xf32>
      scf.yield %add3A_550 : vector<16xf32>
    }
    %scan3A_112 = arith.constant 3125 : i32
    %add3A_113 = arith.constant 1 : i32
    %add3A_114 = arith.addi %add3A_93, %add3A_113 : i32
    %mul3A_115 = arith.constant 100000 : i32
    %mul3A_116 = arith.muli %add3A_114, %mul3A_115 : i32
    %add3A_117 = arith.constant 0 : i32
    %add3A_118 = arith.addi %mul3A_116, %add3A_117 : i32
    %dma_start3A_119 = tpu.memref_slice %arg4[%add3A_118] : memref<102400000xf32, #tpu.memory_space<hbm>> -> memref<50000xf32, #tpu.memory_space<hbm>>
    %dma_start3A_120 = tpu.memref_slice %arg4[%add3A_118] : memref<102400000xf32, #tpu.memory_space<hbm>> -> memref<50000xf32, #tpu.memory_space<hbm>>
    tpu.enqueue_dma source(%dma_start3A_120 : memref<50000xf32, #tpu.memory_space<hbm>>) target(%arg8 : memref<50000xf32, #tpu.memory_space<vmem>>) target_semaphore(%arg11 : memref<!tpu.dma_semaphore, #tpu.memory_space<semaphore_mem>>)
    %dma_wait3A_121 = tpu.memref_slice %arg4[%add3A_97] : memref<102400000xf32, #tpu.memory_space<hbm>> -> memref<50000xf32, #tpu.memory_space<hbm>>
    %dma_wait3A_122 = tpu.memref_slice %arg4[%add3A_97] : memref<102400000xf32, #tpu.memory_space<hbm>> -> memref<50000xf32, #tpu.memory_space<hbm>>
    tpu.wait_dma2 semaphore(%arg12 : memref<!tpu.dma_semaphore, #tpu.memory_space<semaphore_mem>>) src(%dma_wait3A_122 : memref<50000xf32, #tpu.memory_space<hbm>>) dst(%arg9 : memref<50000xf32, #tpu.memory_space<vmem>>)
    %scan3A_123 = arith.constant 0 : i32
    %scan3A_124 = arith.constant 3125 : i32
    %scan3A_125 = arith.addi %scan3A_123, %scan3A_124 : i32
    %scan3A_126 = arith.constant 1 : i32
    %scan3A_127 = scf.for %scan3A_538 = %scan3A_123 to %scan3A_125 step %scan3A_126 iter_args(%scan3A_539 = %scan3A_111) -> (vector<16xf32>)  : i32 {
      %mul3A_540 = arith.constant 16 : i32
      %mul3A_541 = arith.muli %scan3A_538, %mul3A_540 : i32
      %get3A_542 = arith.index_cast %mul3A_541 : i32 to index
      %get3A_543 = tpu.vector_load %arg9[%get3A_542] {strides = array<i32>} : memref<50000xf32, #tpu.memory_space<vmem>>, vector<16xf32>,
      %get3A_544 = vector.shape_cast %get3A_543 : vector<16xf32> to vector<16xf32>
      %gt3A = arith.cmpf ogt, %get3A_544, %get3A_102 : vector<16xf32>
      %add3A_545 = arith.addf %get3A_8, %get3A_544 : vector<16xf32>
      %mul3A_546 = arith.mulf %get3A_544, %add3A_545 : vector<16xf32>
      %select_n3A = arith.select %gt3A, %mul3A_546, %get3A_544 : vector<16xi1>, vector<16xf32>
      %mul3A_547 = arith.constant 6.400000e+01 : f32
      %mul3A_548 = vector.broadcast %mul3A_547 : f32 to vector<16xf32>
      %mul3A_549 = arith.mulf %mul3A_548, %select_n3A : vector<16xf32>
      %exp3A = math.exp %mul3A_549 : vector<16xf32>
      %add3A_550 = arith.addf %scan3A_539, %exp3A : vector<16xf32>
      scf.yield %add3A_550 : vector<16xf32>
    }
    %scan3A_128 = arith.constant 3125 : i32
    %swap3A_129 = arith.constant 32 : index
    %swap3A_130 = tpu.vector_load %arg10[%swap3A_129] {strides = array<i32>} : memref<208xf32, #tpu.memory_space<vmem>>, vector<16xf32>,
    %swap3A_131 = vector.shape_cast %swap3A_130 : vector<16xf32> to vector<16xf32>
    %swap3A_132 = vector.shape_cast %scan3A_127 : vector<16xf32> to vector<16xf32>
    tpu.vector_store %arg10[%swap3A_129], %swap3A_132 {strides = array<i32>} : memref<208xf32, #tpu.memory_space<vmem>>, vector<16xf32>,
    %add3A_133 = arith.constant 3 : i32
    %add3A_134 = arith.addi %add3A_4, %add3A_133 : i32
    %mul3A_135 = arith.constant 100000 : i32
    %mul3A_136 = arith.muli %add3A_134, %mul3A_135 : i32
    %add3A_137 = arith.constant 50000 : i32
    %add3A_138 = arith.addi %mul3A_136, %add3A_137 : i32
    %dma_start3A_139 = tpu.memref_slice %arg4[%add3A_138] : memref<102400000xf32, #tpu.memory_space<hbm>> -> memref<50000xf32, #tpu.memory_space<hbm>>
    %dma_start3A_140 = tpu.memref_slice %arg4[%add3A_138] : memref<102400000xf32, #tpu.memory_space<hbm>> -> memref<50000xf32, #tpu.memory_space<hbm>>
    tpu.enqueue_dma source(%dma_start3A_140 : memref<50000xf32, #tpu.memory_space<hbm>>) target(%arg9 : memref<50000xf32, #tpu.memory_space<vmem>>) target_semaphore(%arg12 : memref<!tpu.dma_semaphore, #tpu.memory_space<semaphore_mem>>)
    %get3A_141 = arith.constant 48 : index
    %get3A_142 = tpu.vector_load %arg6[%get3A_141] {strides = array<i32>} : memref<208xf32, #tpu.memory_space<vmem>>, vector<16xf32>,
    %get3A_143 = vector.shape_cast %get3A_142 : vector<16xf32> to vector<16xf32>
    %dma_wait3A_144 = tpu.memref_slice %arg4[%add3A_118] : memref<102400000xf32, #tpu.memory_space<hbm>> -> memref<50000xf32, #tpu.memory_space<hbm>>
    %dma_wait3A_145 = tpu.memref_slice %arg4[%add3A_118] : memref<102400000xf32, #tpu.memory_space<hbm>> -> memref<50000xf32, #tpu.memory_space<hbm>>
    tpu.wait_dma2 semaphore(%arg11 : memref<!tpu.dma_semaphore, #tpu.memory_space<semaphore_mem>>) src(%dma_wait3A_145 : memref<50000xf32, #tpu.memory_space<hbm>>) dst(%arg8 : memref<50000xf32, #tpu.memory_space<vmem>>)
    %broadcast_in_dim3A_146 = arith.constant 0.000000e+00 : f32
    %broadcast_in_dim3A_147 = vector.broadcast %broadcast_in_dim3A_146 : f32 to vector<16xf32>
    %scan3A_148 = arith.constant 0 : i32
    %scan3A_149 = arith.constant 3125 : i32
    %scan3A_150 = arith.addi %scan3A_148, %scan3A_149 : i32
    %scan3A_151 = arith.constant 1 : i32
    %scan3A_152 = scf.for %scan3A_538 = %scan3A_148 to %scan3A_150 step %scan3A_151 iter_args(%scan3A_539 = %broadcast_in_dim3A_147) -> (vector<16xf32>)  : i32 {
      %mul3A_540 = arith.constant 16 : i32
      %mul3A_541 = arith.muli %scan3A_538, %mul3A_540 : i32
      %get3A_542 = arith.index_cast %mul3A_541 : i32 to index
      %get3A_543 = tpu.vector_load %arg8[%get3A_542] {strides = array<i32>} : memref<50000xf32, #tpu.memory_space<vmem>>, vector<16xf32>,
      %get3A_544 = vector.shape_cast %get3A_543 : vector<16xf32> to vector<16xf32>
      %gt3A = arith.cmpf ogt, %get3A_544, %get3A_143 : vector<16xf32>
      %add3A_545 = arith.addf %get3A_8, %get3A_544 : vector<16xf32>
      %mul3A_546 = arith.mulf %get3A_544, %add3A_545 : vector<16xf32>
      %select_n3A = arith.select %gt3A, %mul3A_546, %get3A_544 : vector<16xi1>, vector<16xf32>
      %mul3A_547 = arith.constant 6.400000e+01 : f32
      %mul3A_548 = vector.broadcast %mul3A_547 : f32 to vector<16xf32>
      %mul3A_549 = arith.mulf %mul3A_548, %select_n3A : vector<16xf32>
      %exp3A = math.exp %mul3A_549 : vector<16xf32>
      %add3A_550 = arith.addf %scan3A_539, %exp3A : vector<16xf32>
      scf.yield %add3A_550 : vector<16xf32>
    }
    %scan3A_153 = arith.constant 3125 : i32
    %add3A_154 = arith.constant 1 : i32
    %add3A_155 = arith.addi %add3A_134, %add3A_154 : i32
    %mul3A_156 = arith.constant 100000 : i32
    %mul3A_157 = arith.muli %add3A_155, %mul3A_156 : i32
    %add3A_158 = arith.constant 0 : i32
    %add3A_159 = arith.addi %mul3A_157, %add3A_158 : i32
    %dma_start3A_160 = tpu.memref_slice %arg4[%add3A_159] : memref<102400000xf32, #tpu.memory_space<hbm>> -> memref<50000xf32, #tpu.memory_space<hbm>>
    %dma_start3A_161 = tpu.memref_slice %arg4[%add3A_159] : memref<102400000xf32, #tpu.memory_space<hbm>> -> memref<50000xf32, #tpu.memory_space<hbm>>
    tpu.enqueue_dma source(%dma_start3A_161 : memref<50000xf32, #tpu.memory_space<hbm>>) target(%arg8 : memref<50000xf32, #tpu.memory_space<vmem>>) target_semaphore(%arg11 : memref<!tpu.dma_semaphore, #tpu.memory_space<semaphore_mem>>)
    %dma_wait3A_162 = tpu.memref_slice %arg4[%add3A_138] : memref<102400000xf32, #tpu.memory_space<hbm>> -> memref<50000xf32, #tpu.memory_space<hbm>>
    %dma_wait3A_163 = tpu.memref_slice %arg4[%add3A_138] : memref<102400000xf32, #tpu.memory_space<hbm>> -> memref<50000xf32, #tpu.memory_space<hbm>>
    tpu.wait_dma2 semaphore(%arg12 : memref<!tpu.dma_semaphore, #tpu.memory_space<semaphore_mem>>) src(%dma_wait3A_163 : memref<50000xf32, #tpu.memory_space<hbm>>) dst(%arg9 : memref<50000xf32, #tpu.memory_space<vmem>>)
    %scan3A_164 = arith.constant 0 : i32
    %scan3A_165 = arith.constant 3125 : i32
    %scan3A_166 = arith.addi %scan3A_164, %scan3A_165 : i32
    %scan3A_167 = arith.constant 1 : i32
    %scan3A_168 = scf.for %scan3A_538 = %scan3A_164 to %scan3A_166 step %scan3A_167 iter_args(%scan3A_539 = %scan3A_152) -> (vector<16xf32>)  : i32 {
      %mul3A_540 = arith.constant 16 : i32
      %mul3A_541 = arith.muli %scan3A_538, %mul3A_540 : i32
      %get3A_542 = arith.index_cast %mul3A_541 : i32 to index
      %get3A_543 = tpu.vector_load %arg9[%get3A_542] {strides = array<i32>} : memref<50000xf32, #tpu.memory_space<vmem>>, vector<16xf32>,
      %get3A_544 = vector.shape_cast %get3A_543 : vector<16xf32> to vector<16xf32>
      %gt3A = arith.cmpf ogt, %get3A_544, %get3A_143 : vector<16xf32>
      %add3A_545 = arith.addf %get3A_8, %get3A_544 : vector<16xf32>
      %mul3A_546 = arith.mulf %get3A_544, %add3A_545 : vector<16xf32>
      %select_n3A = arith.select %gt3A, %mul3A_546, %get3A_544 : vector<16xi1>, vector<16xf32>
      %mul3A_547 = arith.constant 6.400000e+01 : f32
      %mul3A_548 = vector.broadcast %mul3A_547 : f32 to vector<16xf32>
      %mul3A_549 = arith.mulf %mul3A_548, %select_n3A : vector<16xf32>
      %exp3A = math.exp %mul3A_549 : vector<16xf32>
      %add3A_550 = arith.addf %scan3A_539, %exp3A : vector<16xf32>
      scf.yield %add3A_550 : vector<16xf32>
    }
    %scan3A_169 = arith.constant 3125 : i32
    %swap3A_170 = arith.constant 48 : index
    %swap3A_171 = tpu.vector_load %arg10[%swap3A_170] {strides = array<i32>} : memref<208xf32, #tpu.memory_space<vmem>>, vector<16xf32>,
    %swap3A_172 = vector.shape_cast %swap3A_171 : vector<16xf32> to vector<16xf32>
    %swap3A_173 = vector.shape_cast %scan3A_168 : vector<16xf32> to vector<16xf32>
    tpu.vector_store %arg10[%swap3A_170], %swap3A_173 {strides = array<i32>} : memref<208xf32, #tpu.memory_space<vmem>>, vector<16xf32>,
    %add3A_174 = arith.constant 4 : i32
    %add3A_175 = arith.addi %add3A_4, %add3A_174 : i32
    %mul3A_176 = arith.constant 100000 : i32
    %mul3A_177 = arith.muli %add3A_175, %mul3A_176 : i32
    %add3A_178 = arith.constant 50000 : i32
    %add3A_179 = arith.addi %mul3A_177, %add3A_178 : i32
    %dma_start3A_180 = tpu.memref_slice %arg4[%add3A_179] : memref<102400000xf32, #tpu.memory_space<hbm>> -> memref<50000xf32, #tpu.memory_space<hbm>>
    %dma_start3A_181 = tpu.memref_slice %arg4[%add3A_179] : memref<102400000xf32, #tpu.memory_space<hbm>> -> memref<50000xf32, #tpu.memory_space<hbm>>
    tpu.enqueue_dma source(%dma_start3A_181 : memref<50000xf32, #tpu.memory_space<hbm>>) target(%arg9 : memref<50000xf32, #tpu.memory_space<vmem>>) target_semaphore(%arg12 : memref<!tpu.dma_semaphore, #tpu.memory_space<semaphore_mem>>)
    %get3A_182 = arith.constant 64 : index
    %get3A_183 = tpu.vector_load %arg6[%get3A_182] {strides = array<i32>} : memref<208xf32, #tpu.memory_space<vmem>>, vector<16xf32>,
    %get3A_184 = vector.shape_cast %get3A_183 : vector<16xf32> to vector<16xf32>
    %dma_wait3A_185 = tpu.memref_slice %arg4[%add3A_159] : memref<102400000xf32, #tpu.memory_space<hbm>> -> memref<50000xf32, #tpu.memory_space<hbm>>
    %dma_wait3A_186 = tpu.memref_slice %arg4[%add3A_159] : memref<102400000xf32, #tpu.memory_space<hbm>> -> memref<50000xf32, #tpu.memory_space<hbm>>
    tpu.wait_dma2 semaphore(%arg11 : memref<!tpu.dma_semaphore, #tpu.memory_space<semaphore_mem>>) src(%dma_wait3A_186 : memref<50000xf32, #tpu.memory_space<hbm>>) dst(%arg8 : memref<50000xf32, #tpu.memory_space<vmem>>)
    %broadcast_in_dim3A_187 = arith.constant 0.000000e+00 : f32
    %broadcast_in_dim3A_188 = vector.broadcast %broadcast_in_dim3A_187 : f32 to vector<16xf32>
    %scan3A_189 = arith.constant 0 : i32
    %scan3A_190 = arith.constant 3125 : i32
    %scan3A_191 = arith.addi %scan3A_189, %scan3A_190 : i32
    %scan3A_192 = arith.constant 1 : i32
    %scan3A_193 = scf.for %scan3A_538 = %scan3A_189 to %scan3A_191 step %scan3A_192 iter_args(%scan3A_539 = %broadcast_in_dim3A_188) -> (vector<16xf32>)  : i32 {
      %mul3A_540 = arith.constant 16 : i32
      %mul3A_541 = arith.muli %scan3A_538, %mul3A_540 : i32
      %get3A_542 = arith.index_cast %mul3A_541 : i32 to index
      %get3A_543 = tpu.vector_load %arg8[%get3A_542] {strides = array<i32>} : memref<50000xf32, #tpu.memory_space<vmem>>, vector<16xf32>,
      %get3A_544 = vector.shape_cast %get3A_543 : vector<16xf32> to vector<16xf32>
      %gt3A = arith.cmpf ogt, %get3A_544, %get3A_184 : vector<16xf32>
      %add3A_545 = arith.addf %get3A_8, %get3A_544 : vector<16xf32>
      %mul3A_546 = arith.mulf %get3A_544, %add3A_545 : vector<16xf32>
      %select_n3A = arith.select %gt3A, %mul3A_546, %get3A_544 : vector<16xi1>, vector<16xf32>
      %mul3A_547 = arith.constant 6.400000e+01 : f32
      %mul3A_548 = vector.broadcast %mul3A_547 : f32 to vector<16xf32>
      %mul3A_549 = arith.mulf %mul3A_548, %select_n3A : vector<16xf32>
      %exp3A = math.exp %mul3A_549 : vector<16xf32>
      %add3A_550 = arith.addf %scan3A_539, %exp3A : vector<16xf32>
      scf.yield %add3A_550 : vector<16xf32>
    }
    %scan3A_194 = arith.constant 3125 : i32
    %add3A_195 = arith.constant 1 : i32
    %add3A_196 = arith.addi %add3A_175, %add3A_195 : i32
    %mul3A_197 = arith.constant 100000 : i32
    %mul3A_198 = arith.muli %add3A_196, %mul3A_197 : i32
    %add3A_199 = arith.constant 0 : i32
    %add3A_200 = arith.addi %mul3A_198, %add3A_199 : i32
    %dma_start3A_201 = tpu.memref_slice %arg4[%add3A_200] : memref<102400000xf32, #tpu.memory_space<hbm>> -> memref<50000xf32, #tpu.memory_space<hbm>>
    %dma_start3A_202 = tpu.memref_slice %arg4[%add3A_200] : memref<102400000xf32, #tpu.memory_space<hbm>> -> memref<50000xf32, #tpu.memory_space<hbm>>
    tpu.enqueue_dma source(%dma_start3A_202 : memref<50000xf32, #tpu.memory_space<hbm>>) target(%arg8 : memref<50000xf32, #tpu.memory_space<vmem>>) target_semaphore(%arg11 : memref<!tpu.dma_semaphore, #tpu.memory_space<semaphore_mem>>)
    %dma_wait3A_203 = tpu.memref_slice %arg4[%add3A_179] : memref<102400000xf32, #tpu.memory_space<hbm>> -> memref<50000xf32, #tpu.memory_space<hbm>>
    %dma_wait3A_204 = tpu.memref_slice %arg4[%add3A_179] : memref<102400000xf32, #tpu.memory_space<hbm>> -> memref<50000xf32, #tpu.memory_space<hbm>>
    tpu.wait_dma2 semaphore(%arg12 : memref<!tpu.dma_semaphore, #tpu.memory_space<semaphore_mem>>) src(%dma_wait3A_204 : memref<50000xf32, #tpu.memory_space<hbm>>) dst(%arg9 : memref<50000xf32, #tpu.memory_space<vmem>>)
    %scan3A_205 = arith.constant 0 : i32
    %scan3A_206 = arith.constant 3125 : i32
    %scan3A_207 = arith.addi %scan3A_205, %scan3A_206 : i32
    %scan3A_208 = arith.constant 1 : i32
    %scan3A_209 = scf.for %scan3A_538 = %scan3A_205 to %scan3A_207 step %scan3A_208 iter_args(%scan3A_539 = %scan3A_193) -> (vector<16xf32>)  : i32 {
      %mul3A_540 = arith.constant 16 : i32
      %mul3A_541 = arith.muli %scan3A_538, %mul3A_540 : i32
      %get3A_542 = arith.index_cast %mul3A_541 : i32 to index
      %get3A_543 = tpu.vector_load %arg9[%get3A_542] {strides = array<i32>} : memref<50000xf32, #tpu.memory_space<vmem>>, vector<16xf32>,
      %get3A_544 = vector.shape_cast %get3A_543 : vector<16xf32> to vector<16xf32>
      %gt3A = arith.cmpf ogt, %get3A_544, %get3A_184 : vector<16xf32>
      %add3A_545 = arith.addf %get3A_8, %get3A_544 : vector<16xf32>
      %mul3A_546 = arith.mulf %get3A_544, %add3A_545 : vector<16xf32>
      %select_n3A = arith.select %gt3A, %mul3A_546, %get3A_544 : vector<16xi1>, vector<16xf32>
      %mul3A_547 = arith.constant 6.400000e+01 : f32
      %mul3A_548 = vector.broadcast %mul3A_547 : f32 to vector<16xf32>
      %mul3A_549 = arith.mulf %mul3A_548, %select_n3A : vector<16xf32>
      %exp3A = math.exp %mul3A_549 : vector<16xf32>
      %add3A_550 = arith.addf %scan3A_539, %exp3A : vector<16xf32>
      scf.yield %add3A_550 : vector<16xf32>
    }
    %scan3A_210 = arith.constant 3125 : i32
    %swap3A_211 = arith.constant 64 : index
    %swap3A_212 = tpu.vector_load %arg10[%swap3A_211] {strides = array<i32>} : memref<208xf32, #tpu.memory_space<vmem>>, vector<16xf32>,
    %swap3A_213 = vector.shape_cast %swap3A_212 : vector<16xf32> to vector<16xf32>
    %swap3A_214 = vector.shape_cast %scan3A_209 : vector<16xf32> to vector<16xf32>
    tpu.vector_store %arg10[%swap3A_211], %swap3A_214 {strides = array<i32>} : memref<208xf32, #tpu.memory_space<vmem>>, vector<16xf32>,
    %add3A_215 = arith.constant 5 : i32
    %add3A_216 = arith.addi %add3A_4, %add3A_215 : i32
    %mul3A_217 = arith.constant 100000 : i32
    %mul3A_218 = arith.muli %add3A_216, %mul3A_217 : i32
    %add3A_219 = arith.constant 50000 : i32
    %add3A_220 = arith.addi %mul3A_218, %add3A_219 : i32
    %dma_start3A_221 = tpu.memref_slice %arg4[%add3A_220] : memref<102400000xf32, #tpu.memory_space<hbm>> -> memref<50000xf32, #tpu.memory_space<hbm>>
    %dma_start3A_222 = tpu.memref_slice %arg4[%add3A_220] : memref<102400000xf32, #tpu.memory_space<hbm>> -> memref<50000xf32, #tpu.memory_space<hbm>>
    tpu.enqueue_dma source(%dma_start3A_222 : memref<50000xf32, #tpu.memory_space<hbm>>) target(%arg9 : memref<50000xf32, #tpu.memory_space<vmem>>) target_semaphore(%arg12 : memref<!tpu.dma_semaphore, #tpu.memory_space<semaphore_mem>>)
    %get3A_223 = arith.constant 80 : index
    %get3A_224 = tpu.vector_load %arg6[%get3A_223] {strides = array<i32>} : memref<208xf32, #tpu.memory_space<vmem>>, vector<16xf32>,
    %get3A_225 = vector.shape_cast %get3A_224 : vector<16xf32> to vector<16xf32>
    %dma_wait3A_226 = tpu.memref_slice %arg4[%add3A_200] : memref<102400000xf32, #tpu.memory_space<hbm>> -> memref<50000xf32, #tpu.memory_space<hbm>>
    %dma_wait3A_227 = tpu.memref_slice %arg4[%add3A_200] : memref<102400000xf32, #tpu.memory_space<hbm>> -> memref<50000xf32, #tpu.memory_space<hbm>>
    tpu.wait_dma2 semaphore(%arg11 : memref<!tpu.dma_semaphore, #tpu.memory_space<semaphore_mem>>) src(%dma_wait3A_227 : memref<50000xf32, #tpu.memory_space<hbm>>) dst(%arg8 : memref<50000xf32, #tpu.memory_space<vmem>>)
    %broadcast_in_dim3A_228 = arith.constant 0.000000e+00 : f32
    %broadcast_in_dim3A_229 = vector.broadcast %broadcast_in_dim3A_228 : f32 to vector<16xf32>
    %scan3A_230 = arith.constant 0 : i32
    %scan3A_231 = arith.constant 3125 : i32
    %scan3A_232 = arith.addi %scan3A_230, %scan3A_231 : i32
    %scan3A_233 = arith.constant 1 : i32
    %scan3A_234 = scf.for %scan3A_538 = %scan3A_230 to %scan3A_232 step %scan3A_233 iter_args(%scan3A_539 = %broadcast_in_dim3A_229) -> (vector<16xf32>)  : i32 {
      %mul3A_540 = arith.constant 16 : i32
      %mul3A_541 = arith.muli %scan3A_538, %mul3A_540 : i32
      %get3A_542 = arith.index_cast %mul3A_541 : i32 to index
      %get3A_543 = tpu.vector_load %arg8[%get3A_542] {strides = array<i32>} : memref<50000xf32, #tpu.memory_space<vmem>>, vector<16xf32>,
      %get3A_544 = vector.shape_cast %get3A_543 : vector<16xf32> to vector<16xf32>
      %gt3A = arith.cmpf ogt, %get3A_544, %get3A_225 : vector<16xf32>
      %add3A_545 = arith.addf %get3A_8, %get3A_544 : vector<16xf32>
      %mul3A_546 = arith.mulf %get3A_544, %add3A_545 : vector<16xf32>
      %select_n3A = arith.select %gt3A, %mul3A_546, %get3A_544 : vector<16xi1>, vector<16xf32>
      %mul3A_547 = arith.constant 6.400000e+01 : f32
      %mul3A_548 = vector.broadcast %mul3A_547 : f32 to vector<16xf32>
      %mul3A_549 = arith.mulf %mul3A_548, %select_n3A : vector<16xf32>
      %exp3A = math.exp %mul3A_549 : vector<16xf32>
      %add3A_550 = arith.addf %scan3A_539, %exp3A : vector<16xf32>
      scf.yield %add3A_550 : vector<16xf32>
    }
    %scan3A_235 = arith.constant 3125 : i32
    %add3A_236 = arith.constant 1 : i32
    %add3A_237 = arith.addi %add3A_216, %add3A_236 : i32
    %mul3A_238 = arith.constant 100000 : i32
    %mul3A_239 = arith.muli %add3A_237, %mul3A_238 : i32
    %add3A_240 = arith.constant 0 : i32
    %add3A_241 = arith.addi %mul3A_239, %add3A_240 : i32
    %dma_start3A_242 = tpu.memref_slice %arg4[%add3A_241] : memref<102400000xf32, #tpu.memory_space<hbm>> -> memref<50000xf32, #tpu.memory_space<hbm>>
    %dma_start3A_243 = tpu.memref_slice %arg4[%add3A_241] : memref<102400000xf32, #tpu.memory_space<hbm>> -> memref<50000xf32, #tpu.memory_space<hbm>>
    tpu.enqueue_dma source(%dma_start3A_243 : memref<50000xf32, #tpu.memory_space<hbm>>) target(%arg8 : memref<50000xf32, #tpu.memory_space<vmem>>) target_semaphore(%arg11 : memref<!tpu.dma_semaphore, #tpu.memory_space<semaphore_mem>>)
    %dma_wait3A_244 = tpu.memref_slice %arg4[%add3A_220] : memref<102400000xf32, #tpu.memory_space<hbm>> -> memref<50000xf32, #tpu.memory_space<hbm>>
    %dma_wait3A_245 = tpu.memref_slice %arg4[%add3A_220] : memref<102400000xf32, #tpu.memory_space<hbm>> -> memref<50000xf32, #tpu.memory_space<hbm>>
    tpu.wait_dma2 semaphore(%arg12 : memref<!tpu.dma_semaphore, #tpu.memory_space<semaphore_mem>>) src(%dma_wait3A_245 : memref<50000xf32, #tpu.memory_space<hbm>>) dst(%arg9 : memref<50000xf32, #tpu.memory_space<vmem>>)
    %scan3A_246 = arith.constant 0 : i32
    %scan3A_247 = arith.constant 3125 : i32
    %scan3A_248 = arith.addi %scan3A_246, %scan3A_247 : i32
    %scan3A_249 = arith.constant 1 : i32
    %scan3A_250 = scf.for %scan3A_538 = %scan3A_246 to %scan3A_248 step %scan3A_249 iter_args(%scan3A_539 = %scan3A_234) -> (vector<16xf32>)  : i32 {
      %mul3A_540 = arith.constant 16 : i32
      %mul3A_541 = arith.muli %scan3A_538, %mul3A_540 : i32
      %get3A_542 = arith.index_cast %mul3A_541 : i32 to index
      %get3A_543 = tpu.vector_load %arg9[%get3A_542] {strides = array<i32>} : memref<50000xf32, #tpu.memory_space<vmem>>, vector<16xf32>,
      %get3A_544 = vector.shape_cast %get3A_543 : vector<16xf32> to vector<16xf32>
      %gt3A = arith.cmpf ogt, %get3A_544, %get3A_225 : vector<16xf32>
      %add3A_545 = arith.addf %get3A_8, %get3A_544 : vector<16xf32>
      %mul3A_546 = arith.mulf %get3A_544, %add3A_545 : vector<16xf32>
      %select_n3A = arith.select %gt3A, %mul3A_546, %get3A_544 : vector<16xi1>, vector<16xf32>
      %mul3A_547 = arith.constant 6.400000e+01 : f32
      %mul3A_548 = vector.broadcast %mul3A_547 : f32 to vector<16xf32>
      %mul3A_549 = arith.mulf %mul3A_548, %select_n3A : vector<16xf32>
      %exp3A = math.exp %mul3A_549 : vector<16xf32>
      %add3A_550 = arith.addf %scan3A_539, %exp3A : vector<16xf32>
      scf.yield %add3A_550 : vector<16xf32>
    }
    %scan3A_251 = arith.constant 3125 : i32
    %swap3A_252 = arith.constant 80 : index
    %swap3A_253 = tpu.vector_load %arg10[%swap3A_252] {strides = array<i32>} : memref<208xf32, #tpu.memory_space<vmem>>, vector<16xf32>,
    %swap3A_254 = vector.shape_cast %swap3A_253 : vector<16xf32> to vector<16xf32>
    %swap3A_255 = vector.shape_cast %scan3A_250 : vector<16xf32> to vector<16xf32>
    tpu.vector_store %arg10[%swap3A_252], %swap3A_255 {strides = array<i32>} : memref<208xf32, #tpu.memory_space<vmem>>, vector<16xf32>,
    %add3A_256 = arith.constant 6 : i32
    %add3A_257 = arith.addi %add3A_4, %add3A_256 : i32
    %mul3A_258 = arith.constant 100000 : i32
    %mul3A_259 = arith.muli %add3A_257, %mul3A_258 : i32
    %add3A_260 = arith.constant 50000 : i32
    %add3A_261 = arith.addi %mul3A_259, %add3A_260 : i32
    %dma_start3A_262 = tpu.memref_slice %arg4[%add3A_261] : memref<102400000xf32, #tpu.memory_space<hbm>> -> memref<50000xf32, #tpu.memory_space<hbm>>
    %dma_start3A_263 = tpu.memref_slice %arg4[%add3A_261] : memref<102400000xf32, #tpu.memory_space<hbm>> -> memref<50000xf32, #tpu.memory_space<hbm>>
    tpu.enqueue_dma source(%dma_start3A_263 : memref<50000xf32, #tpu.memory_space<hbm>>) target(%arg9 : memref<50000xf32, #tpu.memory_space<vmem>>) target_semaphore(%arg12 : memref<!tpu.dma_semaphore, #tpu.memory_space<semaphore_mem>>)
    %get3A_264 = arith.constant 96 : index
    %get3A_265 = tpu.vector_load %arg6[%get3A_264] {strides = array<i32>} : memref<208xf32, #tpu.memory_space<vmem>>, vector<16xf32>,
    %get3A_266 = vector.shape_cast %get3A_265 : vector<16xf32> to vector<16xf32>
    %dma_wait3A_267 = tpu.memref_slice %arg4[%add3A_241] : memref<102400000xf32, #tpu.memory_space<hbm>> -> memref<50000xf32, #tpu.memory_space<hbm>>
    %dma_wait3A_268 = tpu.memref_slice %arg4[%add3A_241] : memref<102400000xf32, #tpu.memory_space<hbm>> -> memref<50000xf32, #tpu.memory_space<hbm>>
    tpu.wait_dma2 semaphore(%arg11 : memref<!tpu.dma_semaphore, #tpu.memory_space<semaphore_mem>>) src(%dma_wait3A_268 : memref<50000xf32, #tpu.memory_space<hbm>>) dst(%arg8 : memref<50000xf32, #tpu.memory_space<vmem>>)
    %broadcast_in_dim3A_269 = arith.constant 0.000000e+00 : f32
    %broadcast_in_dim3A_270 = vector.broadcast %broadcast_in_dim3A_269 : f32 to vector<16xf32>
    %scan3A_271 = arith.constant 0 : i32
    %scan3A_272 = arith.constant 3125 : i32
    %scan3A_273 = arith.addi %scan3A_271, %scan3A_272 : i32
    %scan3A_274 = arith.constant 1 : i32
    %scan3A_275 = scf.for %scan3A_538 = %scan3A_271 to %scan3A_273 step %scan3A_274 iter_args(%scan3A_539 = %broadcast_in_dim3A_270) -> (vector<16xf32>)  : i32 {
      %mul3A_540 = arith.constant 16 : i32
      %mul3A_541 = arith.muli %scan3A_538, %mul3A_540 : i32
      %get3A_542 = arith.index_cast %mul3A_541 : i32 to index
      %get3A_543 = tpu.vector_load %arg8[%get3A_542] {strides = array<i32>} : memref<50000xf32, #tpu.memory_space<vmem>>, vector<16xf32>,
      %get3A_544 = vector.shape_cast %get3A_543 : vector<16xf32> to vector<16xf32>
      %gt3A = arith.cmpf ogt, %get3A_544, %get3A_266 : vector<16xf32>
      %add3A_545 = arith.addf %get3A_8, %get3A_544 : vector<16xf32>
      %mul3A_546 = arith.mulf %get3A_544, %add3A_545 : vector<16xf32>
      %select_n3A = arith.select %gt3A, %mul3A_546, %get3A_544 : vector<16xi1>, vector<16xf32>
      %mul3A_547 = arith.constant 6.400000e+01 : f32
      %mul3A_548 = vector.broadcast %mul3A_547 : f32 to vector<16xf32>
      %mul3A_549 = arith.mulf %mul3A_548, %select_n3A : vector<16xf32>
      %exp3A = math.exp %mul3A_549 : vector<16xf32>
      %add3A_550 = arith.addf %scan3A_539, %exp3A : vector<16xf32>
      scf.yield %add3A_550 : vector<16xf32>
    }
    %scan3A_276 = arith.constant 3125 : i32
    %add3A_277 = arith.constant 1 : i32
    %add3A_278 = arith.addi %add3A_257, %add3A_277 : i32
    %mul3A_279 = arith.constant 100000 : i32
    %mul3A_280 = arith.muli %add3A_278, %mul3A_279 : i32
    %add3A_281 = arith.constant 0 : i32
    %add3A_282 = arith.addi %mul3A_280, %add3A_281 : i32
    %dma_start3A_283 = tpu.memref_slice %arg4[%add3A_282] : memref<102400000xf32, #tpu.memory_space<hbm>> -> memref<50000xf32, #tpu.memory_space<hbm>>
    %dma_start3A_284 = tpu.memref_slice %arg4[%add3A_282] : memref<102400000xf32, #tpu.memory_space<hbm>> -> memref<50000xf32, #tpu.memory_space<hbm>>
    tpu.enqueue_dma source(%dma_start3A_284 : memref<50000xf32, #tpu.memory_space<hbm>>) target(%arg8 : memref<50000xf32, #tpu.memory_space<vmem>>) target_semaphore(%arg11 : memref<!tpu.dma_semaphore, #tpu.memory_space<semaphore_mem>>)
    %dma_wait3A_285 = tpu.memref_slice %arg4[%add3A_261] : memref<102400000xf32, #tpu.memory_space<hbm>> -> memref<50000xf32, #tpu.memory_space<hbm>>
    %dma_wait3A_286 = tpu.memref_slice %arg4[%add3A_261] : memref<102400000xf32, #tpu.memory_space<hbm>> -> memref<50000xf32, #tpu.memory_space<hbm>>
    tpu.wait_dma2 semaphore(%arg12 : memref<!tpu.dma_semaphore, #tpu.memory_space<semaphore_mem>>) src(%dma_wait3A_286 : memref<50000xf32, #tpu.memory_space<hbm>>) dst(%arg9 : memref<50000xf32, #tpu.memory_space<vmem>>)
    %scan3A_287 = arith.constant 0 : i32
    %scan3A_288 = arith.constant 3125 : i32
    %scan3A_289 = arith.addi %scan3A_287, %scan3A_288 : i32
    %scan3A_290 = arith.constant 1 : i32
    %scan3A_291 = scf.for %scan3A_538 = %scan3A_287 to %scan3A_289 step %scan3A_290 iter_args(%scan3A_539 = %scan3A_275) -> (vector<16xf32>)  : i32 {
      %mul3A_540 = arith.constant 16 : i32
      %mul3A_541 = arith.muli %scan3A_538, %mul3A_540 : i32
      %get3A_542 = arith.index_cast %mul3A_541 : i32 to index
      %get3A_543 = tpu.vector_load %arg9[%get3A_542] {strides = array<i32>} : memref<50000xf32, #tpu.memory_space<vmem>>, vector<16xf32>,
      %get3A_544 = vector.shape_cast %get3A_543 : vector<16xf32> to vector<16xf32>
      %gt3A = arith.cmpf ogt, %get3A_544, %get3A_266 : vector<16xf32>
      %add3A_545 = arith.addf %get3A_8, %get3A_544 : vector<16xf32>
      %mul3A_546 = arith.mulf %get3A_544, %add3A_545 : vector<16xf32>
      %select_n3A = arith.select %gt3A, %mul3A_546, %get3A_544 : vector<16xi1>, vector<16xf32>
      %mul3A_547 = arith.constant 6.400000e+01 : f32
      %mul3A_548 = vector.broadcast %mul3A_547 : f32 to vector<16xf32>
      %mul3A_549 = arith.mulf %mul3A_548, %select_n3A : vector<16xf32>
      %exp3A = math.exp %mul3A_549 : vector<16xf32>
      %add3A_550 = arith.addf %scan3A_539, %exp3A : vector<16xf32>
      scf.yield %add3A_550 : vector<16xf32>
    }
    %scan3A_292 = arith.constant 3125 : i32
    %swap3A_293 = arith.constant 96 : index
    %swap3A_294 = tpu.vector_load %arg10[%swap3A_293] {strides = array<i32>} : memref<208xf32, #tpu.memory_space<vmem>>, vector<16xf32>,
    %swap3A_295 = vector.shape_cast %swap3A_294 : vector<16xf32> to vector<16xf32>
    %swap3A_296 = vector.shape_cast %scan3A_291 : vector<16xf32> to vector<16xf32>
    tpu.vector_store %arg10[%swap3A_293], %swap3A_296 {strides = array<i32>} : memref<208xf32, #tpu.memory_space<vmem>>, vector<16xf32>,
    %add3A_297 = arith.constant 7 : i32
    %add3A_298 = arith.addi %add3A_4, %add3A_297 : i32
    %mul3A_299 = arith.constant 100000 : i32
    %mul3A_300 = arith.muli %add3A_298, %mul3A_299 : i32
    %add3A_301 = arith.constant 50000 : i32
    %add3A_302 = arith.addi %mul3A_300, %add3A_301 : i32
    %dma_start3A_303 = tpu.memref_slice %arg4[%add3A_302] : memref<102400000xf32, #tpu.memory_space<hbm>> -> memref<50000xf32, #tpu.memory_space<hbm>>
    %dma_start3A_304 = tpu.memref_slice %arg4[%add3A_302] : memref<102400000xf32, #tpu.memory_space<hbm>> -> memref<50000xf32, #tpu.memory_space<hbm>>
    tpu.enqueue_dma source(%dma_start3A_304 : memref<50000xf32, #tpu.memory_space<hbm>>) target(%arg9 : memref<50000xf32, #tpu.memory_space<vmem>>) target_semaphore(%arg12 : memref<!tpu.dma_semaphore, #tpu.memory_space<semaphore_mem>>)
    %get3A_305 = arith.constant 112 : index
    %get3A_306 = tpu.vector_load %arg6[%get3A_305] {strides = array<i32>} : memref<208xf32, #tpu.memory_space<vmem>>, vector<16xf32>,
    %get3A_307 = vector.shape_cast %get3A_306 : vector<16xf32> to vector<16xf32>
    %dma_wait3A_308 = tpu.memref_slice %arg4[%add3A_282] : memref<102400000xf32, #tpu.memory_space<hbm>> -> memref<50000xf32, #tpu.memory_space<hbm>>
    %dma_wait3A_309 = tpu.memref_slice %arg4[%add3A_282] : memref<102400000xf32, #tpu.memory_space<hbm>> -> memref<50000xf32, #tpu.memory_space<hbm>>
    tpu.wait_dma2 semaphore(%arg11 : memref<!tpu.dma_semaphore, #tpu.memory_space<semaphore_mem>>) src(%dma_wait3A_309 : memref<50000xf32, #tpu.memory_space<hbm>>) dst(%arg8 : memref<50000xf32, #tpu.memory_space<vmem>>)
    %broadcast_in_dim3A_310 = arith.constant 0.000000e+00 : f32
    %broadcast_in_dim3A_311 = vector.broadcast %broadcast_in_dim3A_310 : f32 to vector<16xf32>
    %scan3A_312 = arith.constant 0 : i32
    %scan3A_313 = arith.constant 3125 : i32
    %scan3A_314 = arith.addi %scan3A_312, %scan3A_313 : i32
    %scan3A_315 = arith.constant 1 : i32
    %scan3A_316 = scf.for %scan3A_538 = %scan3A_312 to %scan3A_314 step %scan3A_315 iter_args(%scan3A_539 = %broadcast_in_dim3A_311) -> (vector<16xf32>)  : i32 {
      %mul3A_540 = arith.constant 16 : i32
      %mul3A_541 = arith.muli %scan3A_538, %mul3A_540 : i32
      %get3A_542 = arith.index_cast %mul3A_541 : i32 to index
      %get3A_543 = tpu.vector_load %arg8[%get3A_542] {strides = array<i32>} : memref<50000xf32, #tpu.memory_space<vmem>>, vector<16xf32>,
      %get3A_544 = vector.shape_cast %get3A_543 : vector<16xf32> to vector<16xf32>
      %gt3A = arith.cmpf ogt, %get3A_544, %get3A_307 : vector<16xf32>
      %add3A_545 = arith.addf %get3A_8, %get3A_544 : vector<16xf32>
      %mul3A_546 = arith.mulf %get3A_544, %add3A_545 : vector<16xf32>
      %select_n3A = arith.select %gt3A, %mul3A_546, %get3A_544 : vector<16xi1>, vector<16xf32>
      %mul3A_547 = arith.constant 6.400000e+01 : f32
      %mul3A_548 = vector.broadcast %mul3A_547 : f32 to vector<16xf32>
      %mul3A_549 = arith.mulf %mul3A_548, %select_n3A : vector<16xf32>
      %exp3A = math.exp %mul3A_549 : vector<16xf32>
      %add3A_550 = arith.addf %scan3A_539, %exp3A : vector<16xf32>
      scf.yield %add3A_550 : vector<16xf32>
    }
    %scan3A_317 = arith.constant 3125 : i32
    %add3A_318 = arith.constant 1 : i32
    %add3A_319 = arith.addi %add3A_298, %add3A_318 : i32
    %mul3A_320 = arith.constant 100000 : i32
    %mul3A_321 = arith.muli %add3A_319, %mul3A_320 : i32
    %add3A_322 = arith.constant 0 : i32
    %add3A_323 = arith.addi %mul3A_321, %add3A_322 : i32
    %dma_start3A_324 = tpu.memref_slice %arg4[%add3A_323] : memref<102400000xf32, #tpu.memory_space<hbm>> -> memref<50000xf32, #tpu.memory_space<hbm>>
    %dma_start3A_325 = tpu.memref_slice %arg4[%add3A_323] : memref<102400000xf32, #tpu.memory_space<hbm>> -> memref<50000xf32, #tpu.memory_space<hbm>>
    tpu.enqueue_dma source(%dma_start3A_325 : memref<50000xf32, #tpu.memory_space<hbm>>) target(%arg8 : memref<50000xf32, #tpu.memory_space<vmem>>) target_semaphore(%arg11 : memref<!tpu.dma_semaphore, #tpu.memory_space<semaphore_mem>>)
    %dma_wait3A_326 = tpu.memref_slice %arg4[%add3A_302] : memref<102400000xf32, #tpu.memory_space<hbm>> -> memref<50000xf32, #tpu.memory_space<hbm>>
    %dma_wait3A_327 = tpu.memref_slice %arg4[%add3A_302] : memref<102400000xf32, #tpu.memory_space<hbm>> -> memref<50000xf32, #tpu.memory_space<hbm>>
    tpu.wait_dma2 semaphore(%arg12 : memref<!tpu.dma_semaphore, #tpu.memory_space<semaphore_mem>>) src(%dma_wait3A_327 : memref<50000xf32, #tpu.memory_space<hbm>>) dst(%arg9 : memref<50000xf32, #tpu.memory_space<vmem>>)
    %scan3A_328 = arith.constant 0 : i32
    %scan3A_329 = arith.constant 3125 : i32
    %scan3A_330 = arith.addi %scan3A_328, %scan3A_329 : i32
    %scan3A_331 = arith.constant 1 : i32
    %scan3A_332 = scf.for %scan3A_538 = %scan3A_328 to %scan3A_330 step %scan3A_331 iter_args(%scan3A_539 = %scan3A_316) -> (vector<16xf32>)  : i32 {
      %mul3A_540 = arith.constant 16 : i32
      %mul3A_541 = arith.muli %scan3A_538, %mul3A_540 : i32
      %get3A_542 = arith.index_cast %mul3A_541 : i32 to index
      %get3A_543 = tpu.vector_load %arg9[%get3A_542] {strides = array<i32>} : memref<50000xf32, #tpu.memory_space<vmem>>, vector<16xf32>,
      %get3A_544 = vector.shape_cast %get3A_543 : vector<16xf32> to vector<16xf32>
      %gt3A = arith.cmpf ogt, %get3A_544, %get3A_307 : vector<16xf32>
      %add3A_545 = arith.addf %get3A_8, %get3A_544 : vector<16xf32>
      %mul3A_546 = arith.mulf %get3A_544, %add3A_545 : vector<16xf32>
      %select_n3A = arith.select %gt3A, %mul3A_546, %get3A_544 : vector<16xi1>, vector<16xf32>
      %mul3A_547 = arith.constant 6.400000e+01 : f32
      %mul3A_548 = vector.broadcast %mul3A_547 : f32 to vector<16xf32>
      %mul3A_549 = arith.mulf %mul3A_548, %select_n3A : vector<16xf32>
      %exp3A = math.exp %mul3A_549 : vector<16xf32>
      %add3A_550 = arith.addf %scan3A_539, %exp3A : vector<16xf32>
      scf.yield %add3A_550 : vector<16xf32>
    }
    %scan3A_333 = arith.constant 3125 : i32
    %swap3A_334 = arith.constant 112 : index
    %swap3A_335 = tpu.vector_load %arg10[%swap3A_334] {strides = array<i32>} : memref<208xf32, #tpu.memory_space<vmem>>, vector<16xf32>,
    %swap3A_336 = vector.shape_cast %swap3A_335 : vector<16xf32> to vector<16xf32>
    %swap3A_337 = vector.shape_cast %scan3A_332 : vector<16xf32> to vector<16xf32>
    tpu.vector_store %arg10[%swap3A_334], %swap3A_337 {strides = array<i32>} : memref<208xf32, #tpu.memory_space<vmem>>, vector<16xf32>,
    %add3A_338 = arith.constant 8 : i32
    %add3A_339 = arith.addi %add3A_4, %add3A_338 : i32
    %mul3A_340 = arith.constant 100000 : i32
    %mul3A_341 = arith.muli %add3A_339, %mul3A_340 : i32
    %add3A_342 = arith.constant 50000 : i32
    %add3A_343 = arith.addi %mul3A_341, %add3A_342 : i32
    %dma_start3A_344 = tpu.memref_slice %arg4[%add3A_343] : memref<102400000xf32, #tpu.memory_space<hbm>> -> memref<50000xf32, #tpu.memory_space<hbm>>
    %dma_start3A_345 = tpu.memref_slice %arg4[%add3A_343] : memref<102400000xf32, #tpu.memory_space<hbm>> -> memref<50000xf32, #tpu.memory_space<hbm>>
    tpu.enqueue_dma source(%dma_start3A_345 : memref<50000xf32, #tpu.memory_space<hbm>>) target(%arg9 : memref<50000xf32, #tpu.memory_space<vmem>>) target_semaphore(%arg12 : memref<!tpu.dma_semaphore, #tpu.memory_space<semaphore_mem>>)
    %get3A_346 = arith.constant 128 : index
    %get3A_347 = tpu.vector_load %arg6[%get3A_346] {strides = array<i32>} : memref<208xf32, #tpu.memory_space<vmem>>, vector<16xf32>,
    %get3A_348 = vector.shape_cast %get3A_347 : vector<16xf32> to vector<16xf32>
    %dma_wait3A_349 = tpu.memref_slice %arg4[%add3A_323] : memref<102400000xf32, #tpu.memory_space<hbm>> -> memref<50000xf32, #tpu.memory_space<hbm>>
    %dma_wait3A_350 = tpu.memref_slice %arg4[%add3A_323] : memref<102400000xf32, #tpu.memory_space<hbm>> -> memref<50000xf32, #tpu.memory_space<hbm>>
    tpu.wait_dma2 semaphore(%arg11 : memref<!tpu.dma_semaphore, #tpu.memory_space<semaphore_mem>>) src(%dma_wait3A_350 : memref<50000xf32, #tpu.memory_space<hbm>>) dst(%arg8 : memref<50000xf32, #tpu.memory_space<vmem>>)
    %broadcast_in_dim3A_351 = arith.constant 0.000000e+00 : f32
    %broadcast_in_dim3A_352 = vector.broadcast %broadcast_in_dim3A_351 : f32 to vector<16xf32>
    %scan3A_353 = arith.constant 0 : i32
    %scan3A_354 = arith.constant 3125 : i32
    %scan3A_355 = arith.addi %scan3A_353, %scan3A_354 : i32
    %scan3A_356 = arith.constant 1 : i32
    %scan3A_357 = scf.for %scan3A_538 = %scan3A_353 to %scan3A_355 step %scan3A_356 iter_args(%scan3A_539 = %broadcast_in_dim3A_352) -> (vector<16xf32>)  : i32 {
      %mul3A_540 = arith.constant 16 : i32
      %mul3A_541 = arith.muli %scan3A_538, %mul3A_540 : i32
      %get3A_542 = arith.index_cast %mul3A_541 : i32 to index
      %get3A_543 = tpu.vector_load %arg8[%get3A_542] {strides = array<i32>} : memref<50000xf32, #tpu.memory_space<vmem>>, vector<16xf32>,
      %get3A_544 = vector.shape_cast %get3A_543 : vector<16xf32> to vector<16xf32>
      %gt3A = arith.cmpf ogt, %get3A_544, %get3A_348 : vector<16xf32>
      %add3A_545 = arith.addf %get3A_8, %get3A_544 : vector<16xf32>
      %mul3A_546 = arith.mulf %get3A_544, %add3A_545 : vector<16xf32>
      %select_n3A = arith.select %gt3A, %mul3A_546, %get3A_544 : vector<16xi1>, vector<16xf32>
      %mul3A_547 = arith.constant 6.400000e+01 : f32
      %mul3A_548 = vector.broadcast %mul3A_547 : f32 to vector<16xf32>
      %mul3A_549 = arith.mulf %mul3A_548, %select_n3A : vector<16xf32>
      %exp3A = math.exp %mul3A_549 : vector<16xf32>
      %add3A_550 = arith.addf %scan3A_539, %exp3A : vector<16xf32>
      scf.yield %add3A_550 : vector<16xf32>
    }
    %scan3A_358 = arith.constant 3125 : i32
    %add3A_359 = arith.constant 1 : i32
    %add3A_360 = arith.addi %add3A_339, %add3A_359 : i32
    %mul3A_361 = arith.constant 100000 : i32
    %mul3A_362 = arith.muli %add3A_360, %mul3A_361 : i32
    %add3A_363 = arith.constant 0 : i32
    %add3A_364 = arith.addi %mul3A_362, %add3A_363 : i32
    %dma_start3A_365 = tpu.memref_slice %arg4[%add3A_364] : memref<102400000xf32, #tpu.memory_space<hbm>> -> memref<50000xf32, #tpu.memory_space<hbm>>
    %dma_start3A_366 = tpu.memref_slice %arg4[%add3A_364] : memref<102400000xf32, #tpu.memory_space<hbm>> -> memref<50000xf32, #tpu.memory_space<hbm>>
    tpu.enqueue_dma source(%dma_start3A_366 : memref<50000xf32, #tpu.memory_space<hbm>>) target(%arg8 : memref<50000xf32, #tpu.memory_space<vmem>>) target_semaphore(%arg11 : memref<!tpu.dma_semaphore, #tpu.memory_space<semaphore_mem>>)
    %dma_wait3A_367 = tpu.memref_slice %arg4[%add3A_343] : memref<102400000xf32, #tpu.memory_space<hbm>> -> memref<50000xf32, #tpu.memory_space<hbm>>
    %dma_wait3A_368 = tpu.memref_slice %arg4[%add3A_343] : memref<102400000xf32, #tpu.memory_space<hbm>> -> memref<50000xf32, #tpu.memory_space<hbm>>
    tpu.wait_dma2 semaphore(%arg12 : memref<!tpu.dma_semaphore, #tpu.memory_space<semaphore_mem>>) src(%dma_wait3A_368 : memref<50000xf32, #tpu.memory_space<hbm>>) dst(%arg9 : memref<50000xf32, #tpu.memory_space<vmem>>)
    %scan3A_369 = arith.constant 0 : i32
    %scan3A_370 = arith.constant 3125 : i32
    %scan3A_371 = arith.addi %scan3A_369, %scan3A_370 : i32
    %scan3A_372 = arith.constant 1 : i32
    %scan3A_373 = scf.for %scan3A_538 = %scan3A_369 to %scan3A_371 step %scan3A_372 iter_args(%scan3A_539 = %scan3A_357) -> (vector<16xf32>)  : i32 {
      %mul3A_540 = arith.constant 16 : i32
      %mul3A_541 = arith.muli %scan3A_538, %mul3A_540 : i32
      %get3A_542 = arith.index_cast %mul3A_541 : i32 to index
      %get3A_543 = tpu.vector_load %arg9[%get3A_542] {strides = array<i32>} : memref<50000xf32, #tpu.memory_space<vmem>>, vector<16xf32>,
      %get3A_544 = vector.shape_cast %get3A_543 : vector<16xf32> to vector<16xf32>
      %gt3A = arith.cmpf ogt, %get3A_544, %get3A_348 : vector<16xf32>
      %add3A_545 = arith.addf %get3A_8, %get3A_544 : vector<16xf32>
      %mul3A_546 = arith.mulf %get3A_544, %add3A_545 : vector<16xf32>
      %select_n3A = arith.select %gt3A, %mul3A_546, %get3A_544 : vector<16xi1>, vector<16xf32>
      %mul3A_547 = arith.constant 6.400000e+01 : f32
      %mul3A_548 = vector.broadcast %mul3A_547 : f32 to vector<16xf32>
      %mul3A_549 = arith.mulf %mul3A_548, %select_n3A : vector<16xf32>
      %exp3A = math.exp %mul3A_549 : vector<16xf32>
      %add3A_550 = arith.addf %scan3A_539, %exp3A : vector<16xf32>
      scf.yield %add3A_550 : vector<16xf32>
    }
    %scan3A_374 = arith.constant 3125 : i32
    %swap3A_375 = arith.constant 128 : index
    %swap3A_376 = tpu.vector_load %arg10[%swap3A_375] {strides = array<i32>} : memref<208xf32, #tpu.memory_space<vmem>>, vector<16xf32>,
    %swap3A_377 = vector.shape_cast %swap3A_376 : vector<16xf32> to vector<16xf32>
    %swap3A_378 = vector.shape_cast %scan3A_373 : vector<16xf32> to vector<16xf32>
    tpu.vector_store %arg10[%swap3A_375], %swap3A_378 {strides = array<i32>} : memref<208xf32, #tpu.memory_space<vmem>>, vector<16xf32>,
    %add3A_379 = arith.constant 9 : i32
    %add3A_380 = arith.addi %add3A_4, %add3A_379 : i32
    %mul3A_381 = arith.constant 100000 : i32
    %mul3A_382 = arith.muli %add3A_380, %mul3A_381 : i32
    %add3A_383 = arith.constant 50000 : i32
    %add3A_384 = arith.addi %mul3A_382, %add3A_383 : i32
    %dma_start3A_385 = tpu.memref_slice %arg4[%add3A_384] : memref<102400000xf32, #tpu.memory_space<hbm>> -> memref<50000xf32, #tpu.memory_space<hbm>>
    %dma_start3A_386 = tpu.memref_slice %arg4[%add3A_384] : memref<102400000xf32, #tpu.memory_space<hbm>> -> memref<50000xf32, #tpu.memory_space<hbm>>
    tpu.enqueue_dma source(%dma_start3A_386 : memref<50000xf32, #tpu.memory_space<hbm>>) target(%arg9 : memref<50000xf32, #tpu.memory_space<vmem>>) target_semaphore(%arg12 : memref<!tpu.dma_semaphore, #tpu.memory_space<semaphore_mem>>)
    %get3A_387 = arith.constant 144 : index
    %get3A_388 = tpu.vector_load %arg6[%get3A_387] {strides = array<i32>} : memref<208xf32, #tpu.memory_space<vmem>>, vector<16xf32>,
    %get3A_389 = vector.shape_cast %get3A_388 : vector<16xf32> to vector<16xf32>
    %dma_wait3A_390 = tpu.memref_slice %arg4[%add3A_364] : memref<102400000xf32, #tpu.memory_space<hbm>> -> memref<50000xf32, #tpu.memory_space<hbm>>
    %dma_wait3A_391 = tpu.memref_slice %arg4[%add3A_364] : memref<102400000xf32, #tpu.memory_space<hbm>> -> memref<50000xf32, #tpu.memory_space<hbm>>
    tpu.wait_dma2 semaphore(%arg11 : memref<!tpu.dma_semaphore, #tpu.memory_space<semaphore_mem>>) src(%dma_wait3A_391 : memref<50000xf32, #tpu.memory_space<hbm>>) dst(%arg8 : memref<50000xf32, #tpu.memory_space<vmem>>)
    %broadcast_in_dim3A_392 = arith.constant 0.000000e+00 : f32
    %broadcast_in_dim3A_393 = vector.broadcast %broadcast_in_dim3A_392 : f32 to vector<16xf32>
    %scan3A_394 = arith.constant 0 : i32
    %scan3A_395 = arith.constant 3125 : i32
    %scan3A_396 = arith.addi %scan3A_394, %scan3A_395 : i32
    %scan3A_397 = arith.constant 1 : i32
    %scan3A_398 = scf.for %scan3A_538 = %scan3A_394 to %scan3A_396 step %scan3A_397 iter_args(%scan3A_539 = %broadcast_in_dim3A_393) -> (vector<16xf32>)  : i32 {
      %mul3A_540 = arith.constant 16 : i32
      %mul3A_541 = arith.muli %scan3A_538, %mul3A_540 : i32
      %get3A_542 = arith.index_cast %mul3A_541 : i32 to index
      %get3A_543 = tpu.vector_load %arg8[%get3A_542] {strides = array<i32>} : memref<50000xf32, #tpu.memory_space<vmem>>, vector<16xf32>,
      %get3A_544 = vector.shape_cast %get3A_543 : vector<16xf32> to vector<16xf32>
      %gt3A = arith.cmpf ogt, %get3A_544, %get3A_389 : vector<16xf32>
      %add3A_545 = arith.addf %get3A_8, %get3A_544 : vector<16xf32>
      %mul3A_546 = arith.mulf %get3A_544, %add3A_545 : vector<16xf32>
      %select_n3A = arith.select %gt3A, %mul3A_546, %get3A_544 : vector<16xi1>, vector<16xf32>
      %mul3A_547 = arith.constant 6.400000e+01 : f32
      %mul3A_548 = vector.broadcast %mul3A_547 : f32 to vector<16xf32>
      %mul3A_549 = arith.mulf %mul3A_548, %select_n3A : vector<16xf32>
      %exp3A = math.exp %mul3A_549 : vector<16xf32>
      %add3A_550 = arith.addf %scan3A_539, %exp3A : vector<16xf32>
      scf.yield %add3A_550 : vector<16xf32>
    }
    %scan3A_399 = arith.constant 3125 : i32
    %add3A_400 = arith.constant 1 : i32
    %add3A_401 = arith.addi %add3A_380, %add3A_400 : i32
    %mul3A_402 = arith.constant 100000 : i32
    %mul3A_403 = arith.muli %add3A_401, %mul3A_402 : i32
    %add3A_404 = arith.constant 0 : i32
    %add3A_405 = arith.addi %mul3A_403, %add3A_404 : i32
    %dma_start3A_406 = tpu.memref_slice %arg4[%add3A_405] : memref<102400000xf32, #tpu.memory_space<hbm>> -> memref<50000xf32, #tpu.memory_space<hbm>>
    %dma_start3A_407 = tpu.memref_slice %arg4[%add3A_405] : memref<102400000xf32, #tpu.memory_space<hbm>> -> memref<50000xf32, #tpu.memory_space<hbm>>
    tpu.enqueue_dma source(%dma_start3A_407 : memref<50000xf32, #tpu.memory_space<hbm>>) target(%arg8 : memref<50000xf32, #tpu.memory_space<vmem>>) target_semaphore(%arg11 : memref<!tpu.dma_semaphore, #tpu.memory_space<semaphore_mem>>)
    %dma_wait3A_408 = tpu.memref_slice %arg4[%add3A_384] : memref<102400000xf32, #tpu.memory_space<hbm>> -> memref<50000xf32, #tpu.memory_space<hbm>>
    %dma_wait3A_409 = tpu.memref_slice %arg4[%add3A_384] : memref<102400000xf32, #tpu.memory_space<hbm>> -> memref<50000xf32, #tpu.memory_space<hbm>>
    tpu.wait_dma2 semaphore(%arg12 : memref<!tpu.dma_semaphore, #tpu.memory_space<semaphore_mem>>) src(%dma_wait3A_409 : memref<50000xf32, #tpu.memory_space<hbm>>) dst(%arg9 : memref<50000xf32, #tpu.memory_space<vmem>>)
    %scan3A_410 = arith.constant 0 : i32
    %scan3A_411 = arith.constant 3125 : i32
    %scan3A_412 = arith.addi %scan3A_410, %scan3A_411 : i32
    %scan3A_413 = arith.constant 1 : i32
    %scan3A_414 = scf.for %scan3A_538 = %scan3A_410 to %scan3A_412 step %scan3A_413 iter_args(%scan3A_539 = %scan3A_398) -> (vector<16xf32>)  : i32 {
      %mul3A_540 = arith.constant 16 : i32
      %mul3A_541 = arith.muli %scan3A_538, %mul3A_540 : i32
      %get3A_542 = arith.index_cast %mul3A_541 : i32 to index
      %get3A_543 = tpu.vector_load %arg9[%get3A_542] {strides = array<i32>} : memref<50000xf32, #tpu.memory_space<vmem>>, vector<16xf32>,
      %get3A_544 = vector.shape_cast %get3A_543 : vector<16xf32> to vector<16xf32>
      %gt3A = arith.cmpf ogt, %get3A_544, %get3A_389 : vector<16xf32>
      %add3A_545 = arith.addf %get3A_8, %get3A_544 : vector<16xf32>
      %mul3A_546 = arith.mulf %get3A_544, %add3A_545 : vector<16xf32>
      %select_n3A = arith.select %gt3A, %mul3A_546, %get3A_544 : vector<16xi1>, vector<16xf32>
      %mul3A_547 = arith.constant 6.400000e+01 : f32
      %mul3A_548 = vector.broadcast %mul3A_547 : f32 to vector<16xf32>
      %mul3A_549 = arith.mulf %mul3A_548, %select_n3A : vector<16xf32>
      %exp3A = math.exp %mul3A_549 : vector<16xf32>
      %add3A_550 = arith.addf %scan3A_539, %exp3A : vector<16xf32>
      scf.yield %add3A_550 : vector<16xf32>
    }
    %scan3A_415 = arith.constant 3125 : i32
    %swap3A_416 = arith.constant 144 : index
    %swap3A_417 = tpu.vector_load %arg10[%swap3A_416] {strides = array<i32>} : memref<208xf32, #tpu.memory_space<vmem>>, vector<16xf32>,
    %swap3A_418 = vector.shape_cast %swap3A_417 : vector<16xf32> to vector<16xf32>
    %swap3A_419 = vector.shape_cast %scan3A_414 : vector<16xf32> to vector<16xf32>
    tpu.vector_store %arg10[%swap3A_416], %swap3A_419 {strides = array<i32>} : memref<208xf32, #tpu.memory_space<vmem>>, vector<16xf32>,
    %add3A_420 = arith.constant 10 : i32
    %add3A_421 = arith.addi %add3A_4, %add3A_420 : i32
    %mul3A_422 = arith.constant 100000 : i32
    %mul3A_423 = arith.muli %add3A_421, %mul3A_422 : i32
    %add3A_424 = arith.constant 50000 : i32
    %add3A_425 = arith.addi %mul3A_423, %add3A_424 : i32
    %dma_start3A_426 = tpu.memref_slice %arg4[%add3A_425] : memref<102400000xf32, #tpu.memory_space<hbm>> -> memref<50000xf32, #tpu.memory_space<hbm>>
    %dma_start3A_427 = tpu.memref_slice %arg4[%add3A_425] : memref<102400000xf32, #tpu.memory_space<hbm>> -> memref<50000xf32, #tpu.memory_space<hbm>>
    tpu.enqueue_dma source(%dma_start3A_427 : memref<50000xf32, #tpu.memory_space<hbm>>) target(%arg9 : memref<50000xf32, #tpu.memory_space<vmem>>) target_semaphore(%arg12 : memref<!tpu.dma_semaphore, #tpu.memory_space<semaphore_mem>>)
    %get3A_428 = arith.constant 160 : index
    %get3A_429 = tpu.vector_load %arg6[%get3A_428] {strides = array<i32>} : memref<208xf32, #tpu.memory_space<vmem>>, vector<16xf32>,
    %get3A_430 = vector.shape_cast %get3A_429 : vector<16xf32> to vector<16xf32>
    %dma_wait3A_431 = tpu.memref_slice %arg4[%add3A_405] : memref<102400000xf32, #tpu.memory_space<hbm>> -> memref<50000xf32, #tpu.memory_space<hbm>>
    %dma_wait3A_432 = tpu.memref_slice %arg4[%add3A_405] : memref<102400000xf32, #tpu.memory_space<hbm>> -> memref<50000xf32, #tpu.memory_space<hbm>>
    tpu.wait_dma2 semaphore(%arg11 : memref<!tpu.dma_semaphore, #tpu.memory_space<semaphore_mem>>) src(%dma_wait3A_432 : memref<50000xf32, #tpu.memory_space<hbm>>) dst(%arg8 : memref<50000xf32, #tpu.memory_space<vmem>>)
    %broadcast_in_dim3A_433 = arith.constant 0.000000e+00 : f32
    %broadcast_in_dim3A_434 = vector.broadcast %broadcast_in_dim3A_433 : f32 to vector<16xf32>
    %scan3A_435 = arith.constant 0 : i32
    %scan3A_436 = arith.constant 3125 : i32
    %scan3A_437 = arith.addi %scan3A_435, %scan3A_436 : i32
    %scan3A_438 = arith.constant 1 : i32
    %scan3A_439 = scf.for %scan3A_538 = %scan3A_435 to %scan3A_437 step %scan3A_438 iter_args(%scan3A_539 = %broadcast_in_dim3A_434) -> (vector<16xf32>)  : i32 {
      %mul3A_540 = arith.constant 16 : i32
      %mul3A_541 = arith.muli %scan3A_538, %mul3A_540 : i32
      %get3A_542 = arith.index_cast %mul3A_541 : i32 to index
      %get3A_543 = tpu.vector_load %arg8[%get3A_542] {strides = array<i32>} : memref<50000xf32, #tpu.memory_space<vmem>>, vector<16xf32>,
      %get3A_544 = vector.shape_cast %get3A_543 : vector<16xf32> to vector<16xf32>
      %gt3A = arith.cmpf ogt, %get3A_544, %get3A_430 : vector<16xf32>
      %add3A_545 = arith.addf %get3A_8, %get3A_544 : vector<16xf32>
      %mul3A_546 = arith.mulf %get3A_544, %add3A_545 : vector<16xf32>
      %select_n3A = arith.select %gt3A, %mul3A_546, %get3A_544 : vector<16xi1>, vector<16xf32>
      %mul3A_547 = arith.constant 6.400000e+01 : f32
      %mul3A_548 = vector.broadcast %mul3A_547 : f32 to vector<16xf32>
      %mul3A_549 = arith.mulf %mul3A_548, %select_n3A : vector<16xf32>
      %exp3A = math.exp %mul3A_549 : vector<16xf32>
      %add3A_550 = arith.addf %scan3A_539, %exp3A : vector<16xf32>
      scf.yield %add3A_550 : vector<16xf32>
    }
    %scan3A_440 = arith.constant 3125 : i32
    %add3A_441 = arith.constant 1 : i32
    %add3A_442 = arith.addi %add3A_421, %add3A_441 : i32
    %mul3A_443 = arith.constant 100000 : i32
    %mul3A_444 = arith.muli %add3A_442, %mul3A_443 : i32
    %add3A_445 = arith.constant 0 : i32
    %add3A_446 = arith.addi %mul3A_444, %add3A_445 : i32
    %dma_start3A_447 = tpu.memref_slice %arg4[%add3A_446] : memref<102400000xf32, #tpu.memory_space<hbm>> -> memref<50000xf32, #tpu.memory_space<hbm>>
    %dma_start3A_448 = tpu.memref_slice %arg4[%add3A_446] : memref<102400000xf32, #tpu.memory_space<hbm>> -> memref<50000xf32, #tpu.memory_space<hbm>>
    tpu.enqueue_dma source(%dma_start3A_448 : memref<50000xf32, #tpu.memory_space<hbm>>) target(%arg8 : memref<50000xf32, #tpu.memory_space<vmem>>) target_semaphore(%arg11 : memref<!tpu.dma_semaphore, #tpu.memory_space<semaphore_mem>>)
    %dma_wait3A_449 = tpu.memref_slice %arg4[%add3A_425] : memref<102400000xf32, #tpu.memory_space<hbm>> -> memref<50000xf32, #tpu.memory_space<hbm>>
    %dma_wait3A_450 = tpu.memref_slice %arg4[%add3A_425] : memref<102400000xf32, #tpu.memory_space<hbm>> -> memref<50000xf32, #tpu.memory_space<hbm>>
    tpu.wait_dma2 semaphore(%arg12 : memref<!tpu.dma_semaphore, #tpu.memory_space<semaphore_mem>>) src(%dma_wait3A_450 : memref<50000xf32, #tpu.memory_space<hbm>>) dst(%arg9 : memref<50000xf32, #tpu.memory_space<vmem>>)
    %scan3A_451 = arith.constant 0 : i32
    %scan3A_452 = arith.constant 3125 : i32
    %scan3A_453 = arith.addi %scan3A_451, %scan3A_452 : i32
    %scan3A_454 = arith.constant 1 : i32
    %scan3A_455 = scf.for %scan3A_538 = %scan3A_451 to %scan3A_453 step %scan3A_454 iter_args(%scan3A_539 = %scan3A_439) -> (vector<16xf32>)  : i32 {
      %mul3A_540 = arith.constant 16 : i32
      %mul3A_541 = arith.muli %scan3A_538, %mul3A_540 : i32
      %get3A_542 = arith.index_cast %mul3A_541 : i32 to index
      %get3A_543 = tpu.vector_load %arg9[%get3A_542] {strides = array<i32>} : memref<50000xf32, #tpu.memory_space<vmem>>, vector<16xf32>,
      %get3A_544 = vector.shape_cast %get3A_543 : vector<16xf32> to vector<16xf32>
      %gt3A = arith.cmpf ogt, %get3A_544, %get3A_430 : vector<16xf32>
      %add3A_545 = arith.addf %get3A_8, %get3A_544 : vector<16xf32>
      %mul3A_546 = arith.mulf %get3A_544, %add3A_545 : vector<16xf32>
      %select_n3A = arith.select %gt3A, %mul3A_546, %get3A_544 : vector<16xi1>, vector<16xf32>
      %mul3A_547 = arith.constant 6.400000e+01 : f32
      %mul3A_548 = vector.broadcast %mul3A_547 : f32 to vector<16xf32>
      %mul3A_549 = arith.mulf %mul3A_548, %select_n3A : vector<16xf32>
      %exp3A = math.exp %mul3A_549 : vector<16xf32>
      %add3A_550 = arith.addf %scan3A_539, %exp3A : vector<16xf32>
      scf.yield %add3A_550 : vector<16xf32>
    }
    %scan3A_456 = arith.constant 3125 : i32
    %swap3A_457 = arith.constant 160 : index
    %swap3A_458 = tpu.vector_load %arg10[%swap3A_457] {strides = array<i32>} : memref<208xf32, #tpu.memory_space<vmem>>, vector<16xf32>,
    %swap3A_459 = vector.shape_cast %swap3A_458 : vector<16xf32> to vector<16xf32>
    %swap3A_460 = vector.shape_cast %scan3A_455 : vector<16xf32> to vector<16xf32>
    tpu.vector_store %arg10[%swap3A_457], %swap3A_460 {strides = array<i32>} : memref<208xf32, #tpu.memory_space<vmem>>, vector<16xf32>,
    %add3A_461 = arith.constant 11 : i32
    %add3A_462 = arith.addi %add3A_4, %add3A_461 : i32
    %mul3A_463 = arith.constant 100000 : i32
    %mul3A_464 = arith.muli %add3A_462, %mul3A_463 : i32
    %add3A_465 = arith.constant 50000 : i32
    %add3A_466 = arith.addi %mul3A_464, %add3A_465 : i32
    %dma_start3A_467 = tpu.memref_slice %arg4[%add3A_466] : memref<102400000xf32, #tpu.memory_space<hbm>> -> memref<50000xf32, #tpu.memory_space<hbm>>
    %dma_start3A_468 = tpu.memref_slice %arg4[%add3A_466] : memref<102400000xf32, #tpu.memory_space<hbm>> -> memref<50000xf32, #tpu.memory_space<hbm>>
    tpu.enqueue_dma source(%dma_start3A_468 : memref<50000xf32, #tpu.memory_space<hbm>>) target(%arg9 : memref<50000xf32, #tpu.memory_space<vmem>>) target_semaphore(%arg12 : memref<!tpu.dma_semaphore, #tpu.memory_space<semaphore_mem>>)
    %get3A_469 = arith.constant 176 : index
    %get3A_470 = tpu.vector_load %arg6[%get3A_469] {strides = array<i32>} : memref<208xf32, #tpu.memory_space<vmem>>, vector<16xf32>,
    %get3A_471 = vector.shape_cast %get3A_470 : vector<16xf32> to vector<16xf32>
    %dma_wait3A_472 = tpu.memref_slice %arg4[%add3A_446] : memref<102400000xf32, #tpu.memory_space<hbm>> -> memref<50000xf32, #tpu.memory_space<hbm>>
    %dma_wait3A_473 = tpu.memref_slice %arg4[%add3A_446] : memref<102400000xf32, #tpu.memory_space<hbm>> -> memref<50000xf32, #tpu.memory_space<hbm>>
    tpu.wait_dma2 semaphore(%arg11 : memref<!tpu.dma_semaphore, #tpu.memory_space<semaphore_mem>>) src(%dma_wait3A_473 : memref<50000xf32, #tpu.memory_space<hbm>>) dst(%arg8 : memref<50000xf32, #tpu.memory_space<vmem>>)
    %broadcast_in_dim3A_474 = arith.constant 0.000000e+00 : f32
    %broadcast_in_dim3A_475 = vector.broadcast %broadcast_in_dim3A_474 : f32 to vector<16xf32>
    %scan3A_476 = arith.constant 0 : i32
    %scan3A_477 = arith.constant 3125 : i32
    %scan3A_478 = arith.addi %scan3A_476, %scan3A_477 : i32
    %scan3A_479 = arith.constant 1 : i32
    %scan3A_480 = scf.for %scan3A_538 = %scan3A_476 to %scan3A_478 step %scan3A_479 iter_args(%scan3A_539 = %broadcast_in_dim3A_475) -> (vector<16xf32>)  : i32 {
      %mul3A_540 = arith.constant 16 : i32
      %mul3A_541 = arith.muli %scan3A_538, %mul3A_540 : i32
      %get3A_542 = arith.index_cast %mul3A_541 : i32 to index
      %get3A_543 = tpu.vector_load %arg8[%get3A_542] {strides = array<i32>} : memref<50000xf32, #tpu.memory_space<vmem>>, vector<16xf32>,
      %get3A_544 = vector.shape_cast %get3A_543 : vector<16xf32> to vector<16xf32>
      %gt3A = arith.cmpf ogt, %get3A_544, %get3A_471 : vector<16xf32>
      %add3A_545 = arith.addf %get3A_8, %get3A_544 : vector<16xf32>
      %mul3A_546 = arith.mulf %get3A_544, %add3A_545 : vector<16xf32>
      %select_n3A = arith.select %gt3A, %mul3A_546, %get3A_544 : vector<16xi1>, vector<16xf32>
      %mul3A_547 = arith.constant 6.400000e+01 : f32
      %mul3A_548 = vector.broadcast %mul3A_547 : f32 to vector<16xf32>
      %mul3A_549 = arith.mulf %mul3A_548, %select_n3A : vector<16xf32>
      %exp3A = math.exp %mul3A_549 : vector<16xf32>
      %add3A_550 = arith.addf %scan3A_539, %exp3A : vector<16xf32>
      scf.yield %add3A_550 : vector<16xf32>
    }
    %scan3A_481 = arith.constant 3125 : i32
    %add3A_482 = arith.constant 1 : i32
    %add3A_483 = arith.addi %add3A_462, %add3A_482 : i32
    %mul3A_484 = arith.constant 100000 : i32
    %mul3A_485 = arith.muli %add3A_483, %mul3A_484 : i32
    %add3A_486 = arith.constant 0 : i32
    %add3A_487 = arith.addi %mul3A_485, %add3A_486 : i32
    %dma_start3A_488 = tpu.memref_slice %arg4[%add3A_487] : memref<102400000xf32, #tpu.memory_space<hbm>> -> memref<50000xf32, #tpu.memory_space<hbm>>
    %dma_start3A_489 = tpu.memref_slice %arg4[%add3A_487] : memref<102400000xf32, #tpu.memory_space<hbm>> -> memref<50000xf32, #tpu.memory_space<hbm>>
    tpu.enqueue_dma source(%dma_start3A_489 : memref<50000xf32, #tpu.memory_space<hbm>>) target(%arg8 : memref<50000xf32, #tpu.memory_space<vmem>>) target_semaphore(%arg11 : memref<!tpu.dma_semaphore, #tpu.memory_space<semaphore_mem>>)
    %dma_wait3A_490 = tpu.memref_slice %arg4[%add3A_466] : memref<102400000xf32, #tpu.memory_space<hbm>> -> memref<50000xf32, #tpu.memory_space<hbm>>
    %dma_wait3A_491 = tpu.memref_slice %arg4[%add3A_466] : memref<102400000xf32, #tpu.memory_space<hbm>> -> memref<50000xf32, #tpu.memory_space<hbm>>
    tpu.wait_dma2 semaphore(%arg12 : memref<!tpu.dma_semaphore, #tpu.memory_space<semaphore_mem>>) src(%dma_wait3A_491 : memref<50000xf32, #tpu.memory_space<hbm>>) dst(%arg9 : memref<50000xf32, #tpu.memory_space<vmem>>)
    %scan3A_492 = arith.constant 0 : i32
    %scan3A_493 = arith.constant 3125 : i32
    %scan3A_494 = arith.addi %scan3A_492, %scan3A_493 : i32
    %scan3A_495 = arith.constant 1 : i32
    %scan3A_496 = scf.for %scan3A_538 = %scan3A_492 to %scan3A_494 step %scan3A_495 iter_args(%scan3A_539 = %scan3A_480) -> (vector<16xf32>)  : i32 {
      %mul3A_540 = arith.constant 16 : i32
      %mul3A_541 = arith.muli %scan3A_538, %mul3A_540 : i32
      %get3A_542 = arith.index_cast %mul3A_541 : i32 to index
      %get3A_543 = tpu.vector_load %arg9[%get3A_542] {strides = array<i32>} : memref<50000xf32, #tpu.memory_space<vmem>>, vector<16xf32>,
      %get3A_544 = vector.shape_cast %get3A_543 : vector<16xf32> to vector<16xf32>
      %gt3A = arith.cmpf ogt, %get3A_544, %get3A_471 : vector<16xf32>
      %add3A_545 = arith.addf %get3A_8, %get3A_544 : vector<16xf32>
      %mul3A_546 = arith.mulf %get3A_544, %add3A_545 : vector<16xf32>
      %select_n3A = arith.select %gt3A, %mul3A_546, %get3A_544 : vector<16xi1>, vector<16xf32>
      %mul3A_547 = arith.constant 6.400000e+01 : f32
      %mul3A_548 = vector.broadcast %mul3A_547 : f32 to vector<16xf32>
      %mul3A_549 = arith.mulf %mul3A_548, %select_n3A : vector<16xf32>
      %exp3A = math.exp %mul3A_549 : vector<16xf32>
      %add3A_550 = arith.addf %scan3A_539, %exp3A : vector<16xf32>
      scf.yield %add3A_550 : vector<16xf32>
    }
    %scan3A_497 = arith.constant 3125 : i32
    %swap3A_498 = arith.constant 176 : index
    %swap3A_499 = tpu.vector_load %arg10[%swap3A_498] {strides = array<i32>} : memref<208xf32, #tpu.memory_space<vmem>>, vector<16xf32>,
    %swap3A_500 = vector.shape_cast %swap3A_499 : vector<16xf32> to vector<16xf32>
    %swap3A_501 = vector.shape_cast %scan3A_496 : vector<16xf32> to vector<16xf32>
    tpu.vector_store %arg10[%swap3A_498], %swap3A_501 {strides = array<i32>} : memref<208xf32, #tpu.memory_space<vmem>>, vector<16xf32>,
    %add3A_502 = arith.constant 12 : i32
    %add3A_503 = arith.addi %add3A_4, %add3A_502 : i32
    %mul3A_504 = arith.constant 100000 : i32
    %mul3A_505 = arith.muli %add3A_503, %mul3A_504 : i32
    %add3A_506 = arith.constant 50000 : i32
    %add3A_507 = arith.addi %mul3A_505, %add3A_506 : i32
    %dma_start3A_508 = tpu.memref_slice %arg4[%add3A_507] : memref<102400000xf32, #tpu.memory_space<hbm>> -> memref<50000xf32, #tpu.memory_space<hbm>>
    %dma_start3A_509 = tpu.memref_slice %arg4[%add3A_507] : memref<102400000xf32, #tpu.memory_space<hbm>> -> memref<50000xf32, #tpu.memory_space<hbm>>
    tpu.enqueue_dma source(%dma_start3A_509 : memref<50000xf32, #tpu.memory_space<hbm>>) target(%arg9 : memref<50000xf32, #tpu.memory_space<vmem>>) target_semaphore(%arg12 : memref<!tpu.dma_semaphore, #tpu.memory_space<semaphore_mem>>)
    %get3A_510 = arith.constant 192 : index
    %get3A_511 = tpu.vector_load %arg6[%get3A_510] {strides = array<i32>} : memref<208xf32, #tpu.memory_space<vmem>>, vector<16xf32>,
    %get3A_512 = vector.shape_cast %get3A_511 : vector<16xf32> to vector<16xf32>
    %dma_wait3A_513 = tpu.memref_slice %arg4[%add3A_487] : memref<102400000xf32, #tpu.memory_space<hbm>> -> memref<50000xf32, #tpu.memory_space<hbm>>
    %dma_wait3A_514 = tpu.memref_slice %arg4[%add3A_487] : memref<102400000xf32, #tpu.memory_space<hbm>> -> memref<50000xf32, #tpu.memory_space<hbm>>
    tpu.wait_dma2 semaphore(%arg11 : memref<!tpu.dma_semaphore, #tpu.memory_space<semaphore_mem>>) src(%dma_wait3A_514 : memref<50000xf32, #tpu.memory_space<hbm>>) dst(%arg8 : memref<50000xf32, #tpu.memory_space<vmem>>)
    %broadcast_in_dim3A_515 = arith.constant 0.000000e+00 : f32
    %broadcast_in_dim3A_516 = vector.broadcast %broadcast_in_dim3A_515 : f32 to vector<16xf32>
    %scan3A_517 = arith.constant 0 : i32
    %scan3A_518 = arith.constant 3125 : i32
    %scan3A_519 = arith.addi %scan3A_517, %scan3A_518 : i32
    %scan3A_520 = arith.constant 1 : i32
    %scan3A_521 = scf.for %scan3A_538 = %scan3A_517 to %scan3A_519 step %scan3A_520 iter_args(%scan3A_539 = %broadcast_in_dim3A_516) -> (vector<16xf32>)  : i32 {
      %mul3A_540 = arith.constant 16 : i32
      %mul3A_541 = arith.muli %scan3A_538, %mul3A_540 : i32
      %get3A_542 = arith.index_cast %mul3A_541 : i32 to index
      %get3A_543 = tpu.vector_load %arg8[%get3A_542] {strides = array<i32>} : memref<50000xf32, #tpu.memory_space<vmem>>, vector<16xf32>,
      %get3A_544 = vector.shape_cast %get3A_543 : vector<16xf32> to vector<16xf32>
      %gt3A = arith.cmpf ogt, %get3A_544, %get3A_512 : vector<16xf32>
      %add3A_545 = arith.addf %get3A_8, %get3A_544 : vector<16xf32>
      %mul3A_546 = arith.mulf %get3A_544, %add3A_545 : vector<16xf32>
      %select_n3A = arith.select %gt3A, %mul3A_546, %get3A_544 : vector<16xi1>, vector<16xf32>
      %mul3A_547 = arith.constant 6.400000e+01 : f32
      %mul3A_548 = vector.broadcast %mul3A_547 : f32 to vector<16xf32>
      %mul3A_549 = arith.mulf %mul3A_548, %select_n3A : vector<16xf32>
      %exp3A = math.exp %mul3A_549 : vector<16xf32>
      %add3A_550 = arith.addf %scan3A_539, %exp3A : vector<16xf32>
      scf.yield %add3A_550 : vector<16xf32>
    }
    %scan3A_522 = arith.constant 3125 : i32
    %dma_wait3A_523 = tpu.memref_slice %arg4[%add3A_507] : memref<102400000xf32, #tpu.memory_space<hbm>> -> memref<50000xf32, #tpu.memory_space<hbm>>
    %dma_wait3A_524 = tpu.memref_slice %arg4[%add3A_507] : memref<102400000xf32, #tpu.memory_space<hbm>> -> memref<50000xf32, #tpu.memory_space<hbm>>
    tpu.wait_dma2 semaphore(%arg12 : memref<!tpu.dma_semaphore, #tpu.memory_space<semaphore_mem>>) src(%dma_wait3A_524 : memref<50000xf32, #tpu.memory_space<hbm>>) dst(%arg9 : memref<50000xf32, #tpu.memory_space<vmem>>)
    %scan3A_525 = arith.constant 0 : i32
    %scan3A_526 = arith.constant 3125 : i32
    %scan3A_527 = arith.addi %scan3A_525, %scan3A_526 : i32
    %scan3A_528 = arith.constant 1 : i32
    %scan3A_529 = scf.for %scan3A_538 = %scan3A_525 to %scan3A_527 step %scan3A_528 iter_args(%scan3A_539 = %scan3A_521) -> (vector<16xf32>)  : i32 {
      %mul3A_540 = arith.constant 16 : i32
      %mul3A_541 = arith.muli %scan3A_538, %mul3A_540 : i32
      %get3A_542 = arith.index_cast %mul3A_541 : i32 to index
      %get3A_543 = tpu.vector_load %arg9[%get3A_542] {strides = array<i32>} : memref<50000xf32, #tpu.memory_space<vmem>>, vector<16xf32>,
      %get3A_544 = vector.shape_cast %get3A_543 : vector<16xf32> to vector<16xf32>
      %gt3A = arith.cmpf ogt, %get3A_544, %get3A_512 : vector<16xf32>
      %add3A_545 = arith.addf %get3A_8, %get3A_544 : vector<16xf32>
      %mul3A_546 = arith.mulf %get3A_544, %add3A_545 : vector<16xf32>
      %select_n3A = arith.select %gt3A, %mul3A_546, %get3A_544 : vector<16xi1>, vector<16xf32>
      %mul3A_547 = arith.constant 6.400000e+01 : f32
      %mul3A_548 = vector.broadcast %mul3A_547 : f32 to vector<16xf32>
      %mul3A_549 = arith.mulf %mul3A_548, %select_n3A : vector<16xf32>
      %exp3A = math.exp %mul3A_549 : vector<16xf32>
      %add3A_550 = arith.addf %scan3A_539, %exp3A : vector<16xf32>
      scf.yield %add3A_550 : vector<16xf32>
    }
    %scan3A_530 = arith.constant 3125 : i32
    %swap3A_531 = arith.constant 192 : index
    %swap3A_532 = tpu.vector_load %arg10[%swap3A_531] {strides = array<i32>} : memref<208xf32, #tpu.memory_space<vmem>>, vector<16xf32>,
    %swap3A_533 = vector.shape_cast %swap3A_532 : vector<16xf32> to vector<16xf32>
    %swap3A_534 = vector.shape_cast %scan3A_529 : vector<16xf32> to vector<16xf32>
    tpu.vector_store %arg10[%swap3A_531], %swap3A_534 {strides = array<i32>} : memref<208xf32, #tpu.memory_space<vmem>>, vector<16xf32>,
    %sub3A = arith.constant 608 : i32
    %sub3A_535 = arith.subi %add3A_4, %sub3A : i32
    %mul3A_536 = arith.constant 16 : i32
    %mul3A_537 = arith.muli %sub3A_535, %mul3A_536 : i32
    "tpu.region"() ({
      %run_scoped3A = tpu.sem_alloc : memref<!tpu.dma_semaphore, #tpu.memory_space<semaphore_mem>>
      %dma_start3A_538 = tpu.memref_slice %arg5[%mul3A_537] : memref<6656xf32, #tpu.memory_space<hbm>> -> memref<208xf32, #tpu.memory_space<hbm>>
      %dma_start3A_539 = tpu.memref_slice %arg5[%mul3A_537] : memref<6656xf32, #tpu.memory_space<hbm>> -> memref<208xf32, #tpu.memory_space<hbm>>
      tpu.enqueue_dma source(%arg10 : memref<208xf32, #tpu.memory_space<vmem>>) target(%dma_start3A_539 : memref<208xf32, #tpu.memory_space<hbm>>) target_semaphore(%run_scoped3A : memref<!tpu.dma_semaphore, #tpu.memory_space<semaphore_mem>>)
      %dma_wait3A_540 = tpu.memref_slice %arg5[%mul3A_537] : memref<6656xf32, #tpu.memory_space<hbm>> -> memref<208xf32, #tpu.memory_space<hbm>>
      %dma_wait3A_541 = tpu.memref_slice %arg5[%mul3A_537] : memref<6656xf32, #tpu.memory_space<hbm>> -> memref<208xf32, #tpu.memory_space<hbm>>
      tpu.wait_dma2 semaphore(%run_scoped3A : memref<!tpu.dma_semaphore, #tpu.memory_space<semaphore_mem>>) src(%arg10 : memref<208xf32, #tpu.memory_space<vmem>>) dst(%dma_wait3A_541 : memref<208xf32, #tpu.memory_space<hbm>>)
      tpu.yield
    }) : () -> ()
    return
  }
}

#map = affine_map<(d0, d1) -> (0)>
module attributes {stable_mosaic.version = 14 : i64} {
  func.func @_sc_gather_body(%arg0: i32, %arg1: i32, %arg2: memref<1024xi32, #tpu.memory_space<hbm>>, %arg3: memref<102400000xf32, #tpu.memory_space<hbm>>, %arg4: memref<1024xf32, #tpu.memory_space<hbm>>, %arg5: memref<32xi32, #tpu.memory_space<vmem>>, %arg6: memref<32xi32, #tpu.memory_space<vmem>>, %arg7: memref<32xf32, #tpu.memory_space<vmem>>, %arg8: memref<!tpu.dma_semaphore, #tpu.memory_space<semaphore_mem>>) attributes {dimension_semantics = [#tpu.dimension_semantics<core_parallel>, #tpu.dimension_semantics<subcore_parallel>], iteration_bounds = array<i64: 2, 16>, scalar_prefetch = 0 : i64, scratch_operands = 4 : i64, tpu.core_type = #tpu.core_type<sc_vector_subcore>, window_params = [{transform_indices = #map}, {transform_indices = #map}, {transform_indices = #map}]} {
    %mul3A = arith.constant 2 : i32
    %mul3A_0 = arith.muli %arg1, %mul3A : i32
    %add3A = arith.addi %mul3A_0, %arg0 : i32
    %mul3A_1 = arith.constant 32 : i32
    %mul3A_2 = arith.muli %add3A, %mul3A_1 : i32
    "tpu.region"() ({
      %run_scoped3A = tpu.sem_alloc : memref<!tpu.dma_semaphore, #tpu.memory_space<semaphore_mem>>
      %dma_start3A_34 = tpu.memref_slice %arg2[%mul3A_2] : memref<1024xi32, #tpu.memory_space<hbm>> -> memref<32xi32, #tpu.memory_space<hbm>>
      %dma_start3A_35 = tpu.memref_slice %arg2[%mul3A_2] : memref<1024xi32, #tpu.memory_space<hbm>> -> memref<32xi32, #tpu.memory_space<hbm>>
      tpu.enqueue_dma source(%dma_start3A_35 : memref<32xi32, #tpu.memory_space<hbm>>) target(%arg5 : memref<32xi32, #tpu.memory_space<vmem>>) target_semaphore(%run_scoped3A : memref<!tpu.dma_semaphore, #tpu.memory_space<semaphore_mem>>)
      %dma_wait3A_36 = tpu.memref_slice %arg2[%mul3A_2] : memref<1024xi32, #tpu.memory_space<hbm>> -> memref<32xi32, #tpu.memory_space<hbm>>
      %dma_wait3A_37 = tpu.memref_slice %arg2[%mul3A_2] : memref<1024xi32, #tpu.memory_space<hbm>> -> memref<32xi32, #tpu.memory_space<hbm>>
      tpu.wait_dma2 semaphore(%run_scoped3A : memref<!tpu.dma_semaphore, #tpu.memory_space<semaphore_mem>>) src(%dma_wait3A_37 : memref<32xi32, #tpu.memory_space<hbm>>) dst(%arg5 : memref<32xi32, #tpu.memory_space<vmem>>)
      tpu.yield
    }) : () -> ()
    %add3A_3 = arith.constant 0 : i32
    %add3A_4 = arith.addi %mul3A_2, %add3A_3 : i32
    %iota3A = tpu.iota {dimensions = array<i32: 0>} : vector<16xi32>
    %add3A_5 = vector.broadcast %add3A_4 : i32 to vector<16xi32>
    %add3A_6 = arith.addi %add3A_5, %iota3A : vector<16xi32>
    %mul3A_7 = arith.constant 100000 : i32
    %mul3A_8 = vector.broadcast %mul3A_7 : i32 to vector<16xi32>
    %mul3A_9 = arith.muli %add3A_6, %mul3A_8 : vector<16xi32>
    %get3A = arith.constant 0 : index
    %get3A_10 = tpu.vector_load %arg5[%get3A] {strides = array<i32>} : memref<32xi32, #tpu.memory_space<vmem>>, vector<16xi32>,
    %get3A_11 = vector.shape_cast %get3A_10 : vector<16xi32> to vector<16xi32>
    %add3A_12 = arith.addi %mul3A_9, %get3A_11 : vector<16xi32>
    %swap3A = arith.constant 0 : index
    %swap3A_13 = tpu.vector_load %arg6[%swap3A] {strides = array<i32>} : memref<32xi32, #tpu.memory_space<vmem>>, vector<16xi32>,
    %swap3A_14 = vector.shape_cast %swap3A_13 : vector<16xi32> to vector<16xi32>
    %swap3A_15 = vector.shape_cast %add3A_12 : vector<16xi32> to vector<16xi32>
    tpu.vector_store %arg6[%swap3A], %swap3A_15 {strides = array<i32>} : memref<32xi32, #tpu.memory_space<vmem>>, vector<16xi32>,
    %add3A_16 = arith.constant 16 : i32
    %add3A_17 = arith.addi %mul3A_2, %add3A_16 : i32
    %iota3A_18 = tpu.iota {dimensions = array<i32: 0>} : vector<16xi32>
    %add3A_19 = vector.broadcast %add3A_17 : i32 to vector<16xi32>
    %add3A_20 = arith.addi %add3A_19, %iota3A_18 : vector<16xi32>
    %mul3A_21 = arith.constant 100000 : i32
    %mul3A_22 = vector.broadcast %mul3A_21 : i32 to vector<16xi32>
    %mul3A_23 = arith.muli %add3A_20, %mul3A_22 : vector<16xi32>
    %get3A_24 = arith.constant 16 : index
    %get3A_25 = tpu.vector_load %arg5[%get3A_24] {strides = array<i32>} : memref<32xi32, #tpu.memory_space<vmem>>, vector<16xi32>,
    %get3A_26 = vector.shape_cast %get3A_25 : vector<16xi32> to vector<16xi32>
    %add3A_27 = arith.addi %mul3A_23, %get3A_26 : vector<16xi32>
    %swap3A_28 = arith.constant 16 : index
    %swap3A_29 = tpu.vector_load %arg6[%swap3A_28] {strides = array<i32>} : memref<32xi32, #tpu.memory_space<vmem>>, vector<16xi32>,
    %swap3A_30 = vector.shape_cast %swap3A_29 : vector<16xi32> to vector<16xi32>
    %swap3A_31 = vector.shape_cast %add3A_27 : vector<16xi32> to vector<16xi32>
    tpu.vector_store %arg6[%swap3A_28], %swap3A_31 {strides = array<i32>} : memref<32xi32, #tpu.memory_space<vmem>>, vector<16xi32>,
    %dma_start3A = arith.constant 0 : i32
    %dma_start3A_32 = tpu.memref_slice %arg3[%dma_start3A] : memref<102400000xf32, #tpu.memory_space<hbm>> -> memref<102400000xf32, #tpu.memory_space<hbm>>
    tpu.enqueue_indirect_dma source(%dma_start3A_32 : memref<102400000xf32, #tpu.memory_space<hbm>>) target(%arg7 : memref<32xf32, #tpu.memory_space<vmem>>) offsets(%arg6 : memref<32xi32, #tpu.memory_space<vmem>>) semaphore(%arg8 : memref<!tpu.dma_semaphore, #tpu.memory_space<semaphore_mem>>)
    %dma_wait3A = arith.constant 0 : i32
    %dma_wait3A_33 = tpu.memref_slice %arg3[%dma_wait3A] : memref<102400000xf32, #tpu.memory_space<hbm>> -> memref<102400000xf32, #tpu.memory_space<hbm>>
    tpu.wait_indirect_dma semaphore(%arg8 : memref<!tpu.dma_semaphore, #tpu.memory_space<semaphore_mem>>) src(%dma_wait3A_33 : memref<102400000xf32, #tpu.memory_space<hbm>>) dst(%arg7 : memref<32xf32, #tpu.memory_space<vmem>>)
    "tpu.region"() ({
      %run_scoped3A = tpu.sem_alloc : memref<!tpu.dma_semaphore, #tpu.memory_space<semaphore_mem>>
      %dma_start3A_34 = tpu.memref_slice %arg4[%mul3A_2] : memref<1024xf32, #tpu.memory_space<hbm>> -> memref<32xf32, #tpu.memory_space<hbm>>
      %dma_start3A_35 = tpu.memref_slice %arg4[%mul3A_2] : memref<1024xf32, #tpu.memory_space<hbm>> -> memref<32xf32, #tpu.memory_space<hbm>>
      tpu.enqueue_dma source(%arg7 : memref<32xf32, #tpu.memory_space<vmem>>) target(%dma_start3A_35 : memref<32xf32, #tpu.memory_space<hbm>>) target_semaphore(%run_scoped3A : memref<!tpu.dma_semaphore, #tpu.memory_space<semaphore_mem>>)
      %dma_wait3A_36 = tpu.memref_slice %arg4[%mul3A_2] : memref<1024xf32, #tpu.memory_space<hbm>> -> memref<32xf32, #tpu.memory_space<hbm>>
      %dma_wait3A_37 = tpu.memref_slice %arg4[%mul3A_2] : memref<1024xf32, #tpu.memory_space<hbm>> -> memref<32xf32, #tpu.memory_space<hbm>>
      tpu.wait_dma2 semaphore(%run_scoped3A : memref<!tpu.dma_semaphore, #tpu.memory_space<semaphore_mem>>) src(%arg7 : memref<32xf32, #tpu.memory_space<vmem>>) dst(%dma_wait3A_37 : memref<32xf32, #tpu.memory_space<hbm>>)
      tpu.yield
    }) : () -> ()
    return
  }
}

module attributes {stable_mosaic.version = 14 : i64} {
  func.func @_tc_prep_body(%arg0: memref<1024x1xf32, #tpu.memory_space<vmem>>, %arg1: memref<1xf32, #tpu.memory_space<smem>>, %arg2: memref<1024x16xf32, #tpu.memory_space<vmem>>, %arg3: memref<1024x1xf32, #tpu.memory_space<vmem>>, %arg4: memref<1024x1xf32, #tpu.memory_space<vmem>>, %arg5: memref<1x16xf32, #tpu.memory_space<vmem>>) attributes {dimension_semantics = [], scalar_prefetch = 0 : i64, scratch_operands = 0 : i64, tpu.core_type = #tpu.core_type<tc>} {
    %get3A = arith.constant 0 : index
    %get3A_0 = arith.constant 0 : index
    %get3A_1 = vector.load %arg0[%get3A, %get3A_0] : memref<1024x1xf32, #tpu.memory_space<vmem>>, vector<1024x1xf32>
    %reduce_sum3A = vector.shape_cast %get3A_1 : vector<1024x1xf32> to vector<1x1024x1xf32>
    %reduce_sum3A_2 = arith.constant dense<0.000000e+00> : vector<1xf32>
    %reduce_sum3A_3 = vector.multi_reduction <add>, %reduce_sum3A, %reduce_sum3A_2 [1, 2] : vector<1x1024x1xf32> to vector<1xf32>
    %reduce_sum3A_4 = vector.shape_cast %reduce_sum3A_3 : vector<1xf32> to vector<1x1x1xf32>
    %reduce_sum3A_5 = vector.extract %reduce_sum3A_4[0, 0, 0] : f32 from vector<1x1x1xf32>
    %div3A = arith.constant 1.024000e+03 : f32
    %div3A_6 = arith.divf %reduce_sum3A_5, %div3A : f32
    %mul3A = arith.constant 0.00999999977 : f32
    %mul3A_7 = arith.mulf %mul3A, %div3A_6 : f32
    %get3A_8 = arith.constant 0 : index
    %get3A_9 = memref.load %arg1[%get3A_8] : memref<1xf32, #tpu.memory_space<smem>>
    %mul3A_10 = arith.constant 9.900000e-01 : f32
    %mul3A_11 = arith.mulf %mul3A_10, %get3A_9 : f32
    %add3A = arith.addf %mul3A_7, %mul3A_11 : f32
    %mul3A_12 = arith.mulf %get3A_1, %get3A_1 : vector<1024x1xf32>
    %sub3A = arith.constant 1.000000e+00 : f32
    %sub3A_13 = vector.broadcast %sub3A : f32 to vector<1024x1xf32>
    %sub3A_14 = arith.subf %sub3A_13, %mul3A_12 : vector<1024x1xf32>
    %sqrt3A = math.sqrt %sub3A_14 : vector<1024x1xf32>
    %mul3A_15 = arith.constant 0.87758255 : f32
    %mul3A_16 = vector.broadcast %mul3A_15 : f32 to vector<1024x1xf32>
    %mul3A_17 = arith.mulf %get3A_1, %mul3A_16 : vector<1024x1xf32>
    %mul3A_18 = arith.constant 0.47942555 : f32
    %mul3A_19 = vector.broadcast %mul3A_18 : f32 to vector<1024x1xf32>
    %mul3A_20 = arith.mulf %sqrt3A, %mul3A_19 : vector<1024x1xf32>
    %sub3A_21 = arith.subf %mul3A_17, %mul3A_20 : vector<1024x1xf32>
    %gt3A = arith.constant -0.87758255 : f32
    %gt3A_22 = vector.broadcast %gt3A : f32 to vector<1024x1xf32>
    %gt3A_23 = arith.cmpf ogt, %get3A_1, %gt3A_22 : vector<1024x1xf32>
    %sub3A_24 = arith.constant 0.239712775 : f32
    %sub3A_25 = vector.broadcast %sub3A_24 : f32 to vector<1024x1xf32>
    %sub3A_26 = arith.subf %get3A_1, %sub3A_25 : vector<1024x1xf32>
    %select_n3A = arith.select %gt3A_23, %sub3A_21, %sub3A_26 : vector<1024x1xi1>, vector<1024x1xf32>
    %mul3A_27 = arith.constant 6.400000e+01 : f32
    %mul3A_28 = vector.broadcast %mul3A_27 : f32 to vector<1024x1xf32>
    %mul3A_29 = arith.mulf %mul3A_28, %select_n3A : vector<1024x1xf32>
    %gt3A_30 = arith.cmpf ogt, %get3A_1, %sub3A_21 : vector<1024x1xf32>
    %add3A_31 = vector.broadcast %add3A : f32 to vector<1024x1xf32>
    %add3A_32 = arith.addf %add3A_31, %get3A_1 : vector<1024x1xf32>
    %mul3A_33 = arith.mulf %get3A_1, %add3A_32 : vector<1024x1xf32>
    %select_n3A_34 = arith.select %gt3A_30, %mul3A_33, %get3A_1 : vector<1024x1xi1>, vector<1024x1xf32>
    %broadcast_in_dim3A = vector.shape_cast %sub3A_21 : vector<1024x1xf32> to vector<1024x1xf32>
    %broadcast_in_dim3A_35 = vector.broadcast %broadcast_in_dim3A : vector<1024x1xf32> to vector<1024x16xf32>
    %swap3A = arith.constant 0 : index
    %swap3A_36 = arith.constant 0 : index
    %swap3A_37 = vector.load %arg2[%swap3A, %swap3A_36] : memref<1024x16xf32, #tpu.memory_space<vmem>>, vector<1024x16xf32>
    tpu.vector_store %arg2[%swap3A, %swap3A_36], %broadcast_in_dim3A_35 {strides = array<i32>} : memref<1024x16xf32, #tpu.memory_space<vmem>>, vector<1024x16xf32>,
    %swap3A_38 = arith.constant 0 : index
    %swap3A_39 = arith.constant 0 : index
    %swap3A_40 = vector.load %arg3[%swap3A_38, %swap3A_39] : memref<1024x1xf32, #tpu.memory_space<vmem>>, vector<1024x1xf32>
    tpu.vector_store %arg3[%swap3A_38, %swap3A_39], %mul3A_29 {strides = array<i32>} : memref<1024x1xf32, #tpu.memory_space<vmem>>, vector<1024x1xf32>,
    %exp3A = math.exp %mul3A_29 : vector<1024x1xf32>
    %mul3A_41 = arith.constant 6.400000e+01 : f32
    %mul3A_42 = vector.broadcast %mul3A_41 : f32 to vector<1024x1xf32>
    %mul3A_43 = arith.mulf %mul3A_42, %select_n3A_34 : vector<1024x1xf32>
    %exp3A_44 = math.exp %mul3A_43 : vector<1024x1xf32>
    %sub3A_45 = arith.subf %exp3A, %exp3A_44 : vector<1024x1xf32>
    %swap3A_46 = arith.constant 0 : index
    %swap3A_47 = arith.constant 0 : index
    %swap3A_48 = vector.load %arg4[%swap3A_46, %swap3A_47] : memref<1024x1xf32, #tpu.memory_space<vmem>>, vector<1024x1xf32>
    tpu.vector_store %arg4[%swap3A_46, %swap3A_47], %sub3A_45 {strides = array<i32>} : memref<1024x1xf32, #tpu.memory_space<vmem>>, vector<1024x1xf32>,
    %broadcast_in_dim3A_49 = arith.constant 1.000000e+00 : f32
    %broadcast_in_dim3A_50 = vector.broadcast %broadcast_in_dim3A_49 : f32 to vector<1x16xf32>
    %mul3A_51 = vector.broadcast %add3A : f32 to vector<1x16xf32>
    %mul3A_52 = arith.mulf %mul3A_51, %broadcast_in_dim3A_50 : vector<1x16xf32>
    %swap3A_53 = arith.constant 0 : index
    %swap3A_54 = arith.constant 0 : index
    %swap3A_55 = vector.load %arg5[%swap3A_53, %swap3A_54] : memref<1x16xf32, #tpu.memory_space<vmem>>, vector<1x16xf32>
    tpu.vector_store %arg5[%swap3A_53, %swap3A_54], %mul3A_52 {strides = array<i32>} : memref<1x16xf32, #tpu.memory_space<vmem>>, vector<1x16xf32>,
    return
  }
}

module attributes {stable_mosaic.version = 14 : i64} {
  func.func @_tc_loss_body(%arg0: i32, %arg1: memref<1024x1xf32, #tpu.memory_space<vmem>>, %arg2: memref<32x1xf32, #tpu.memory_space<vmem>>, %arg3: memref<1xf32, #tpu.memory_space<smem>>, %arg4: memref<32x100000xf32, #tpu.memory_space<vmem>>, %arg5: memref<1xf32, #tpu.memory_space<smem>>, %arg6: memref<1xf32, #tpu.memory_space<smem>>, %arg7: memref<1xf32, #tpu.memory_space<smem>>) attributes {dimension_semantics = [#tpu.dimension_semantics<arbitrary>], iteration_bounds = array<i64: 19>, scalar_prefetch = 0 : i64, scratch_operands = 2 : i64, tpu.core_type = #tpu.core_type<tc>, window_params = [{pipeline_mode = #tpu.pipeline_mode<synchronous>, transform_indices = @transform_0, window_bounds = array<i64: 1024, 1>}, {transform_indices = @transform_1, window_bounds = array<i64: 32, 1>}, {transform_indices = @transform_2, window_bounds = array<i64: 1>}, {transform_indices = @transform_3, window_bounds = array<i64: 32, 100000>}, {transform_indices = @transform_4, window_bounds = array<i64: 1>}]} {
    %eq3A = arith.constant 0 : i32
    %eq3A_0 = arith.cmpi eq, %arg0, %eq3A : i32
    %convert_element_type3A = arith.extui %eq3A_0 : i1 to i32
    %cond3A = arith.constant 0 : i32
    %cond3A_1 = arith.cmpi ne, %convert_element_type3A, %cond3A : i32
    scf.if %cond3A_1 {
      %get3A_62 = arith.constant 0 : index
      %get3A_63 = arith.constant 0 : index
      %get3A_64 = vector.load %arg1[%get3A_62, %get3A_63] : memref<1024x1xf32, #tpu.memory_space<vmem>>, vector<1024x1xf32>
      %reduce_sum3A_65 = vector.shape_cast %get3A_64 : vector<1024x1xf32> to vector<1x1024x1xf32>
      %reduce_sum3A_66 = arith.constant dense<0.000000e+00> : vector<1xf32>
      %reduce_sum3A_67 = vector.multi_reduction <add>, %reduce_sum3A_65, %reduce_sum3A_66 [1, 2] : vector<1x1024x1xf32> to vector<1xf32>
      %reduce_sum3A_68 = vector.shape_cast %reduce_sum3A_67 : vector<1xf32> to vector<1x1x1xf32>
      %reduce_sum3A_69 = vector.extract %reduce_sum3A_68[0, 0, 0] : f32 from vector<1x1x1xf32>
      %div3A = arith.constant 1.024000e+03 : f32
      %div3A_70 = arith.divf %reduce_sum3A_69, %div3A : f32
      %mul3A_71 = arith.constant 0.00999999977 : f32
      %mul3A_72 = arith.mulf %mul3A_71, %div3A_70 : f32
      %get3A_73 = arith.constant 0 : index
      %get3A_74 = memref.load %arg3[%get3A_73] : memref<1xf32, #tpu.memory_space<smem>>
      %mul3A_75 = arith.constant 9.900000e-01 : f32
      %mul3A_76 = arith.mulf %mul3A_75, %get3A_74 : f32
      %add3A_77 = arith.addf %mul3A_72, %mul3A_76 : f32
      %swap3A_78 = arith.constant 0 : index
      %swap3A_79 = memref.load %arg6[%swap3A_78] : memref<1xf32, #tpu.memory_space<smem>>
      memref.store %add3A_77, %arg6[%swap3A_78] : memref<1xf32, #tpu.memory_space<smem>>
      %swap3A_80 = arith.constant 0.000000e+00 : f32
      %swap3A_81 = arith.constant 0 : index
      %swap3A_82 = memref.load %arg7[%swap3A_81] : memref<1xf32, #tpu.memory_space<smem>>
      memref.store %swap3A_80, %arg7[%swap3A_81] : memref<1xf32, #tpu.memory_space<smem>>
    } else {
    }
    %get3A = arith.constant 0 : index
    %get3A_2 = memref.load %arg6[%get3A] : memref<1xf32, #tpu.memory_space<smem>>
    %get3A_3 = arith.constant 0 : index
    %get3A_4 = arith.constant 0 : index
    %get3A_5 = vector.load %arg2[%get3A_3, %get3A_4] : memref<32x1xf32, #tpu.memory_space<vmem>>, vector<32x1xf32>
    %mul3A = arith.mulf %get3A_5, %get3A_5 : vector<32x1xf32>
    %sub3A = arith.constant 1.000000e+00 : f32
    %sub3A_6 = vector.broadcast %sub3A : f32 to vector<32x1xf32>
    %sub3A_7 = arith.subf %sub3A_6, %mul3A : vector<32x1xf32>
    %sqrt3A = math.sqrt %sub3A_7 : vector<32x1xf32>
    %mul3A_8 = arith.constant 0.87758255 : f32
    %mul3A_9 = vector.broadcast %mul3A_8 : f32 to vector<32x1xf32>
    %mul3A_10 = arith.mulf %get3A_5, %mul3A_9 : vector<32x1xf32>
    %mul3A_11 = arith.constant 0.47942555 : f32
    %mul3A_12 = vector.broadcast %mul3A_11 : f32 to vector<32x1xf32>
    %mul3A_13 = arith.mulf %sqrt3A, %mul3A_12 : vector<32x1xf32>
    %sub3A_14 = arith.subf %mul3A_10, %mul3A_13 : vector<32x1xf32>
    %gt3A = arith.constant -0.87758255 : f32
    %gt3A_15 = vector.broadcast %gt3A : f32 to vector<32x1xf32>
    %gt3A_16 = arith.cmpf ogt, %get3A_5, %gt3A_15 : vector<32x1xf32>
    %sub3A_17 = arith.constant 0.239712775 : f32
    %sub3A_18 = vector.broadcast %sub3A_17 : f32 to vector<32x1xf32>
    %sub3A_19 = arith.subf %get3A_5, %sub3A_18 : vector<32x1xf32>
    %select_n3A = arith.select %gt3A_16, %sub3A_14, %sub3A_19 : vector<32x1xi1>, vector<32x1xf32>
    %mul3A_20 = arith.constant 6.400000e+01 : f32
    %mul3A_21 = vector.broadcast %mul3A_20 : f32 to vector<32x1xf32>
    %mul3A_22 = arith.mulf %mul3A_21, %select_n3A : vector<32x1xf32>
    %gt3A_23 = arith.cmpf ogt, %get3A_5, %sub3A_14 : vector<32x1xf32>
    %add3A = vector.broadcast %get3A_2 : f32 to vector<32x1xf32>
    %add3A_24 = arith.addf %add3A, %get3A_5 : vector<32x1xf32>
    %mul3A_25 = arith.mulf %get3A_5, %add3A_24 : vector<32x1xf32>
    %select_n3A_26 = arith.select %gt3A_23, %mul3A_25, %get3A_5 : vector<32x1xi1>, vector<32x1xf32>
    %exp3A = math.exp %mul3A_22 : vector<32x1xf32>
    %mul3A_27 = arith.constant 6.400000e+01 : f32
    %mul3A_28 = vector.broadcast %mul3A_27 : f32 to vector<32x1xf32>
    %mul3A_29 = arith.mulf %mul3A_28, %select_n3A_26 : vector<32x1xf32>
    %exp3A_30 = math.exp %mul3A_29 : vector<32x1xf32>
    %sub3A_31 = arith.subf %exp3A, %exp3A_30 : vector<32x1xf32>
    %get3A_32 = arith.constant 0 : index
    %get3A_33 = arith.constant 0 : index
    %get3A_34 = vector.load %arg4[%get3A_32, %get3A_33] : memref<32x100000xf32, #tpu.memory_space<vmem>>, vector<32x100000xf32>
    %gt3A_35 = vector.broadcast %sub3A_14 : vector<32x1xf32> to vector<32x100000xf32>
    %gt3A_36 = arith.cmpf ogt, %get3A_34, %gt3A_35 : vector<32x100000xf32>
    %add3A_37 = vector.broadcast %get3A_2 : f32 to vector<32x100000xf32>
    %add3A_38 = arith.addf %add3A_37, %get3A_34 : vector<32x100000xf32>
    %mul3A_39 = arith.mulf %get3A_34, %add3A_38 : vector<32x100000xf32>
    %select_n3A_40 = arith.select %gt3A_36, %mul3A_39, %get3A_34 : vector<32x100000xi1>, vector<32x100000xf32>
    %mul3A_41 = arith.constant 6.400000e+01 : f32
    %mul3A_42 = vector.broadcast %mul3A_41 : f32 to vector<32x100000xf32>
    %mul3A_43 = arith.mulf %mul3A_42, %select_n3A_40 : vector<32x100000xf32>
    %exp3A_44 = math.exp %mul3A_43 : vector<32x100000xf32>
    %reduce_sum3A = arith.constant dense<0.000000e+00> : vector<32xf32>
    %reduce_sum3A_45 = vector.multi_reduction <add>, %exp3A_44, %reduce_sum3A [1] : vector<32x100000xf32> to vector<32xf32>
    %broadcast_in_dim3A = vector.shape_cast %reduce_sum3A_45 : vector<32xf32> to vector<32x1xf32>
    %add3A_46 = arith.addf %broadcast_in_dim3A, %sub3A_31 : vector<32x1xf32>
    %get3A_47 = arith.constant 0 : index
    %get3A_48 = memref.load %arg7[%get3A_47] : memref<1xf32, #tpu.memory_space<smem>>
    %log3A = math.log %add3A_46 : vector<32x1xf32>
    %sub3A_49 = arith.subf %mul3A_22, %log3A : vector<32x1xf32>
    %reduce_sum3A_50 = vector.shape_cast %sub3A_49 : vector<32x1xf32> to vector<1x32x1xf32>
    %reduce_sum3A_51 = arith.constant dense<0.000000e+00> : vector<1xf32>
    %reduce_sum3A_52 = vector.multi_reduction <add>, %reduce_sum3A_50, %reduce_sum3A_51 [1, 2] : vector<1x32x1xf32> to vector<1xf32>
    %reduce_sum3A_53 = vector.shape_cast %reduce_sum3A_52 : vector<1xf32> to vector<1x1x1xf32>
    %reduce_sum3A_54 = vector.extract %reduce_sum3A_53[0, 0, 0] : f32 from vector<1x1x1xf32>
    %add3A_55 = arith.addf %get3A_48, %reduce_sum3A_54 : f32
    %swap3A = arith.constant 0 : index
    %swap3A_56 = memref.load %arg7[%swap3A] : memref<1xf32, #tpu.memory_space<smem>>
    memref.store %add3A_55, %arg7[%swap3A] : memref<1xf32, #tpu.memory_space<smem>>
    %eq3A_57 = arith.constant 18 : i32
    %eq3A_58 = arith.cmpi eq, %arg0, %eq3A_57 : i32
    %convert_element_type3A_59 = arith.extui %eq3A_58 : i1 to i32
    %cond3A_60 = arith.constant 0 : i32
    %cond3A_61 = arith.cmpi ne, %convert_element_type3A_59, %cond3A_60 : i32
    scf.if %cond3A_61 {
      %get3A_62 = arith.constant 0 : index
      %get3A_63 = memref.load %arg7[%get3A_62] : memref<1xf32, #tpu.memory_space<smem>>
      %swap3A_64 = arith.constant 0 : index
      %swap3A_65 = memref.load %arg5[%swap3A_64] : memref<1xf32, #tpu.memory_space<smem>>
      memref.store %get3A_63, %arg5[%swap3A_64] : memref<1xf32, #tpu.memory_space<smem>>
    } else {
    }
    return
  }
  func.func @transform_0(%arg0: i32) -> (i32, i32) {
    %c0_i32 = arith.constant 0 : i32
    %c0_i32_0 = arith.constant 0 : i32
    %c0_i32_1 = arith.constant 0 : i32
    return %c0_i32, %c0_i32_0 : i32, i32
  }
  func.func @transform_1(%arg0: i32) -> (i32, i32) {
    %c0_i32 = arith.constant 0 : i32
    %c0_i32_0 = arith.constant 0 : i32
    return %arg0, %c0_i32 : i32, i32
  }
  func.func @transform_2(%arg0: i32) -> i32 {
    %c0_i32 = arith.constant 0 : i32
    %c0_i32_0 = arith.constant 0 : i32
    return %c0_i32 : i32
  }
  func.func @transform_3(%arg0: i32) -> (i32, i32) {
    %c0_i32 = arith.constant 0 : i32
    %c0_i32_0 = arith.constant 0 : i32
    return %arg0, %c0_i32 : i32, i32
  }
  func.func @transform_4(%arg0: i32) -> i32 {
    %c0_i32 = arith.constant 0 : i32
    %c0_i32_0 = arith.constant 0 : i32
    return %c0_i32 : i32
  }
}

module attributes {stable_mosaic.version = 14 : i64} {
  func.func @_tc_epilogue_body(%arg0: memref<1xf32, #tpu.memory_space<smem>>, %arg1: memref<416x1xf32, #tpu.memory_space<vmem>>, %arg2: memref<416x1xf32, #tpu.memory_space<vmem>>, %arg3: memref<416x16xf32, #tpu.memory_space<vmem>>, %arg4: memref<1xf32, #tpu.memory_space<smem>>) attributes {dimension_semantics = [], scalar_prefetch = 0 : i64, scratch_operands = 0 : i64, tpu.core_type = #tpu.core_type<tc>} {
    %get3A = arith.constant 0 : index
    %get3A_0 = arith.constant 0 : index
    %get3A_1 = vector.load %arg3[%get3A, %get3A_0] : memref<416x16xf32, #tpu.memory_space<vmem>>, vector<416x16xf32>
    %reduce_sum3A = arith.constant dense<0.000000e+00> : vector<416xf32>
    %reduce_sum3A_2 = vector.multi_reduction <add>, %get3A_1, %reduce_sum3A [1] : vector<416x16xf32> to vector<416xf32>
    %broadcast_in_dim3A = vector.shape_cast %reduce_sum3A_2 : vector<416xf32> to vector<416x1xf32>
    %get3A_3 = arith.constant 0 : index
    %get3A_4 = arith.constant 0 : index
    %get3A_5 = vector.load %arg2[%get3A_3, %get3A_4] : memref<416x1xf32, #tpu.memory_space<vmem>>, vector<416x1xf32>
    %add3A = arith.addf %broadcast_in_dim3A, %get3A_5 : vector<416x1xf32>
    %get3A_6 = arith.constant 0 : index
    %get3A_7 = arith.constant 0 : index
    %get3A_8 = vector.load %arg1[%get3A_6, %get3A_7] : memref<416x1xf32, #tpu.memory_space<vmem>>, vector<416x1xf32>
    %log3A = math.log %add3A : vector<416x1xf32>
    %sub3A = arith.subf %get3A_8, %log3A : vector<416x1xf32>
    %reduce_sum3A_9 = vector.shape_cast %sub3A : vector<416x1xf32> to vector<1x416x1xf32>
    %reduce_sum3A_10 = arith.constant dense<0.000000e+00> : vector<1xf32>
    %reduce_sum3A_11 = vector.multi_reduction <add>, %reduce_sum3A_9, %reduce_sum3A_10 [1, 2] : vector<1x416x1xf32> to vector<1xf32>
    %reduce_sum3A_12 = vector.shape_cast %reduce_sum3A_11 : vector<1xf32> to vector<1x1x1xf32>
    %reduce_sum3A_13 = vector.extract %reduce_sum3A_12[0, 0, 0] : f32 from vector<1x1x1xf32>
    %get3A_14 = arith.constant 0 : index
    %get3A_15 = memref.load %arg0[%get3A_14] : memref<1xf32, #tpu.memory_space<smem>>
    %add3A_16 = arith.addf %get3A_15, %reduce_sum3A_13 : f32
    %neg3A = arith.constant 0.000000e+00 : f32
    %neg3A_17 = arith.subf %neg3A, %add3A_16 : f32
    %div3A = arith.constant 1.024000e+03 : f32
    %div3A_18 = arith.divf %neg3A_17, %div3A : f32
    %swap3A = arith.constant 0 : index
    %swap3A_19 = memref.load %arg4[%swap3A] : memref<1xf32, #tpu.memory_space<smem>>
    memref.store %div3A_18, %arg4[%swap3A] : memref<1xf32, #tpu.memory_space<smem>>
    return
  }
}

</mosaic_0001>

<sc_bundles>
// kernel: kernel.10.cloned.1.call-start
scs
__scs_entry_jumppad:
0x0: {  	(pc) =	sbr.rel $0x88, $3  }
0x1: {  	(tag) =	ssettag $0x0;
	lr =	simm.s32 $0x1  }
0x2: {  	[smem:$0x3F9E] =	sst lr;
	_ =	strace $0xD0000000  }
0x3: {  	_ = 	snop  }
0x4: {  	_ = 	snop  }
0x5: {  	_ = 	snop  }
0x6: {  	_ = 	snop  }
0x7: {  	_ = 	snop  }
__scs_overlays_trampoline_lowered:
0x8: {  	[smem:$0x3FAD] =	sst s0  }
0x9: {  	[smem:$0x3FAE] =	sst s1  }
0xa: {  	[smem:$0x3FAF] =	sst s2  }
0xb: {  	[smem:$0x3FB0] =	sst s3  }
0xc: {  	[smem:$0x3FB1] =	sst s4  }
0xd: {  	[smem:$0x3FB2] =	sst s5  }
0xe: {  	[smem:$0x3FB3] =	sst s6  }
0xf: {  	[smem:$0x3FB4] =	sst s7  }
0x10: {  	[smem:$0x3FB5] =	sst s8  }
0x11: {  	[smem:$0x3FB6] =	sst s9;
	s0 =	simm.s32 @!p0 $0x0  }
0x12: {  	s1 =	sld [smem:$0x3F9C];
	s0 =	simm.s32 @p0 $0x1  }
0x13: {  	[smem:$0x3FB7] =	sst s0;
	s0 =	simm.s32 @!p1 $0x0  }
0x14: {  	s2 =	sld [smem:$0x3F9B];
	s0 =	simm.s32 @p1 $0x1  }
0x15: {  	[smem:$0x3FB8] =	sst s0;
	s0 =	simm.s32 @!p2 $0x0  }
0x16: {  	s3 =	sld [smem:$0x3FDB];
	s0 =	simm.s32 @p2 $0x1  }
0x17: {  	s4 =	simm.s32 $0x1BF5;
	[smem:$0x3FBA] =	sst s0  }
0x18: {  	s0 =	sld [smem:$0x3F9D];
	_ =	swait.ge [sflag:s4], $0x0  }
0x19: {  	s7 =	sld [smem:$0x3F9E]  }
0x1a: {  	s8 =	sadd.s32 $0xFFFFE003, lr  }
0x1b: {  	s9 =	sadd.s32 $0xFFFFFEF7, lr;
	s5 =	simm.s32 $0xFFFFFFFF;
	p2 =	slt.u32 s8, $0xFFFFF086  }
0x1c: {  	p1 =	slt.u32 s9, $0xF7A;
	s5 =	simm.s32 @!p2 $0x0  }
0x1d: {  	s5 =	simm.s32 @p1 $0x1;
	p0 =	seq.s32 s7, s2  }
0x1e: {  	s7 =	smul.u32 @!p0 $0xF7A, s2;
	p2 =	seq.s32 @!p0 s5, $0x0  }
0x1f: {  	s9 =	smul.u32 $0xF7A, s1;
	s8 =	simm.s32 @!p0 $0x1BF5;
	p2 =	por !p2, p0  }
0x20: {  	[sflag:s8] =	ssyncset.s32 @!p0 $0xFFFFF086;
	s6 =	sadd.s32 @!p0 s3, s7;
	s7 =	simm.s32 @!p0 $0x108  }
0x21: {  	s3 =	sadd.s32 s3, s9;
	s6 =	sadd.s32 @!p0 $0x88, s6;
	s7 =	simm.s32 @p2 $0x1082  }
0x22: {  	[simem:s7], [sflag:s8] =	dma.local @!p0 [hbm:s6], $0xF7A  }
0x23: {  	s9 =	sor.u32 $0xD0000000, s2;
	s6 =	simm.s32 $0x108;
	_ =	swait.ge @!p0 [sflag:s8], $0x0  }
0x24: {  	s3 =	sadd.s32 $0x88, s3;
	s6 =	simm.s32 @!p1 $0x1082;
	[sflag:s4] =	ssyncset.s32 $0xFFFFF086  }
0x25: {  	[simem:s6], [sflag:s4] =	dma.local [hbm:s3], $0xF7A  }
0x26: {  	[smem:$0x3F9E] =	sst s1;
	(tag) =	ssettag s2;
	_ =	strace s9  }
0x27: {  	s1 =	sld [smem:$0x3FAE]  }
0x28: {  	s2 =	sld [smem:$0x3FAF]  }
0x29: {  	s4 =	sld [smem:$0x3FB1]  }
0x2a: {  	p0 =	seq.s32 s5, $0x0;
	s5 =	sld [smem:$0x3FB2]  }
0x2b: {  	s6 =	sld [smem:$0x3FB3]  }
0x2c: {  	s7 =	sld [smem:$0x3FB4]  }
0x2d: {  	s3 =	simm.s32 $0x108;
	s8 =	sld [smem:$0x3FB5]  }
0x2e: {  	s3 =	simm.s32 @!p0 $0x1082;
	s9 =	sld [smem:$0x3FB6]  }
0x2f: {  	lr =	sadd.s32 s0, s3;
	s0 =	sld [smem:$0x3FAD]  }
0x30: {  	s3 =	sld [smem:$0x3FB0]  }
0x31: {  	[smem:$0x3FB9] =	sst s10  }
0x32: {  	s10 =	sld [smem:$0x3FB7];
	_ =	sdelay $0x3  }
0x33: {  	p0 =	seq.s32 s10, $0x1;
	s10 =	sld [smem:$0x3FB9];
	_ =	sdelay $0x3  }
0x34: {  	[smem:$0x3FB9] =	sst s10  }
0x35: {  	s10 =	sld [smem:$0x3FB8];
	_ =	sdelay $0x3  }
0x36: {  	p1 =	seq.s32 s10, $0x1;
	s10 =	sld [smem:$0x3FB9];
	_ =	sdelay $0x3  }
0x37: {  	[smem:$0x3FB9] =	sst s10  }
0x38: {  	s10 =	sld [smem:$0x3FBA]  }
0x39: {  	_ = 	snop;
	(pc) =	sbr.ind lr, $3  }
0x3a: {  	_ = 	snop  }
0x3b: {  	_ = 	snop  }
0x3c: {  	p2 =	seq.s32 s10, $0x1;
	s10 =	sld [smem:$0x3FB9]  }
0x3d: {  	_ =	shalt  }
0x3e: {  	_ =	shalt  }
0x3f: {  	_ =	shalt  }
0x40: {  	_ =	shalt  }
0x41: {  	_ =	shalt  }
0x42: {  	_ =	shalt  }
0x43: {  	_ =	shalt  }
0x44: {  	_ =	shalt  }
0x45: {  	_ =	shalt  }
0x46: {  	_ =	shalt  }
0x47: {  	_ =	shalt  }
0x48: {  	_ =	shalt  }
0x49: {  	_ =	shalt  }
0x4a: {  	_ =	shalt  }
0x4b: {  	_ =	shalt  }
0x4c: {  	_ =	shalt  }
0x4d: {  	_ =	shalt  }
0x4e: {  	_ =	shalt  }
0x4f: {  	_ =	shalt  }
0x50: {  	_ =	shalt  }
0x51: {  	_ =	shalt  }
0x52: {  	_ =	shalt  }
0x53: {  	_ =	shalt  }
0x54: {  	_ =	shalt  }
0x55: {  	_ =	shalt  }
0x56: {  	_ =	shalt  }
0x57: {  	_ =	shalt  }
0x58: {  	_ =	shalt  }
0x59: {  	_ =	shalt  }
0x5a: {  	_ =	shalt  }
0x5b: {  	_ =	shalt  }
0x5c: {  	_ =	shalt  }
0x5d: {  	_ =	shalt  }
0x5e: {  	_ =	shalt  }
0x5f: {  	_ =	shalt  }
0x60: {  	_ =	shalt  }
0x61: {  	_ =	shalt  }
0x62: {  	_ =	shalt  }
0x63: {  	_ =	shalt  }
0x64: {  	_ =	shalt  }
0x65: {  	_ =	shalt  }
0x66: {  	_ =	shalt  }
0x67: {  	_ =	shalt  }
0x68: {  	_ =	shalt  }
0x69: {  	_ =	shalt  }
0x6a: {  	_ =	shalt  }
0x6b: {  	_ =	shalt  }
0x6c: {  	_ =	shalt  }
0x6d: {  	_ =	shalt  }
0x6e: {  	_ =	shalt  }
0x6f: {  	_ =	shalt  }
0x70: {  	_ =	shalt  }
0x71: {  	_ =	shalt  }
0x72: {  	_ =	shalt  }
0x73: {  	_ =	shalt  }
0x74: {  	_ =	shalt  }
0x75: {  	_ =	shalt  }
0x76: {  	_ =	shalt  }
0x77: {  	_ =	shalt  }
0x78: {  	_ =	shalt  }
0x79: {  	_ =	shalt  }
0x7a: {  	_ =	shalt  }
0x7b: {  	_ =	shalt  }
0x7c: {  	_ =	shalt  }
0x7d: {  	_ =	shalt  }
0x7e: {  	_ =	shalt  }
0x7f: {  	_ =	shalt  }
0x80: {  	_ =	shalt  }
0x81: {  	_ =	shalt  }
0x82: {  	_ =	shalt  }
0x83: {  	_ =	shalt  }
0x84: {  	_ =	shalt  }
0x85: {  	_ =	shalt  }
0x86: {  	_ =	shalt  }
0x87: {  	_ =	shalt  }
.Lfunc_end0:
.L_simem_size_0:
called_computation.1_lowered:
.L_overlay_start_0:
0x88: {  	s2 =	sld [smem:$0x3FD9]  }
0x89: {  	s3 =	sld [smem:$0x3FFE];
	_ =	sdelay $0x1  }
0x8a: {  	s1 =	srdreg.scid  }
0x8b: {  	s0 =	sand.u32 $0x1, s1  }
0x8c: {  	s17 =	sshll.u32 s0, $0xA;
	s2 =	sadd.s32 s3, s2  }
0x8d: {  	s2 =	sadd.s32 s2, s17  }
0x8e: {  	[smem:$0x3FC5] =	sst s2  }
0x8f: {  	_ = 	snop  }
0x90: {  	s2 =	sld [smem:$0x3FD0];
	(tm) =	ssettm $0x1  }
0x91: {  	s18 =	sld [smem:$0x3FFB];
	_ =	sdelay $0x3  }
0x92: {  	_ =	strace s18  }
0x93: {  	s3 =	sld [smem:$0x3FFC];
	_ =	sdelay $0x3  }
0x94: {  	_ =	strace s3  }
0x95: {  	s3 =	sld [smem:$0x3FFD];
	_ =	sdelay $0x3  }
0x96: {  	_ =	strace s3  }
0x97: {  	_ =	strace $0x8FFFFFFF  }
0x98: {  	s19 =	sld [smem:$0x3FDB];
	_ =	sdelay $0x1  }
0x99: {  	s4 =	simm.s32 $_scs_section_size  }
0x9a: {  	s5 =	simm.s32 $_size__tile_overlayer_lowered;
	s6 =	simm.s32 $_tile_overlayer_lowered  }
0x9b: {  	s22 =	simm.s32 $0x1BFF;
	s21 =	sshll.u32 s6, $0x1;
	s3 =	sadd.s32 s4, s19  }
0x9c: {  	s7 =	simm.s32 $0x0;
	s20 =	sshll.u32 s5, $0x1;
	s5 =	sadd.s32 s21, s3  }
0x9d: {  	[timem:s7], [sflag:s22] =	dma.local [hbm:s5], s20  }
0x9e: {  	_ =	swait.ge [sflag:s22], s20  }
0x9f: {  	s4 =	ssub.s32 $0x0, s20;
	[sflag:s22] =	ssyncset.done $0x0  }
0xa0: {  	[sflag:s22] =	ssyncadd.s32 s4;
	_ =	sdelay $0x1  }
0xa1: {  	s23 =	simm.s32 $0x1B8B  }
0xa2: {  	_ =	swait.ge [sflag:s23], $0x1  }
0xa3: {  	[sflag:s23] =	ssyncset.done $0x0  }
0xa4: {  	s25 =	simm.s32 $0x1B8E;
	s24 =	sld [smem:$0x3FFE];
	[sflag:s23] =	ssyncadd.s32 $0xFFFFFFFF  }
0xa5: {  	s26 =	simm.s32 $execute0_lowered;
	[smem:$0x3FD2] =	sst s25  }
0xa6: {  	s5 =	sshll.u32 s26, $0x1;
	_ =	strace $0x80000049;
	[dreg:$0x1] =	wrdreg $0xFFFFFFFF  }
0xa7: {  	s28 =	simm.s32 $_size_execute0_lowered;
	s3 =	sadd.s32 s3, s5;
	[dreg:$0x0] =	wrdreg $0x0  }
0xa8: {  	s5 =	sshll.u32 s28, $0x1;
	[dreg:$0x2] =	wrdreg s3  }
0xa9: {  	[dreg:$0x3] =	wrdreg s5  }
0xaa: {  	[dreg:$0x4] =	wrdreg $0xC0  }
0xab: {  	_ =	task [dreg:s7], $0x5FFFF  }
0xac: {  	[dreg:$0x1] =	wrdreg $0xFFFFFFFF  }
0xad: {  	[dreg:$0x0] =	wrdreg $0x60  }
0xae: {  	[dreg:$0x2] =	wrdreg s24  }
0xaf: {  	[dreg:$0x3] =	wrdreg s2  }
0xb0: {  	[dreg:$0x4] =	wrdreg $0x9  }
0xb1: {  	_ =	task.clear_ibuf [dreg:s7], $0x5FFFF;
	_ =	strace $0x90000049  }
0xb2: {  	s29 =	simm.s32 $0x9;
	_ =	strace $0x8000004B  }
0xb3: {  	_ =	swait.ge [sflag:s29], $0x1  }
0xb4: {  	[sflag:s29] =	ssyncadd.s32 $0xFFFFFFFF  }
0xb5: {  	_ =	strace $0x9000004B  }
0xb6: {  	_ =	sfence  }
0xb7: {  	s30 =	sld [smem:$0x0];
	_ =	sdelay $0x2  }
0xb8: {  	s31 =	sshll.u32 s1, $0xD;
	s1 =	sshrl.u32 s1, $0x2  }
0xb9: {  	s3 =	sand.u32 $0x4000, s31;
	s1 =	sadd.s32 s1, s30  }
0xba: {  	s0 =	sor.u32 s3, s0;
	s1 =	sshll.u32 s1, $0x11  }
0xbb: {  	s0 =	sor.u32 s1, s0  }
0xbc: {  	s0 =	sadd.s32 $0x8F2B, s0  }
0xbd: {  	[sflag:s0] =	ssyncadd.remote.s32 $0x1  }
0xbe: {  	_ =	sfence.sel $0xFFFF  }
0xbf: {  	[dreg:$0x0] =	wrdreg $0xFFFFFFFF;
	(pc) =	sbr.abs _section_cstart, $3  }
0xc0: {  	[dreg:$0x1] =	wrdreg $0xFFFFFFFF  }
0xc1: {  	_ =	task.clear_ibuf [dreg:s7], $0x2FFFF;
	_ =	strace $0x9FFFFFFF  }
0xc2: {  	(tm) =	ssettm $0x7FFFFFFF  }
0xc3: {  	_ =	shalt  }
tec
execute0_lowered:
.L_overlay_start_1:
0x0: {  	(tag) =	ssettag $0x1  }
0x1: {  	s0 =	srdreg.scid;
	s1 =	stileid.u32  }
0x2: {  	s0 =	sand.u32 $0x1, s0;
	s1 =	sshll.u32 s1, $0x1  }
0x3: {  	s1 =	sor.u32 s0, s1  }
0x4: {  	s4 =	smul.u32 $0xD, s1  }
0x5: {  	s2 =	rddreg [dreg:$0x0];
	s3 =	simm.s32 $0x0;
	s5 =	smul.u32 $0x13D620, s1  }
0x6: {  	[smem:$0x7FF] =	sst s3;
	s1 =	smul.u32 $0x1A, s1  }
0x7: {  	s7 =	sadd.s32 $0xC39400, s2;
	_ =	strace $0x8000004A  }
0x8: {  	s4 =	sadd.s32 $0x260, s4;
	s5 =	sshrl.u32 s5, $0x3;
	s1 =	sadd.s32 s1, s2  }
0x9: {  	s6 =	sshll.u32 s4, $0x1;
	s5 =	sadd.s32 s7, s5;
	s4 =	smul.u32 $0x186A0, s4  }
0xa: {  	s31 =	sadd.s32 $0x187AC00, s1;
	s19 =	sadd.s32 $0x742854, s5  }
0xb: {  	s8 =	simm.s32 $0x0;
	s20 =	sadd.s32 $0x7440BE, s5;
	s21 =	sadd.s32 $0x745928, s5  }
0xc: {  	s0 =	ssub.s32 $0x2, s0;
	s22 =	sadd.s32 $0x747192, s5;
	s23 =	sadd.s32 $0x7489FC, s5  }
0xd: {  	s25 =	sshrl.u32 s0, $0x1;
	s24 =	sadd.s32 $0x74A266, s5;
	s11 =	sadd.s32 $0x74BAD0, s5  }
0xe: {  	s0 =	ssub.s32 s0, s25;
	s12 =	sadd.s32 $0x74D33A, s5;
	s13 =	sadd.s32 $0x74EBA4, s5  }
0xf: {  	s1 =	smax.u32 s0, $0x1;
	s14 =	sadd.s32 $0x75040E, s5;
	s15 =	sadd.s32 $0x751C78, s5  }
0x10: {  	s6 =	sadd.s32 s6, s2;
	s16 =	sadd.s32 $0x7534E2, s5;
	s17 =	sadd.s32 $0x754D4C, s5  }
0x11: {  	s18 =	sadd.s32 $0x7565B6, s5;
	s25 =	sadd.s32 $0x76109C, s5;
	[dreg:$0x4] =	wrdreg s19  }
0x12: {  	s28 =	sadd.s32 $0x762906, s5;
	s29 =	sadd.s32 $0x764170, s5;
	[dreg:$0x5] =	wrdreg s20  }
0x13: {  	s30 =	sadd.s32 $0x7659DA, s5;
	s2 =	simm.s32 $0x3;
	[dreg:$0x6] =	wrdreg s21  }
0x14: {  	s6 =	sadd.s32 $0x187A400, s6;
	[dreg:$0x7] =	wrdreg s22;
	s19 =	sadd.s32 $0x757E20, s5  }
0x15: {  	[dreg:$0x8] =	wrdreg s23;
	s20 =	sadd.s32 $0x75968A, s5;
	s21 =	sadd.s32 $0x75AEF4, s5  }
0x16: {  	[dreg:$0x9] =	wrdreg s24;
	s22 =	sadd.s32 $0x75C75E, s5;
	s23 =	sadd.s32 $0x75DFC8, s5  }
0x17: {  	s26 =	sshrl.u32 s4, $0x3;
	s24 =	sadd.s32 $0x75F832, s5;
	s4 =	simm.s32 $0x180  }
0x18: {  	s5 =	simm.s32 $0xC500;
	[dreg:$0x3] =	wrdreg s6;
	s26 =	sadd.s32 s7, s26  }
0x19: {  	s6 =	simm.s32 $0x1;
	s7 =	simm.s32 $0x2;
	s0 =	sadd.s32 $0x186A, s26  }
.LBB2_1:
0x1a: {  	s9 =	rddreg [dreg:$0x3]  }
0x1b: {  	[tilespmem:s3], [sflag:$0x3] =	stream.linear.gather [hbm4b:s9+s3], $0xD0, $0x38;
	[tilespmem:$0x18980] =	vst v63  }
0x1c: {  	_ =	swait.ge [sflag:s2], $0xD0  }
0x1d: {  	[sflag:s2] =	ssyncset.done $0x0  }
0x1e: {  	[sflag:s2] =	ssyncadd.s32 $0xFFFFFF30  }
0x1f: {  	s10 =	simm.s32 $0x100;
	s9 =	rddreg [dreg:$0x1]  }
0x20: {  	[tilespmem:s10], [sflag:$0x3] =	stream.linear.gather [hbm4b:s9+s3], $0x80, $0x38;
	[tilespmem:$0x18980] =	vst v63  }
0x21: {  	_ =	swait.ge [sflag:s2], $0x80  }
0x22: {  	[sflag:s2] =	ssyncset.done $0x0  }
0x23: {  	[sflag:s2] =	ssyncadd.s32 $0xFFFFFF80  }
0x24: {  	v0 =	vld [tilespmem:$0x100];
	[tilespmem:s4], [sflag:$0x1] =	stream.linear.gather [hbm4b:s26+s3], $0xC350, $0x38  }
0x25: {  	_ = 	snop  }
0x26: {  	[tilespmem:s5], [sflag:$0x2] =	stream.linear.gather [hbm4b:s0+s3], $0xC350, $0x38;
	[tilespmem:$0x18980] =	vst v63  }
0x27: {  	v1 =	vld [tilespmem:$0x0];
	_ =	swait.ge [sflag:s6], $0xC350  }
0x28: {  	[sflag:s6] =	ssyncset.done $0x0  }
0x29: {  	s10 =	simm.s32 $0x0;
	[sflag:s6] =	ssyncadd.s32 $0xFFFF3CB0  }
0x2a: {  	v2 =	vld [tilespmem:s10+$0x180];
	_ =	sdelay $0x3  }
0x2b: {  	s10 =	simm.s32 $0x10  }
0x2c: {  	v3 =	vld [tilespmem:s10+$0x180];
	v4 =	vadd.f32 v2, v0;
	_ =	sdelay $0x1  }
0x2d: {  	v4 =	vmul.f32 v4, v2  }
0x2e: {  	vm0 =	vgt.f32 v2, v1  }
0x2f: {  	v2 =	vsel vm0, v4, v2  }
0x30: {  	v6 =	vadd.f32 v3, v0;
	v2 =	vmul.f32 $6.400000000e+01, v2  }
0x31: {  	s10 =	simm.s32 $0x20  }
0x32: {  	v5 =	vld [tilespmem:s10+$0x180];
	v6 =	vmul.f32 v6, v3;
	v2 =	vmul.f32 $1.442695020e+00, v2  }
0x33: {  	vm14 =	vgt.f32 v3, v1  }
0x34: {  	v3 =	vsel vm14, v6, v3;
	(erf) = vpow2.f32 v2  }
0x35: {  	v3 =	vmul.f32 $6.400000000e+01, v3;
	_ =	sdelay $0x1  }
0x36: {  	s10 =	simm.s32 $0x30;
	v4 =	vadd.f32 v5, v0;
	v6 =	vmul.f32 $1.442695020e+00, v3  }
0x37: {  	v3 =	vld [tilespmem:s10+$0x180]  }
0x38: {  	v4 =	vmul.f32 v4, v5;
	(erf) = vpow2.f32 v6  }
0x39: {  	vm15 =	vgt.f32 v5, v1  }
0x3a: {  	v4 =	vsel vm15, v4, v5  }
0x3b: {  	s9 =	simm.s32 $0x100;
	v2 =	vimm.f32 $0.0e+00;
	v4 =	vmul.f32 $6.400000000e+01, v4  }
.LBB2_2:
0x3c: {  	s10 =	sshra.s32 s9, $0x2;
	p0 =	sne.s32 s9, $0x30D00;
	s9 =	sadd.s32 $0x40, s9;
	v5 =	vadd.f32 v3, v0;
	v6 =	vpop (erf);
	v7 =	vmov v3  }
.Ltmp0:
0x3d: {  	v3 =	vld [tilespmem:s10+$0x180];
	v4 =	vmul.f32 $1.442695020e+00, v4;
	v2 =	vadd.f32 v6, v2;
	(pc) =	sbr.rel @p0 .LBB2_2-.Ltmp0, $4  }
0x3e: {  	v5 =	vmul.f32 v5, v7  }
0x3f: {  	vm0 =	vgt.f32 v7, v1;
	(erf) = vpow2.f32 v4  }
0x40: {  	v4 =	vsel vm0, v5, v7  }
0x41: {  	v4 =	vmul.f32 $6.400000000e+01, v4  }
0x42: {  	v5 =	vadd.f32 v3, v0;
	_ =	sdelay $0x1  }
0x43: {  	v5 =	vmul.f32 v5, v3  }
0x44: {  	vm0 =	vgt.f32 v3, v1  }
0x45: {  	v3 =	vsel vm0, v5, v3  }
0x46: {  	v3 =	vmul.f32 $6.400000000e+01, v3  }
0x47: {  	v4 =	vmul.f32 $1.442695020e+00, v4  }
0x48: {  	v3 =	vmul.f32 $1.442695020e+00, v3  }
0x49: {  	(erf) = vpow2.f32 v4  }
0x4a: {  	(erf) = vpow2.f32 v3;
	_ =	sdelay $0x5  }
0x4b: {  	v3 =	vpop (erf)  }
0x4c: {  	v4 =	vpop (erf)  }
0x4d: {  	s9 =	simm.s32 $0x0;
	s10 =	rddreg [dreg:$0x4];
	v5 =	vpop (erf)  }
0x4e: {  	[tilespmem:s4], [sflag:$0x1] =	stream.linear.gather [hbm4b:s10+s9], $0xC350, $0x38;
	v6 =	vpop (erf);
	[tilespmem:$0x18980] =	vst v63  }
0x4f: {  	_ =	swait.ge [sflag:s7], $0xC350  }
0x50: {  	[sflag:s7] =	ssyncset.done $0x0  }
0x51: {  	s10 =	simm.s32 $0x0;
	[sflag:s7] =	ssyncadd.s32 $0xFFFF3CB0  }
0x52: {  	v7 =	vld [tilespmem:s10+$0xC500];
	_ =	sdelay $0x3  }
0x53: {  	s10 =	simm.s32 $0x10  }
0x54: {  	v8 =	vld [tilespmem:s10+$0xC500];
	v9 =	vadd.f32 v7, v0;
	_ =	sdelay $0x1  }
0x55: {  	v9 =	vmul.f32 v9, v7  }
0x56: {  	vm13 =	vgt.f32 v7, v1  }
0x57: {  	v2 =	vadd.f32 v3, v2;
	v3 =	vsel vm13, v9, v7  }
0x58: {  	v11 =	vadd.f32 v8, v0;
	v3 =	vmul.f32 $6.400000000e+01, v3  }
0x59: {  	s10 =	simm.s32 $0x20  }
0x5a: {  	v10 =	vld [tilespmem:s10+$0xC500];
	v11 =	vmul.f32 v11, v8;
	v3 =	vmul.f32 $1.442695020e+00, v3  }
0x5b: {  	vm14 =	vgt.f32 v8, v1  }
0x5c: {  	v7 =	vsel vm14, v11, v8;
	(erf) = vpow2.f32 v3  }
0x5d: {  	v2 =	vadd.f32 v4, v2;
	v4 =	vmul.f32 $6.400000000e+01, v7;
	_ =	sdelay $0x1  }
0x5e: {  	s10 =	simm.s32 $0x30;
	v63 =	vadd.f32 v10, v0;
	v4 =	vmul.f32 $1.442695020e+00, v4  }
0x5f: {  	v3 =	vld [tilespmem:s10+$0xC500]  }
0x60: {  	v7 =	vmul.f32 v63, v10;
	(erf) = vpow2.f32 v4  }
0x61: {  	v2 =	vadd.f32 v5, v2;
	vm15 =	vgt.f32 v10, v1  }
0x62: {  	v5 =	vsel vm15, v7, v10  }
0x63: {  	s9 =	simm.s32 $0x100;
	v2 =	vadd.f32 v6, v2;
	v4 =	vmul.f32 $6.400000000e+01, v5  }
.LBB2_4:
0x64: {  	s10 =	sshra.s32 s9, $0x2;
	p0 =	sne.s32 s9, $0x30D00;
	s9 =	sadd.s32 $0x40, s9;
	v5 =	vadd.f32 v3, v0;
	v6 =	vpop (erf);
	v7 =	vmov v3  }
.Ltmp1:
0x65: {  	v3 =	vld [tilespmem:s10+$0xC500];
	v4 =	vmul.f32 $1.442695020e+00, v4;
	v2 =	vadd.f32 v6, v2;
	(pc) =	sbr.rel @p0 .LBB2_4-.Ltmp1, $4  }
0x66: {  	v5 =	vmul.f32 v5, v7  }
0x67: {  	vm0 =	vgt.f32 v7, v1;
	(erf) = vpow2.f32 v4  }
0x68: {  	v4 =	vsel vm0, v5, v7  }
0x69: {  	v4 =	vmul.f32 $6.400000000e+01, v4  }
0x6a: {  	v5 =	vadd.f32 v3, v0;
	_ =	sdelay $0x1  }
0x6b: {  	v5 =	vmul.f32 v5, v3  }
0x6c: {  	vm0 =	vgt.f32 v3, v1  }
0x6d: {  	v1 =	vsel vm0, v5, v3  }
0x6e: {  	v3 =	vmul.f32 $1.442695020e+00, v4;
	v1 =	vmul.f32 $6.400000000e+01, v1;
	_ =	sdelay $0x1  }
0x6f: {  	(erf) = vpow2.f32 v3;
	v1 =	vmul.f32 $1.442695020e+00, v1;
	_ =	sdelay $0x1  }
0x70: {  	(erf) = vpow2.f32 v1;
	_ =	sdelay $0x2  }
0x71: {  	v1 =	vpop (erf)  }
0x72: {  	v1 =	vadd.f32 v1, v2  }
0x73: {  	v2 =	vpop (erf)  }
0x74: {  	v1 =	vadd.f32 v2, v1  }
0x75: {  	v2 =	vpop (erf)  }
0x76: {  	v1 =	vadd.f32 v2, v1  }
0x77: {  	v2 =	vpop (erf)  }
0x78: {  	v1 =	vadd.f32 v2, v1;
	_ =	sdelay $0x1  }
0x79: {  	s9 =	simm.s32 $0x0;
	s10 =	rddreg [dreg:$0x5];
	[tilespmem:$0x18880] =	vst v1  }
0x7a: {  	[tilespmem:s5], [sflag:$0x2] =	stream.linear.gather [hbm4b:s10+s9], $0xC350, $0x38;
	[tilespmem:$0x18980] =	vst v63  }
0x7b: {  	v1 =	vld [tilespmem:$0x10];
	_ =	swait.ge [sflag:s6], $0xC350  }
0x7c: {  	[sflag:s6] =	ssyncset.done $0x0  }
0x7d: {  	s10 =	simm.s32 $0x0;
	[sflag:s6] =	ssyncadd.s32 $0xFFFF3CB0  }
0x7e: {  	v2 =	vld [tilespmem:s10+$0x180];
	_ =	sdelay $0x3  }
0x7f: {  	s10 =	simm.s32 $0x10  }
0x80: {  	v3 =	vld [tilespmem:s10+$0x180];
	v4 =	vadd.f32 v2, v0;
	_ =	sdelay $0x1  }
0x81: {  	v4 =	vmul.f32 v4, v2  }
0x82: {  	vm13 =	vgt.f32 v2, v1  }
0x83: {  	v2 =	vsel vm13, v4, v2  }
0x84: {  	v6 =	vadd.f32 v3, v0;
	v2 =	vmul.f32 $6.400000000e+01, v2  }
0x85: {  	s10 =	simm.s32 $0x20  }
0x86: {  	v5 =	vld [tilespmem:s10+$0x180];
	v6 =	vmul.f32 v6, v3;
	v2 =	vmul.f32 $1.442695020e+00, v2  }
0x87: {  	vm14 =	vgt.f32 v3, v1  }
0x88: {  	v3 =	vsel vm14, v6, v3;
	(erf) = vpow2.f32 v2  }
0x89: {  	v3 =	vmul.f32 $6.400000000e+01, v3;
	_ =	sdelay $0x1  }
0x8a: {  	s10 =	simm.s32 $0x30;
	v4 =	vadd.f32 v5, v0;
	v6 =	vmul.f32 $1.442695020e+00, v3  }
0x8b: {  	v3 =	vld [tilespmem:s10+$0x180]  }
0x8c: {  	v4 =	vmul.f32 v4, v5;
	(erf) = vpow2.f32 v6  }
0x8d: {  	vm15 =	vgt.f32 v5, v1  }
0x8e: {  	v4 =	vsel vm15, v4, v5  }
0x8f: {  	s9 =	simm.s32 $0x100;
	v2 =	vimm.f32 $0.0e+00;
	v4 =	vmul.f32 $6.400000000e+01, v4  }
.LBB2_6:
0x90: {  	s10 =	sshra.s32 s9, $0x2;
	p0 =	sne.s32 s9, $0x30D00;
	s9 =	sadd.s32 $0x40, s9;
	v5 =	vadd.f32 v3, v0;
	v6 =	vpop (erf);
	v7 =	vmov v3  }
.Ltmp2:
0x91: {  	v3 =	vld [tilespmem:s10+$0x180];
	v4 =	vmul.f32 $1.442695020e+00, v4;
	v2 =	vadd.f32 v6, v2;
	(pc) =	sbr.rel @p0 .LBB2_6-.Ltmp2, $4  }
0x92: {  	v5 =	vmul.f32 v5, v7  }
0x93: {  	vm0 =	vgt.f32 v7, v1;
	(erf) = vpow2.f32 v4  }
0x94: {  	v4 =	vsel vm0, v5, v7  }
0x95: {  	v4 =	vmul.f32 $6.400000000e+01, v4  }
0x96: {  	v5 =	vadd.f32 v3, v0;
	_ =	sdelay $0x1  }
0x97: {  	v5 =	vmul.f32 v5, v3  }
0x98: {  	vm0 =	vgt.f32 v3, v1  }
0x99: {  	v3 =	vsel vm0, v5, v3  }
0x9a: {  	v3 =	vmul.f32 $6.400000000e+01, v3  }
0x9b: {  	v4 =	vmul.f32 $1.442695020e+00, v4  }
0x9c: {  	v3 =	vmul.f32 $1.442695020e+00, v3  }
0x9d: {  	(erf) = vpow2.f32 v4  }
0x9e: {  	(erf) = vpow2.f32 v3;
	_ =	sdelay $0x5  }
0x9f: {  	v3 =	vpop (erf)  }
0xa0: {  	v4 =	vpop (erf)  }
0xa1: {  	s9 =	simm.s32 $0x0;
	s10 =	rddreg [dreg:$0x6];
	v5 =	vpop (erf)  }
0xa2: {  	[tilespmem:s4], [sflag:$0x1] =	stream.linear.gather [hbm4b:s10+s9], $0xC350, $0x38;
	v6 =	vpop (erf);
	[tilespmem:$0x18980] =	vst v63  }
0xa3: {  	_ =	swait.ge [sflag:s7], $0xC350  }
0xa4: {  	[sflag:s7] =	ssyncset.done $0x0  }
0xa5: {  	s10 =	simm.s32 $0x0;
	[sflag:s7] =	ssyncadd.s32 $0xFFFF3CB0  }
0xa6: {  	v7 =	vld [tilespmem:s10+$0xC500];
	_ =	sdelay $0x3  }
0xa7: {  	s10 =	simm.s32 $0x10  }
0xa8: {  	v8 =	vld [tilespmem:s10+$0xC500];
	v9 =	vadd.f32 v7, v0;
	_ =	sdelay $0x1  }
0xa9: {  	v9 =	vmul.f32 v9, v7  }
0xaa: {  	vm13 =	vgt.f32 v7, v1  }
0xab: {  	v2 =	vadd.f32 v3, v2;
	v3 =	vsel vm13, v9, v7  }
0xac: {  	v11 =	vadd.f32 v8, v0;
	v3 =	vmul.f32 $6.400000000e+01, v3  }
0xad: {  	s10 =	simm.s32 $0x20  }
0xae: {  	v10 =	vld [tilespmem:s10+$0xC500];
	v11 =	vmul.f32 v11, v8;
	v3 =	vmul.f32 $1.442695020e+00, v3  }
0xaf: {  	vm14 =	vgt.f32 v8, v1  }
0xb0: {  	v7 =	vsel vm14, v11, v8;
	(erf) = vpow2.f32 v3  }
0xb1: {  	v2 =	vadd.f32 v4, v2;
	v4 =	vmul.f32 $6.400000000e+01, v7;
	_ =	sdelay $0x1  }
0xb2: {  	s10 =	simm.s32 $0x30;
	v63 =	vadd.f32 v10, v0;
	v4 =	vmul.f32 $1.442695020e+00, v4  }
0xb3: {  	v3 =	vld [tilespmem:s10+$0xC500]  }
0xb4: {  	v7 =	vmul.f32 v63, v10;
	(erf) = vpow2.f32 v4  }
0xb5: {  	v2 =	vadd.f32 v5, v2;
	vm15 =	vgt.f32 v10, v1  }
0xb6: {  	v5 =	vsel vm15, v7, v10  }
0xb7: {  	s9 =	simm.s32 $0x100;
	v2 =	vadd.f32 v6, v2;
	v4 =	vmul.f32 $6.400000000e+01, v5  }
.LBB2_8:
0xb8: {  	s10 =	sshra.s32 s9, $0x2;
	p0 =	sne.s32 s9, $0x30D00;
	s9 =	sadd.s32 $0x40, s9;
	v5 =	vadd.f32 v3, v0;
	v6 =	vpop (erf);
	v7 =	vmov v3  }
.Ltmp3:
0xb9: {  	v3 =	vld [tilespmem:s10+$0xC500];
	v4 =	vmul.f32 $1.442695020e+00, v4;
	v2 =	vadd.f32 v6, v2;
	(pc) =	sbr.rel @p0 .LBB2_8-.Ltmp3, $4  }
0xba: {  	v5 =	vmul.f32 v5, v7  }
0xbb: {  	vm0 =	vgt.f32 v7, v1;
	(erf) = vpow2.f32 v4  }
0xbc: {  	v4 =	vsel vm0, v5, v7  }
0xbd: {  	v4 =	vmul.f32 $6.400000000e+01, v4  }
0xbe: {  	v5 =	vadd.f32 v3, v0;
	_ =	sdelay $0x1  }
0xbf: {  	v5 =	vmul.f32 v5, v3  }
0xc0: {  	vm0 =	vgt.f32 v3, v1  }
0xc1: {  	v1 =	vsel vm0, v5, v3  }
0xc2: {  	v3 =	vmul.f32 $1.442695020e+00, v4;
	v1 =	vmul.f32 $6.400000000e+01, v1;
	_ =	sdelay $0x1  }
0xc3: {  	(erf) = vpow2.f32 v3;
	v1 =	vmul.f32 $1.442695020e+00, v1;
	_ =	sdelay $0x1  }
0xc4: {  	(erf) = vpow2.f32 v1;
	_ =	sdelay $0x2  }
0xc5: {  	v1 =	vpop (erf)  }
0xc6: {  	v1 =	vadd.f32 v1, v2  }
0xc7: {  	v2 =	vpop (erf)  }
0xc8: {  	v1 =	vadd.f32 v2, v1  }
0xc9: {  	v2 =	vpop (erf)  }
0xca: {  	v1 =	vadd.f32 v2, v1  }
0xcb: {  	v2 =	vpop (erf)  }
0xcc: {  	v1 =	vadd.f32 v2, v1;
	_ =	sdelay $0x1  }
0xcd: {  	s9 =	simm.s32 $0x0;
	s10 =	rddreg [dreg:$0x7];
	[tilespmem:$0x18890] =	vst v1  }
0xce: {  	[tilespmem:s5], [sflag:$0x2] =	stream.linear.gather [hbm4b:s10+s9], $0xC350, $0x38;
	[tilespmem:$0x18980] =	vst v63  }
0xcf: {  	v1 =	vld [tilespmem:$0x20];
	_ =	swait.ge [sflag:s6], $0xC350  }
0xd0: {  	[sflag:s6] =	ssyncset.done $0x0  }
0xd1: {  	s10 =	simm.s32 $0x0;
	[sflag:s6] =	ssyncadd.s32 $0xFFFF3CB0  }
0xd2: {  	v2 =	vld [tilespmem:s10+$0x180];
	_ =	sdelay $0x3  }
0xd3: {  	s10 =	simm.s32 $0x10  }
0xd4: {  	v3 =	vld [tilespmem:s10+$0x180];
	v4 =	vadd.f32 v2, v0;
	_ =	sdelay $0x1  }
0xd5: {  	v4 =	vmul.f32 v4, v2  }
0xd6: {  	vm13 =	vgt.f32 v2, v1  }
0xd7: {  	v2 =	vsel vm13, v4, v2  }
0xd8: {  	v6 =	vadd.f32 v3, v0;
	v2 =	vmul.f32 $6.400000000e+01, v2  }
0xd9: {  	s10 =	simm.s32 $0x20  }
0xda: {  	v5 =	vld [tilespmem:s10+$0x180];
	v6 =	vmul.f32 v6, v3;
	v2 =	vmul.f32 $1.442695020e+00, v2  }
0xdb: {  	vm14 =	vgt.f32 v3, v1  }
0xdc: {  	v3 =	vsel vm14, v6, v3;
	(erf) = vpow2.f32 v2  }
0xdd: {  	v3 =	vmul.f32 $6.400000000e+01, v3;
	_ =	sdelay $0x1  }
0xde: {  	s10 =	simm.s32 $0x30;
	v4 =	vadd.f32 v5, v0;
	v6 =	vmul.f32 $1.442695020e+00, v3  }
0xdf: {  	v3 =	vld [tilespmem:s10+$0x180]  }
0xe0: {  	v4 =	vmul.f32 v4, v5;
	(erf) = vpow2.f32 v6  }
0xe1: {  	vm15 =	vgt.f32 v5, v1  }
0xe2: {  	v4 =	vsel vm15, v4, v5  }
0xe3: {  	s9 =	simm.s32 $0x100;
	v2 =	vimm.f32 $0.0e+00;
	v4 =	vmul.f32 $6.400000000e+01, v4  }
.LBB2_10:
0xe4: {  	s10 =	sshra.s32 s9, $0x2;
	p0 =	sne.s32 s9, $0x30D00;
	s9 =	sadd.s32 $0x40, s9;
	v5 =	vadd.f32 v3, v0;
	v6 =	vpop (erf);
	v7 =	vmov v3  }
.Ltmp4:
0xe5: {  	v3 =	vld [tilespmem:s10+$0x180];
	v4 =	vmul.f32 $1.442695020e+00, v4;
	v2 =	vadd.f32 v6, v2;
	(pc) =	sbr.rel @p0 .LBB2_10-.Ltmp4, $4  }
0xe6: {  	v5 =	vmul.f32 v5, v7  }
0xe7: {  	vm0 =	vgt.f32 v7, v1;
	(erf) = vpow2.f32 v4  }
0xe8: {  	v4 =	vsel vm0, v5, v7  }
0xe9: {  	v4 =	vmul.f32 $6.400000000e+01, v4  }
0xea: {  	v5 =	vadd.f32 v3, v0;
	_ =	sdelay $0x1  }
0xeb: {  	v5 =	vmul.f32 v5, v3  }
0xec: {  	vm0 =	vgt.f32 v3, v1  }
0xed: {  	v3 =	vsel vm0, v5, v3  }
0xee: {  	v3 =	vmul.f32 $6.400000000e+01, v3  }
0xef: {  	v4 =	vmul.f32 $1.442695020e+00, v4  }
0xf0: {  	v3 =	vmul.f32 $1.442695020e+00, v3  }
0xf1: {  	(erf) = vpow2.f32 v4  }
0xf2: {  	(erf) = vpow2.f32 v3;
	_ =	sdelay $0x5  }
0xf3: {  	v3 =	vpop (erf)  }
0xf4: {  	v4 =	vpop (erf)  }
0xf5: {  	s9 =	simm.s32 $0x0;
	s10 =	rddreg [dreg:$0x8];
	v5 =	vpop (erf)  }
0xf6: {  	[tilespmem:s4], [sflag:$0x1] =	stream.linear.gather [hbm4b:s10+s9], $0xC350, $0x38;
	v6 =	vpop (erf);
	[tilespmem:$0x18980] =	vst v63  }
0xf7: {  	_ =	swait.ge [sflag:s7], $0xC350  }
0xf8: {  	[sflag:s7] =	ssyncset.done $0x0  }
0xf9: {  	s10 =	simm.s32 $0x0;
	[sflag:s7] =	ssyncadd.s32 $0xFFFF3CB0  }
0xfa: {  	v7 =	vld [tilespmem:s10+$0xC500];
	_ =	sdelay $0x3  }
0xfb: {  	s10 =	simm.s32 $0x10  }
0xfc: {  	v8 =	vld [tilespmem:s10+$0xC500];
	v9 =	vadd.f32 v7, v0;
	_ =	sdelay $0x1  }
0xfd: {  	v9 =	vmul.f32 v9, v7  }
0xfe: {  	vm13 =	vgt.f32 v7, v1  }
0xff: {  	v2 =	vadd.f32 v3, v2;
	v3 =	vsel vm13, v9, v7  }
0x100: {  	v11 =	vadd.f32 v8, v0;
	v3 =	vmul.f32 $6.400000000e+01, v3  }
0x101: {  	s10 =	simm.s32 $0x20  }
0x102: {  	v10 =	vld [tilespmem:s10+$0xC500];
	v11 =	vmul.f32 v11, v8;
	v3 =	vmul.f32 $1.442695020e+00, v3  }
0x103: {  	vm14 =	vgt.f32 v8, v1  }
0x104: {  	v7 =	vsel vm14, v11, v8;
	(erf) = vpow2.f32 v3  }
0x105: {  	v2 =	vadd.f32 v4, v2;
	v4 =	vmul.f32 $6.400000000e+01, v7;
	_ =	sdelay $0x1  }
0x106: {  	s10 =	simm.s32 $0x30;
	v63 =	vadd.f32 v10, v0;
	v4 =	vmul.f32 $1.442695020e+00, v4  }
0x107: {  	v3 =	vld [tilespmem:s10+$0xC500]  }
0x108: {  	v7 =	vmul.f32 v63, v10;
	(erf) = vpow2.f32 v4  }
0x109: {  	v2 =	vadd.f32 v5, v2;
	vm15 =	vgt.f32 v10, v1  }
0x10a: {  	v5 =	vsel vm15, v7, v10  }
0x10b: {  	s9 =	simm.s32 $0x100;
	v2 =	vadd.f32 v6, v2;
	v4 =	vmul.f32 $6.400000000e+01, v5  }
.LBB2_12:
0x10c: {  	s10 =	sshra.s32 s9, $0x2;
	p0 =	sne.s32 s9, $0x30D00;
	s9 =	sadd.s32 $0x40, s9;
	v5 =	vadd.f32 v3, v0;
	v6 =	vpop (erf);
	v7 =	vmov v3  }
.Ltmp5:
0x10d: {  	v3 =	vld [tilespmem:s10+$0xC500];
	v4 =	vmul.f32 $1.442695020e+00, v4;
	v2 =	vadd.f32 v6, v2;
	(pc) =	sbr.rel @p0 .LBB2_12-.Ltmp5, $4  }
0x10e: {  	v5 =	vmul.f32 v5, v7  }
0x10f: {  	vm0 =	vgt.f32 v7, v1;
	(erf) = vpow2.f32 v4  }
0x110: {  	v4 =	vsel vm0, v5, v7  }
0x111: {  	v4 =	vmul.f32 $6.400000000e+01, v4  }
0x112: {  	v5 =	vadd.f32 v3, v0;
	_ =	sdelay $0x1  }
0x113: {  	v5 =	vmul.f32 v5, v3  }
0x114: {  	vm0 =	vgt.f32 v3, v1  }
0x115: {  	v1 =	vsel vm0, v5, v3  }
0x116: {  	v3 =	vmul.f32 $1.442695020e+00, v4;
	v1 =	vmul.f32 $6.400000000e+01, v1;
	_ =	sdelay $0x1  }
0x117: {  	(erf) = vpow2.f32 v3;
	v1 =	vmul.f32 $1.442695020e+00, v1;
	_ =	sdelay $0x1  }
0x118: {  	(erf) = vpow2.f32 v1;
	_ =	sdelay $0x2  }
0x119: {  	v1 =	vpop (erf)  }
0x11a: {  	v1 =	vadd.f32 v1, v2  }
0x11b: {  	v2 =	vpop (erf)  }
0x11c: {  	v1 =	vadd.f32 v2, v1  }
0x11d: {  	v2 =	vpop (erf)  }
0x11e: {  	v1 =	vadd.f32 v2, v1  }
0x11f: {  	v2 =	vpop (erf)  }
0x120: {  	v1 =	vadd.f32 v2, v1;
	_ =	sdelay $0x1  }
0x121: {  	s9 =	simm.s32 $0x0;
	s10 =	rddreg [dreg:$0x9];
	[tilespmem:$0x188A0] =	vst v1  }
0x122: {  	[tilespmem:s5], [sflag:$0x2] =	stream.linear.gather [hbm4b:s10+s9], $0xC350, $0x38;
	[tilespmem:$0x18980] =	vst v63  }
0x123: {  	v1 =	vld [tilespmem:$0x30];
	_ =	swait.ge [sflag:s6], $0xC350  }
0x124: {  	[sflag:s6] =	ssyncset.done $0x0  }
0x125: {  	s10 =	simm.s32 $0x0;
	[sflag:s6] =	ssyncadd.s32 $0xFFFF3CB0  }
0x126: {  	v2 =	vld [tilespmem:s10+$0x180];
	_ =	sdelay $0x3  }
0x127: {  	s10 =	simm.s32 $0x10  }
0x128: {  	v3 =	vld [tilespmem:s10+$0x180];
	v4 =	vadd.f32 v2, v0;
	_ =	sdelay $0x1  }
0x129: {  	v4 =	vmul.f32 v4, v2  }
0x12a: {  	vm13 =	vgt.f32 v2, v1  }
0x12b: {  	v2 =	vsel vm13, v4, v2  }
0x12c: {  	v6 =	vadd.f32 v3, v0;
	v2 =	vmul.f32 $6.400000000e+01, v2  }
0x12d: {  	s10 =	simm.s32 $0x20  }
0x12e: {  	v5 =	vld [tilespmem:s10+$0x180];
	v6 =	vmul.f32 v6, v3;
	v2 =	vmul.f32 $1.442695020e+00, v2  }
0x12f: {  	vm14 =	vgt.f32 v3, v1  }
0x130: {  	v3 =	vsel vm14, v6, v3;
	(erf) = vpow2.f32 v2  }
0x131: {  	v3 =	vmul.f32 $6.400000000e+01, v3;
	_ =	sdelay $0x1  }
0x132: {  	s10 =	simm.s32 $0x30;
	v4 =	vadd.f32 v5, v0;
	v6 =	vmul.f32 $1.442695020e+00, v3  }
0x133: {  	v3 =	vld [tilespmem:s10+$0x180]  }
0x134: {  	v4 =	vmul.f32 v4, v5;
	(erf) = vpow2.f32 v6  }
0x135: {  	vm15 =	vgt.f32 v5, v1  }
0x136: {  	v4 =	vsel vm15, v4, v5  }
0x137: {  	s9 =	simm.s32 $0x100;
	v2 =	vimm.f32 $0.0e+00;
	v4 =	vmul.f32 $6.400000000e+01, v4  }
.LBB2_14:
0x138: {  	s10 =	sshra.s32 s9, $0x2;
	p0 =	sne.s32 s9, $0x30D00;
	s9 =	sadd.s32 $0x40, s9;
	v5 =	vadd.f32 v3, v0;
	v6 =	vpop (erf);
	v7 =	vmov v3  }
.Ltmp6:
0x139: {  	v3 =	vld [tilespmem:s10+$0x180];
	v4 =	vmul.f32 $1.442695020e+00, v4;
	v2 =	vadd.f32 v6, v2;
	(pc) =	sbr.rel @p0 .LBB2_14-.Ltmp6, $4  }
0x13a: {  	v5 =	vmul.f32 v5, v7  }
0x13b: {  	vm0 =	vgt.f32 v7, v1;
	(erf) = vpow2.f32 v4  }
0x13c: {  	v4 =	vsel vm0, v5, v7  }
0x13d: {  	v4 =	vmul.f32 $6.400000000e+01, v4  }
0x13e: {  	v5 =	vadd.f32 v3, v0;
	_ =	sdelay $0x1  }
0x13f: {  	v5 =	vmul.f32 v5, v3  }
0x140: {  	vm0 =	vgt.f32 v3, v1  }
0x141: {  	v3 =	vsel vm0, v5, v3  }
0x142: {  	v3 =	vmul.f32 $6.400000000e+01, v3  }
0x143: {  	v4 =	vmul.f32 $1.442695020e+00, v4  }
0x144: {  	v3 =	vmul.f32 $1.442695020e+00, v3  }
0x145: {  	(erf) = vpow2.f32 v4  }
0x146: {  	(erf) = vpow2.f32 v3;
	_ =	sdelay $0x5  }
0x147: {  	v3 =	vpop (erf)  }
0x148: {  	v4 =	vpop (erf)  }
0x149: {  	s9 =	simm.s32 $0x0;
	v5 =	vpop (erf)  }
0x14a: {  	[tilespmem:s4], [sflag:$0x1] =	stream.linear.gather [hbm4b:s11+s9], $0xC350, $0x38;
	v6 =	vpop (erf);
	[tilespmem:$0x18980] =	vst v63  }
0x14b: {  	_ =	swait.ge [sflag:s7], $0xC350  }
0x14c: {  	[sflag:s7] =	ssyncset.done $0x0  }
0x14d: {  	s10 =	simm.s32 $0x0;
	[sflag:s7] =	ssyncadd.s32 $0xFFFF3CB0  }
0x14e: {  	v7 =	vld [tilespmem:s10+$0xC500];
	_ =	sdelay $0x3  }
0x14f: {  	s10 =	simm.s32 $0x10  }
0x150: {  	v8 =	vld [tilespmem:s10+$0xC500];
	v9 =	vadd.f32 v7, v0;
	_ =	sdelay $0x1  }
0x151: {  	v9 =	vmul.f32 v9, v7  }
0x152: {  	vm13 =	vgt.f32 v7, v1  }
0x153: {  	v2 =	vadd.f32 v3, v2;
	v3 =	vsel vm13, v9, v7  }
0x154: {  	v11 =	vadd.f32 v8, v0;
	v3 =	vmul.f32 $6.400000000e+01, v3  }
0x155: {  	s10 =	simm.s32 $0x20  }
0x156: {  	v10 =	vld [tilespmem:s10+$0xC500];
	v11 =	vmul.f32 v11, v8;
	v3 =	vmul.f32 $1.442695020e+00, v3  }
0x157: {  	vm14 =	vgt.f32 v8, v1  }
0x158: {  	v7 =	vsel vm14, v11, v8;
	(erf) = vpow2.f32 v3  }
0x159: {  	v2 =	vadd.f32 v4, v2;
	v4 =	vmul.f32 $6.400000000e+01, v7;
	_ =	sdelay $0x1  }
0x15a: {  	s10 =	simm.s32 $0x30;
	v63 =	vadd.f32 v10, v0;
	v4 =	vmul.f32 $1.442695020e+00, v4  }
0x15b: {  	v3 =	vld [tilespmem:s10+$0xC500]  }
0x15c: {  	v7 =	vmul.f32 v63, v10;
	(erf) = vpow2.f32 v4  }
0x15d: {  	v2 =	vadd.f32 v5, v2;
	vm15 =	vgt.f32 v10, v1  }
0x15e: {  	v5 =	vsel vm15, v7, v10  }
0x15f: {  	s9 =	simm.s32 $0x100;
	v2 =	vadd.f32 v6, v2;
	v4 =	vmul.f32 $6.400000000e+01, v5  }
.LBB2_16:
0x160: {  	s10 =	sshra.s32 s9, $0x2;
	p0 =	sne.s32 s9, $0x30D00;
	s9 =	sadd.s32 $0x40, s9;
	v5 =	vadd.f32 v3, v0;
	v6 =	vpop (erf);
	v7 =	vmov v3  }
.Ltmp7:
0x161: {  	v3 =	vld [tilespmem:s10+$0xC500];
	v4 =	vmul.f32 $1.442695020e+00, v4;
	v2 =	vadd.f32 v6, v2;
	(pc) =	sbr.rel @p0 .LBB2_16-.Ltmp7, $4  }
0x162: {  	v5 =	vmul.f32 v5, v7  }
0x163: {  	vm0 =	vgt.f32 v7, v1;
	(erf) = vpow2.f32 v4  }
0x164: {  	v4 =	vsel vm0, v5, v7  }
0x165: {  	v4 =	vmul.f32 $6.400000000e+01, v4  }
0x166: {  	v5 =	vadd.f32 v3, v0;
	_ =	sdelay $0x1  }
0x167: {  	v5 =	vmul.f32 v5, v3  }
0x168: {  	vm0 =	vgt.f32 v3, v1  }
0x169: {  	v1 =	vsel vm0, v5, v3  }
0x16a: {  	v3 =	vmul.f32 $1.442695020e+00, v4;
	v1 =	vmul.f32 $6.400000000e+01, v1;
	_ =	sdelay $0x1  }
0x16b: {  	(erf) = vpow2.f32 v3;
	v1 =	vmul.f32 $1.442695020e+00, v1;
	_ =	sdelay $0x1  }
0x16c: {  	(erf) = vpow2.f32 v1;
	_ =	sdelay $0x2  }
0x16d: {  	v1 =	vpop (erf)  }
0x16e: {  	v1 =	vadd.f32 v1, v2  }
0x16f: {  	v2 =	vpop (erf)  }
0x170: {  	v1 =	vadd.f32 v2, v1  }
0x171: {  	v2 =	vpop (erf)  }
0x172: {  	v1 =	vadd.f32 v2, v1  }
0x173: {  	v2 =	vpop (erf)  }
0x174: {  	v1 =	vadd.f32 v2, v1;
	_ =	sdelay $0x1  }
0x175: {  	s9 =	simm.s32 $0x0;
	[tilespmem:$0x188B0] =	vst v1  }
0x176: {  	[tilespmem:s5], [sflag:$0x2] =	stream.linear.gather [hbm4b:s12+s9], $0xC350, $0x38;
	[tilespmem:$0x18980] =	vst v63  }
0x177: {  	v1 =	vld [tilespmem:$0x40];
	_ =	swait.ge [sflag:s6], $0xC350  }
0x178: {  	[sflag:s6] =	ssyncset.done $0x0  }
0x179: {  	s10 =	simm.s32 $0x0;
	[sflag:s6] =	ssyncadd.s32 $0xFFFF3CB0  }
0x17a: {  	v2 =	vld [tilespmem:s10+$0x180];
	_ =	sdelay $0x3  }
0x17b: {  	s10 =	simm.s32 $0x10  }
0x17c: {  	v3 =	vld [tilespmem:s10+$0x180];
	v4 =	vadd.f32 v2, v0;
	_ =	sdelay $0x1  }
0x17d: {  	v4 =	vmul.f32 v4, v2  }
0x17e: {  	vm13 =	vgt.f32 v2, v1  }
0x17f: {  	v2 =	vsel vm13, v4, v2  }
0x180: {  	v6 =	vadd.f32 v3, v0;
	v2 =	vmul.f32 $6.400000000e+01, v2  }
0x181: {  	s10 =	simm.s32 $0x20  }
0x182: {  	v5 =	vld [tilespmem:s10+$0x180];
	v6 =	vmul.f32 v6, v3;
	v2 =	vmul.f32 $1.442695020e+00, v2  }
0x183: {  	vm14 =	vgt.f32 v3, v1  }
0x184: {  	v3 =	vsel vm14, v6, v3;
	(erf) = vpow2.f32 v2  }
0x185: {  	v3 =	vmul.f32 $6.400000000e+01, v3;
	_ =	sdelay $0x1  }
0x186: {  	s10 =	simm.s32 $0x30;
	v4 =	vadd.f32 v5, v0;
	v6 =	vmul.f32 $1.442695020e+00, v3  }
0x187: {  	v3 =	vld [tilespmem:s10+$0x180]  }
0x188: {  	v4 =	vmul.f32 v4, v5;
	(erf) = vpow2.f32 v6  }
0x189: {  	vm15 =	vgt.f32 v5, v1  }
0x18a: {  	v4 =	vsel vm15, v4, v5  }
0x18b: {  	s9 =	simm.s32 $0x100;
	v2 =	vimm.f32 $0.0e+00;
	v4 =	vmul.f32 $6.400000000e+01, v4  }
.LBB2_18:
0x18c: {  	s10 =	sshra.s32 s9, $0x2;
	p0 =	sne.s32 s9, $0x30D00;
	s9 =	sadd.s32 $0x40, s9;
	v5 =	vadd.f32 v3, v0;
	v6 =	vpop (erf);
	v7 =	vmov v3  }
.Ltmp8:
0x18d: {  	v3 =	vld [tilespmem:s10+$0x180];
	v4 =	vmul.f32 $1.442695020e+00, v4;
	v2 =	vadd.f32 v6, v2;
	(pc) =	sbr.rel @p0 .LBB2_18-.Ltmp8, $4  }
0x18e: {  	v5 =	vmul.f32 v5, v7  }
0x18f: {  	vm0 =	vgt.f32 v7, v1;
	(erf) = vpow2.f32 v4  }
0x190: {  	v4 =	vsel vm0, v5, v7  }
0x191: {  	v4 =	vmul.f32 $6.400000000e+01, v4  }
0x192: {  	v5 =	vadd.f32 v3, v0;
	_ =	sdelay $0x1  }
0x193: {  	v5 =	vmul.f32 v5, v3  }
0x194: {  	vm0 =	vgt.f32 v3, v1  }
0x195: {  	v3 =	vsel vm0, v5, v3  }
0x196: {  	v3 =	vmul.f32 $6.400000000e+01, v3  }
0x197: {  	v4 =	vmul.f32 $1.442695020e+00, v4  }
0x198: {  	v3 =	vmul.f32 $1.442695020e+00, v3  }
0x199: {  	(erf) = vpow2.f32 v4  }
0x19a: {  	(erf) = vpow2.f32 v3;
	_ =	sdelay $0x5  }
0x19b: {  	v3 =	vpop (erf)  }
0x19c: {  	v4 =	vpop (erf)  }
0x19d: {  	s9 =	simm.s32 $0x0;
	v5 =	vpop (erf)  }
0x19e: {  	[tilespmem:s4], [sflag:$0x1] =	stream.linear.gather [hbm4b:s13+s9], $0xC350, $0x38;
	v6 =	vpop (erf);
	[tilespmem:$0x18980] =	vst v63  }
0x19f: {  	_ =	swait.ge [sflag:s7], $0xC350  }
0x1a0: {  	[sflag:s7] =	ssyncset.done $0x0  }
0x1a1: {  	s10 =	simm.s32 $0x0;
	[sflag:s7] =	ssyncadd.s32 $0xFFFF3CB0  }
0x1a2: {  	v7 =	vld [tilespmem:s10+$0xC500];
	_ =	sdelay $0x3  }
0x1a3: {  	s10 =	simm.s32 $0x10  }
0x1a4: {  	v8 =	vld [tilespmem:s10+$0xC500];
	v9 =	vadd.f32 v7, v0;
	_ =	sdelay $0x1  }
0x1a5: {  	v9 =	vmul.f32 v9, v7  }
0x1a6: {  	vm13 =	vgt.f32 v7, v1  }
0x1a7: {  	v2 =	vadd.f32 v3, v2;
	v3 =	vsel vm13, v9, v7  }
0x1a8: {  	v11 =	vadd.f32 v8, v0;
	v3 =	vmul.f32 $6.400000000e+01, v3  }
0x1a9: {  	s10 =	simm.s32 $0x20  }
0x1aa: {  	v10 =	vld [tilespmem:s10+$0xC500];
	v11 =	vmul.f32 v11, v8;
	v3 =	vmul.f32 $1.442695020e+00, v3  }
0x1ab: {  	vm14 =	vgt.f32 v8, v1  }
0x1ac: {  	v7 =	vsel vm14, v11, v8;
	(erf) = vpow2.f32 v3  }
0x1ad: {  	v2 =	vadd.f32 v4, v2;
	v4 =	vmul.f32 $6.400000000e+01, v7;
	_ =	sdelay $0x1  }
0x1ae: {  	s10 =	simm.s32 $0x30;
	v63 =	vadd.f32 v10, v0;
	v4 =	vmul.f32 $1.442695020e+00, v4  }
0x1af: {  	v3 =	vld [tilespmem:s10+$0xC500]  }
0x1b0: {  	v7 =	vmul.f32 v63, v10;
	(erf) = vpow2.f32 v4  }
0x1b1: {  	v2 =	vadd.f32 v5, v2;
	vm15 =	vgt.f32 v10, v1  }
0x1b2: {  	v5 =	vsel vm15, v7, v10  }
0x1b3: {  	s9 =	simm.s32 $0x100;
	v2 =	vadd.f32 v6, v2;
	v4 =	vmul.f32 $6.400000000e+01, v5  }
.LBB2_20:
0x1b4: {  	s10 =	sshra.s32 s9, $0x2;
	p0 =	sne.s32 s9, $0x30D00;
	s9 =	sadd.s32 $0x40, s9;
	v5 =	vadd.f32 v3, v0;
	v6 =	vpop (erf);
	v7 =	vmov v3  }
.Ltmp9:
0x1b5: {  	v3 =	vld [tilespmem:s10+$0xC500];
	v4 =	vmul.f32 $1.442695020e+00, v4;
	v2 =	vadd.f32 v6, v2;
	(pc) =	sbr.rel @p0 .LBB2_20-.Ltmp9, $4  }
0x1b6: {  	v5 =	vmul.f32 v5, v7  }
0x1b7: {  	vm0 =	vgt.f32 v7, v1;
	(erf) = vpow2.f32 v4  }
0x1b8: {  	v4 =	vsel vm0, v5, v7  }
0x1b9: {  	v4 =	vmul.f32 $6.400000000e+01, v4  }
0x1ba: {  	v5 =	vadd.f32 v3, v0;
	_ =	sdelay $0x1  }
0x1bb: {  	v5 =	vmul.f32 v5, v3  }
0x1bc: {  	vm0 =	vgt.f32 v3, v1  }
0x1bd: {  	v1 =	vsel vm0, v5, v3  }
0x1be: {  	v3 =	vmul.f32 $1.442695020e+00, v4;
	v1 =	vmul.f32 $6.400000000e+01, v1;
	_ =	sdelay $0x1  }
0x1bf: {  	(erf) = vpow2.f32 v3;
	v1 =	vmul.f32 $1.442695020e+00, v1;
	_ =	sdelay $0x1  }
0x1c0: {  	(erf) = vpow2.f32 v1;
	_ =	sdelay $0x2  }
0x1c1: {  	v1 =	vpop (erf)  }
0x1c2: {  	v1 =	vadd.f32 v1, v2  }
0x1c3: {  	v2 =	vpop (erf)  }
0x1c4: {  	v1 =	vadd.f32 v2, v1  }
0x1c5: {  	v2 =	vpop (erf)  }
0x1c6: {  	v1 =	vadd.f32 v2, v1  }
0x1c7: {  	v2 =	vpop (erf)  }
0x1c8: {  	v1 =	vadd.f32 v2, v1;
	_ =	sdelay $0x1  }
0x1c9: {  	s9 =	simm.s32 $0x0;
	[tilespmem:$0x188C0] =	vst v1  }
0x1ca: {  	[tilespmem:s5], [sflag:$0x2] =	stream.linear.gather [hbm4b:s14+s9], $0xC350, $0x38;
	[tilespmem:$0x18980] =	vst v63  }
0x1cb: {  	v1 =	vld [tilespmem:$0x50];
	_ =	swait.ge [sflag:s6], $0xC350  }
0x1cc: {  	[sflag:s6] =	ssyncset.done $0x0  }
0x1cd: {  	s10 =	simm.s32 $0x0;
	[sflag:s6] =	ssyncadd.s32 $0xFFFF3CB0  }
0x1ce: {  	v2 =	vld [tilespmem:s10+$0x180];
	_ =	sdelay $0x3  }
0x1cf: {  	s10 =	simm.s32 $0x10  }
0x1d0: {  	v3 =	vld [tilespmem:s10+$0x180];
	v4 =	vadd.f32 v2, v0;
	_ =	sdelay $0x1  }
0x1d1: {  	v4 =	vmul.f32 v4, v2  }
0x1d2: {  	vm13 =	vgt.f32 v2, v1  }
0x1d3: {  	v2 =	vsel vm13, v4, v2  }
0x1d4: {  	v6 =	vadd.f32 v3, v0;
	v2 =	vmul.f32 $6.400000000e+01, v2  }
0x1d5: {  	s10 =	simm.s32 $0x20  }
0x1d6: {  	v5 =	vld [tilespmem:s10+$0x180];
	v6 =	vmul.f32 v6, v3;
	v2 =	vmul.f32 $1.442695020e+00, v2  }
0x1d7: {  	vm14 =	vgt.f32 v3, v1  }
0x1d8: {  	v3 =	vsel vm14, v6, v3;
	(erf) = vpow2.f32 v2  }
0x1d9: {  	v3 =	vmul.f32 $6.400000000e+01, v3;
	_ =	sdelay $0x1  }
0x1da: {  	s10 =	simm.s32 $0x30;
	v4 =	vadd.f32 v5, v0;
	v6 =	vmul.f32 $1.442695020e+00, v3  }
0x1db: {  	v3 =	vld [tilespmem:s10+$0x180]  }
0x1dc: {  	v4 =	vmul.f32 v4, v5;
	(erf) = vpow2.f32 v6  }
0x1dd: {  	vm15 =	vgt.f32 v5, v1  }
0x1de: {  	v4 =	vsel vm15, v4, v5  }
0x1df: {  	s9 =	simm.s32 $0x100;
	v2 =	vimm.f32 $0.0e+00;
	v4 =	vmul.f32 $6.400000000e+01, v4  }
.LBB2_22:
0x1e0: {  	s10 =	sshra.s32 s9, $0x2;
	p0 =	sne.s32 s9, $0x30D00;
	s9 =	sadd.s32 $0x40, s9;
	v5 =	vadd.f32 v3, v0;
	v6 =	vpop (erf);
	v7 =	vmov v3  }
.Ltmp10:
0x1e1: {  	v3 =	vld [tilespmem:s10+$0x180];
	v4 =	vmul.f32 $1.442695020e+00, v4;
	v2 =	vadd.f32 v6, v2;
	(pc) =	sbr.rel @p0 .LBB2_22-.Ltmp10, $4  }
0x1e2: {  	v5 =	vmul.f32 v5, v7  }
0x1e3: {  	vm0 =	vgt.f32 v7, v1;
	(erf) = vpow2.f32 v4  }
0x1e4: {  	v4 =	vsel vm0, v5, v7  }
0x1e5: {  	v4 =	vmul.f32 $6.400000000e+01, v4  }
0x1e6: {  	v5 =	vadd.f32 v3, v0;
	_ =	sdelay $0x1  }
0x1e7: {  	v5 =	vmul.f32 v5, v3  }
0x1e8: {  	vm0 =	vgt.f32 v3, v1  }
0x1e9: {  	v3 =	vsel vm0, v5, v3  }
0x1ea: {  	v3 =	vmul.f32 $6.400000000e+01, v3  }
0x1eb: {  	v4 =	vmul.f32 $1.442695020e+00, v4  }
0x1ec: {  	v3 =	vmul.f32 $1.442695020e+00, v3  }
0x1ed: {  	(erf) = vpow2.f32 v4  }
0x1ee: {  	(erf) = vpow2.f32 v3;
	_ =	sdelay $0x5  }
0x1ef: {  	v3 =	vpop (erf)  }
0x1f0: {  	v4 =	vpop (erf)  }
0x1f1: {  	s9 =	simm.s32 $0x0;
	v5 =	vpop (erf)  }
0x1f2: {  	[tilespmem:s4], [sflag:$0x1] =	stream.linear.gather [hbm4b:s15+s9], $0xC350, $0x38;
	v6 =	vpop (erf);
	[tilespmem:$0x18980] =	vst v63  }
0x1f3: {  	_ =	swait.ge [sflag:s7], $0xC350  }
0x1f4: {  	[sflag:s7] =	ssyncset.done $0x0  }
0x1f5: {  	s10 =	simm.s32 $0x0;
	[sflag:s7] =	ssyncadd.s32 $0xFFFF3CB0  }
0x1f6: {  	v7 =	vld [tilespmem:s10+$0xC500];
	_ =	sdelay $0x3  }
0x1f7: {  	s10 =	simm.s32 $0x10  }
0x1f8: {  	v8 =	vld [tilespmem:s10+$0xC500];
	v9 =	vadd.f32 v7, v0;
	_ =	sdelay $0x1  }
0x1f9: {  	v9 =	vmul.f32 v9, v7  }
0x1fa: {  	vm13 =	vgt.f32 v7, v1  }
0x1fb: {  	v2 =	vadd.f32 v3, v2;
	v3 =	vsel vm13, v9, v7  }
0x1fc: {  	v11 =	vadd.f32 v8, v0;
	v3 =	vmul.f32 $6.400000000e+01, v3  }
0x1fd: {  	s10 =	simm.s32 $0x20  }
0x1fe: {  	v10 =	vld [tilespmem:s10+$0xC500];
	v11 =	vmul.f32 v11, v8;
	v3 =	vmul.f32 $1.442695020e+00, v3  }
0x1ff: {  	vm14 =	vgt.f32 v8, v1  }
0x200: {  	v7 =	vsel vm14, v11, v8;
	(erf) = vpow2.f32 v3  }
0x201: {  	v2 =	vadd.f32 v4, v2;
	v4 =	vmul.f32 $6.400000000e+01, v7;
	_ =	sdelay $0x1  }
0x202: {  	s10 =	simm.s32 $0x30;
	v63 =	vadd.f32 v10, v0;
	v4 =	vmul.f32 $1.442695020e+00, v4  }
0x203: {  	v3 =	vld [tilespmem:s10+$0xC500]  }
0x204: {  	v7 =	vmul.f32 v63, v10;
	(erf) = vpow2.f32 v4  }
0x205: {  	v2 =	vadd.f32 v5, v2;
	vm15 =	vgt.f32 v10, v1  }
0x206: {  	v5 =	vsel vm15, v7, v10  }
0x207: {  	s9 =	simm.s32 $0x100;
	v2 =	vadd.f32 v6, v2;
	v4 =	vmul.f32 $6.400000000e+01, v5  }
.LBB2_24:
0x208: {  	s10 =	sshra.s32 s9, $0x2;
	p0 =	sne.s32 s9, $0x30D00;
	s9 =	sadd.s32 $0x40, s9;
	v5 =	vadd.f32 v3, v0;
	v6 =	vpop (erf);
	v7 =	vmov v3  }
.Ltmp11:
0x209: {  	v3 =	vld [tilespmem:s10+$0xC500];
	v4 =	vmul.f32 $1.442695020e+00, v4;
	v2 =	vadd.f32 v6, v2;
	(pc) =	sbr.rel @p0 .LBB2_24-.Ltmp11, $4  }
0x20a: {  	v5 =	vmul.f32 v5, v7  }
0x20b: {  	vm0 =	vgt.f32 v7, v1;
	(erf) = vpow2.f32 v4  }
0x20c: {  	v4 =	vsel vm0, v5, v7  }
0x20d: {  	v4 =	vmul.f32 $6.400000000e+01, v4  }
0x20e: {  	v5 =	vadd.f32 v3, v0;
	_ =	sdelay $0x1  }
0x20f: {  	v5 =	vmul.f32 v5, v3  }
0x210: {  	vm0 =	vgt.f32 v3, v1  }
0x211: {  	v1 =	vsel vm0, v5, v3  }
0x212: {  	v3 =	vmul.f32 $1.442695020e+00, v4;
	v1 =	vmul.f32 $6.400000000e+01, v1;
	_ =	sdelay $0x1  }
0x213: {  	(erf) = vpow2.f32 v3;
	v1 =	vmul.f32 $1.442695020e+00, v1;
	_ =	sdelay $0x1  }
0x214: {  	(erf) = vpow2.f32 v1;
	_ =	sdelay $0x2  }
0x215: {  	v1 =	vpop (erf)  }
0x216: {  	v1 =	vadd.f32 v1, v2  }
0x217: {  	v2 =	vpop (erf)  }
0x218: {  	v1 =	vadd.f32 v2, v1  }
0x219: {  	v2 =	vpop (erf)  }
0x21a: {  	v1 =	vadd.f32 v2, v1  }
0x21b: {  	v2 =	vpop (erf)  }
0x21c: {  	v1 =	vadd.f32 v2, v1;
	_ =	sdelay $0x1  }
0x21d: {  	s9 =	simm.s32 $0x0;
	[tilespmem:$0x188D0] =	vst v1  }
0x21e: {  	[tilespmem:s5], [sflag:$0x2] =	stream.linear.gather [hbm4b:s16+s9], $0xC350, $0x38;
	[tilespmem:$0x18980] =	vst v63  }
0x21f: {  	v1 =	vld [tilespmem:$0x60];
	_ =	swait.ge [sflag:s6], $0xC350  }
0x220: {  	[sflag:s6] =	ssyncset.done $0x0  }
0x221: {  	s10 =	simm.s32 $0x0;
	[sflag:s6] =	ssyncadd.s32 $0xFFFF3CB0  }
0x222: {  	v2 =	vld [tilespmem:s10+$0x180];
	_ =	sdelay $0x3  }
0x223: {  	s10 =	simm.s32 $0x10  }
0x224: {  	v3 =	vld [tilespmem:s10+$0x180];
	v4 =	vadd.f32 v2, v0;
	_ =	sdelay $0x1  }
0x225: {  	v4 =	vmul.f32 v4, v2  }
0x226: {  	vm13 =	vgt.f32 v2, v1  }
0x227: {  	v2 =	vsel vm13, v4, v2  }
0x228: {  	v6 =	vadd.f32 v3, v0;
	v2 =	vmul.f32 $6.400000000e+01, v2  }
0x229: {  	s10 =	simm.s32 $0x20  }
0x22a: {  	v5 =	vld [tilespmem:s10+$0x180];
	v6 =	vmul.f32 v6, v3;
	v2 =	vmul.f32 $1.442695020e+00, v2  }
0x22b: {  	vm14 =	vgt.f32 v3, v1  }
0x22c: {  	v3 =	vsel vm14, v6, v3;
	(erf) = vpow2.f32 v2  }
0x22d: {  	v3 =	vmul.f32 $6.400000000e+01, v3;
	_ =	sdelay $0x1  }
0x22e: {  	s10 =	simm.s32 $0x30;
	v4 =	vadd.f32 v5, v0;
	v6 =	vmul.f32 $1.442695020e+00, v3  }
0x22f: {  	v3 =	vld [tilespmem:s10+$0x180]  }
0x230: {  	v4 =	vmul.f32 v4, v5;
	(erf) = vpow2.f32 v6  }
0x231: {  	vm15 =	vgt.f32 v5, v1  }
0x232: {  	v4 =	vsel vm15, v4, v5  }
0x233: {  	s9 =	simm.s32 $0x100;
	v2 =	vimm.f32 $0.0e+00;
	v4 =	vmul.f32 $6.400000000e+01, v4  }
.LBB2_26:
0x234: {  	s10 =	sshra.s32 s9, $0x2;
	p0 =	sne.s32 s9, $0x30D00;
	s9 =	sadd.s32 $0x40, s9;
	v5 =	vadd.f32 v3, v0;
	v6 =	vpop (erf);
	v7 =	vmov v3  }
.Ltmp12:
0x235: {  	v3 =	vld [tilespmem:s10+$0x180];
	v4 =	vmul.f32 $1.442695020e+00, v4;
	v2 =	vadd.f32 v6, v2;
	(pc) =	sbr.rel @p0 .LBB2_26-.Ltmp12, $4  }
0x236: {  	v5 =	vmul.f32 v5, v7  }
0x237: {  	vm0 =	vgt.f32 v7, v1;
	(erf) = vpow2.f32 v4  }
0x238: {  	v4 =	vsel vm0, v5, v7  }
0x239: {  	v4 =	vmul.f32 $6.400000000e+01, v4  }
0x23a: {  	v5 =	vadd.f32 v3, v0;
	_ =	sdelay $0x1  }
0x23b: {  	v5 =	vmul.f32 v5, v3  }
0x23c: {  	vm0 =	vgt.f32 v3, v1  }
0x23d: {  	v3 =	vsel vm0, v5, v3  }
0x23e: {  	v3 =	vmul.f32 $6.400000000e+01, v3  }
0x23f: {  	v4 =	vmul.f32 $1.442695020e+00, v4  }
0x240: {  	v3 =	vmul.f32 $1.442695020e+00, v3  }
0x241: {  	(erf) = vpow2.f32 v4  }
0x242: {  	(erf) = vpow2.f32 v3;
	_ =	sdelay $0x5  }
0x243: {  	v3 =	vpop (erf)  }
0x244: {  	v4 =	vpop (erf)  }
0x245: {  	s9 =	simm.s32 $0x0;
	v5 =	vpop (erf)  }
0x246: {  	[tilespmem:s4], [sflag:$0x1] =	stream.linear.gather [hbm4b:s17+s9], $0xC350, $0x38;
	v6 =	vpop (erf);
	[tilespmem:$0x18980] =	vst v63  }
0x247: {  	_ =	swait.ge [sflag:s7], $0xC350  }
0x248: {  	[sflag:s7] =	ssyncset.done $0x0  }
0x249: {  	s10 =	simm.s32 $0x0;
	[sflag:s7] =	ssyncadd.s32 $0xFFFF3CB0  }
0x24a: {  	v7 =	vld [tilespmem:s10+$0xC500];
	_ =	sdelay $0x3  }
0x24b: {  	s10 =	simm.s32 $0x10  }
0x24c: {  	v8 =	vld [tilespmem:s10+$0xC500];
	v9 =	vadd.f32 v7, v0;
	_ =	sdelay $0x1  }
0x24d: {  	v9 =	vmul.f32 v9, v7  }
0x24e: {  	vm13 =	vgt.f32 v7, v1  }
0x24f: {  	v2 =	vadd.f32 v3, v2;
	v3 =	vsel vm13, v9, v7  }
0x250: {  	v11 =	vadd.f32 v8, v0;
	v3 =	vmul.f32 $6.400000000e+01, v3  }
0x251: {  	s10 =	simm.s32 $0x20  }
0x252: {  	v10 =	vld [tilespmem:s10+$0xC500];
	v11 =	vmul.f32 v11, v8;
	v3 =	vmul.f32 $1.442695020e+00, v3  }
0x253: {  	vm14 =	vgt.f32 v8, v1  }
0x254: {  	v7 =	vsel vm14, v11, v8;
	(erf) = vpow2.f32 v3  }
0x255: {  	v2 =	vadd.f32 v4, v2;
	v4 =	vmul.f32 $6.400000000e+01, v7;
	_ =	sdelay $0x1  }
0x256: {  	s10 =	simm.s32 $0x30;
	v63 =	vadd.f32 v10, v0;
	v4 =	vmul.f32 $1.442695020e+00, v4  }
0x257: {  	v3 =	vld [tilespmem:s10+$0xC500]  }
0x258: {  	v7 =	vmul.f32 v63, v10;
	(erf) = vpow2.f32 v4  }
0x259: {  	v2 =	vadd.f32 v5, v2;
	vm15 =	vgt.f32 v10, v1  }
0x25a: {  	v5 =	vsel vm15, v7, v10  }
0x25b: {  	s9 =	simm.s32 $0x100;
	v2 =	vadd.f32 v6, v2;
	v4 =	vmul.f32 $6.400000000e+01, v5  }
.LBB2_28:
0x25c: {  	s10 =	sshra.s32 s9, $0x2;
	p0 =	sne.s32 s9, $0x30D00;
	s9 =	sadd.s32 $0x40, s9;
	v5 =	vadd.f32 v3, v0;
	v6 =	vpop (erf);
	v7 =	vmov v3  }
.Ltmp13:
0x25d: {  	v3 =	vld [tilespmem:s10+$0xC500];
	v4 =	vmul.f32 $1.442695020e+00, v4;
	v2 =	vadd.f32 v6, v2;
	(pc) =	sbr.rel @p0 .LBB2_28-.Ltmp13, $4  }
0x25e: {  	v5 =	vmul.f32 v5, v7  }
0x25f: {  	vm0 =	vgt.f32 v7, v1;
	(erf) = vpow2.f32 v4  }
0x260: {  	v4 =	vsel vm0, v5, v7  }
0x261: {  	v4 =	vmul.f32 $6.400000000e+01, v4  }
0x262: {  	v5 =	vadd.f32 v3, v0;
	_ =	sdelay $0x1  }
0x263: {  	v5 =	vmul.f32 v5, v3  }
0x264: {  	vm0 =	vgt.f32 v3, v1  }
0x265: {  	v1 =	vsel vm0, v5, v3  }
0x266: {  	v3 =	vmul.f32 $1.442695020e+00, v4;
	v1 =	vmul.f32 $6.400000000e+01, v1;
	_ =	sdelay $0x1  }
0x267: {  	(erf) = vpow2.f32 v3;
	v1 =	vmul.f32 $1.442695020e+00, v1;
	_ =	sdelay $0x1  }
0x268: {  	(erf) = vpow2.f32 v1;
	_ =	sdelay $0x2  }
0x269: {  	v1 =	vpop (erf)  }
0x26a: {  	v1 =	vadd.f32 v1, v2  }
0x26b: {  	v2 =	vpop (erf)  }
0x26c: {  	v1 =	vadd.f32 v2, v1  }
0x26d: {  	v2 =	vpop (erf)  }
0x26e: {  	v1 =	vadd.f32 v2, v1  }
0x26f: {  	v2 =	vpop (erf)  }
0x270: {  	v1 =	vadd.f32 v2, v1;
	_ =	sdelay $0x1  }
0x271: {  	s9 =	simm.s32 $0x0;
	[tilespmem:$0x188E0] =	vst v1  }
0x272: {  	[tilespmem:s5], [sflag:$0x2] =	stream.linear.gather [hbm4b:s18+s9], $0xC350, $0x38;
	[tilespmem:$0x18980] =	vst v63  }
0x273: {  	v1 =	vld [tilespmem:$0x70];
	_ =	swait.ge [sflag:s6], $0xC350  }
0x274: {  	[sflag:s6] =	ssyncset.done $0x0  }
0x275: {  	s10 =	simm.s32 $0x0;
	[sflag:s6] =	ssyncadd.s32 $0xFFFF3CB0  }
0x276: {  	v2 =	vld [tilespmem:s10+$0x180];
	_ =	sdelay $0x3  }
0x277: {  	s10 =	simm.s32 $0x10  }
0x278: {  	v3 =	vld [tilespmem:s10+$0x180];
	v4 =	vadd.f32 v2, v0;
	_ =	sdelay $0x1  }
0x279: {  	v4 =	vmul.f32 v4, v2  }
0x27a: {  	vm13 =	vgt.f32 v2, v1  }
0x27b: {  	v2 =	vsel vm13, v4, v2  }
0x27c: {  	v6 =	vadd.f32 v3, v0;
	v2 =	vmul.f32 $6.400000000e+01, v2  }
0x27d: {  	s10 =	simm.s32 $0x20  }
0x27e: {  	v5 =	vld [tilespmem:s10+$0x180];
	v6 =	vmul.f32 v6, v3;
	v2 =	vmul.f32 $1.442695020e+00, v2  }
0x27f: {  	vm14 =	vgt.f32 v3, v1  }
0x280: {  	v3 =	vsel vm14, v6, v3;
	(erf) = vpow2.f32 v2  }
0x281: {  	v3 =	vmul.f32 $6.400000000e+01, v3;
	_ =	sdelay $0x1  }
0x282: {  	s10 =	simm.s32 $0x30;
	v4 =	vadd.f32 v5, v0;
	v6 =	vmul.f32 $1.442695020e+00, v3  }
0x283: {  	v3 =	vld [tilespmem:s10+$0x180]  }
0x284: {  	v4 =	vmul.f32 v4, v5;
	(erf) = vpow2.f32 v6  }
0x285: {  	vm15 =	vgt.f32 v5, v1  }
0x286: {  	v4 =	vsel vm15, v4, v5  }
0x287: {  	s9 =	simm.s32 $0x100;
	v2 =	vimm.f32 $0.0e+00;
	v4 =	vmul.f32 $6.400000000e+01, v4  }
.LBB2_30:
0x288: {  	s10 =	sshra.s32 s9, $0x2;
	p0 =	sne.s32 s9, $0x30D00;
	s9 =	sadd.s32 $0x40, s9;
	v5 =	vadd.f32 v3, v0;
	v6 =	vpop (erf);
	v7 =	vmov v3  }
.Ltmp14:
0x289: {  	v3 =	vld [tilespmem:s10+$0x180];
	v4 =	vmul.f32 $1.442695020e+00, v4;
	v2 =	vadd.f32 v6, v2;
	(pc) =	sbr.rel @p0 .LBB2_30-.Ltmp14, $4  }
0x28a: {  	v5 =	vmul.f32 v5, v7  }
0x28b: {  	vm0 =	vgt.f32 v7, v1;
	(erf) = vpow2.f32 v4  }
0x28c: {  	v4 =	vsel vm0, v5, v7  }
0x28d: {  	v4 =	vmul.f32 $6.400000000e+01, v4  }
0x28e: {  	v5 =	vadd.f32 v3, v0;
	_ =	sdelay $0x1  }
0x28f: {  	v5 =	vmul.f32 v5, v3  }
0x290: {  	vm0 =	vgt.f32 v3, v1  }
0x291: {  	v3 =	vsel vm0, v5, v3  }
0x292: {  	v3 =	vmul.f32 $6.400000000e+01, v3  }
0x293: {  	v4 =	vmul.f32 $1.442695020e+00, v4  }
0x294: {  	v3 =	vmul.f32 $1.442695020e+00, v3  }
0x295: {  	(erf) = vpow2.f32 v4  }
0x296: {  	(erf) = vpow2.f32 v3;
	_ =	sdelay $0x5  }
0x297: {  	v3 =	vpop (erf)  }
0x298: {  	v4 =	vpop (erf)  }
0x299: {  	s9 =	simm.s32 $0x0;
	v5 =	vpop (erf)  }
0x29a: {  	[tilespmem:s4], [sflag:$0x1] =	stream.linear.gather [hbm4b:s19+s9], $0xC350, $0x38;
	v6 =	vpop (erf);
	[tilespmem:$0x18980] =	vst v63  }
0x29b: {  	_ =	swait.ge [sflag:s7], $0xC350  }
0x29c: {  	[sflag:s7] =	ssyncset.done $0x0  }
0x29d: {  	s10 =	simm.s32 $0x0;
	[sflag:s7] =	ssyncadd.s32 $0xFFFF3CB0  }
0x29e: {  	v7 =	vld [tilespmem:s10+$0xC500];
	_ =	sdelay $0x3  }
0x29f: {  	s10 =	simm.s32 $0x10  }
0x2a0: {  	v8 =	vld [tilespmem:s10+$0xC500];
	v9 =	vadd.f32 v7, v0;
	_ =	sdelay $0x1  }
0x2a1: {  	v9 =	vmul.f32 v9, v7  }
0x2a2: {  	vm13 =	vgt.f32 v7, v1  }
0x2a3: {  	v2 =	vadd.f32 v3, v2;
	v3 =	vsel vm13, v9, v7  }
0x2a4: {  	v11 =	vadd.f32 v8, v0;
	v3 =	vmul.f32 $6.400000000e+01, v3  }
0x2a5: {  	s10 =	simm.s32 $0x20  }
0x2a6: {  	v10 =	vld [tilespmem:s10+$0xC500];
	v11 =	vmul.f32 v11, v8;
	v3 =	vmul.f32 $1.442695020e+00, v3  }
0x2a7: {  	vm14 =	vgt.f32 v8, v1  }
0x2a8: {  	v7 =	vsel vm14, v11, v8;
	(erf) = vpow2.f32 v3  }
0x2a9: {  	v2 =	vadd.f32 v4, v2;
	v4 =	vmul.f32 $6.400000000e+01, v7;
	_ =	sdelay $0x1  }
0x2aa: {  	s10 =	simm.s32 $0x30;
	v63 =	vadd.f32 v10, v0;
	v4 =	vmul.f32 $1.442695020e+00, v4  }
0x2ab: {  	v3 =	vld [tilespmem:s10+$0xC500]  }
0x2ac: {  	v7 =	vmul.f32 v63, v10;
	(erf) = vpow2.f32 v4  }
0x2ad: {  	v2 =	vadd.f32 v5, v2;
	vm15 =	vgt.f32 v10, v1  }
0x2ae: {  	v5 =	vsel vm15, v7, v10  }
0x2af: {  	s9 =	simm.s32 $0x100;
	v2 =	vadd.f32 v6, v2;
	v4 =	vmul.f32 $6.400000000e+01, v5  }
.LBB2_32:
0x2b0: {  	s10 =	sshra.s32 s9, $0x2;
	p0 =	sne.s32 s9, $0x30D00;
	s9 =	sadd.s32 $0x40, s9;
	v5 =	vadd.f32 v3, v0;
	v6 =	vpop (erf);
	v7 =	vmov v3  }
.Ltmp15:
0x2b1: {  	v3 =	vld [tilespmem:s10+$0xC500];
	v4 =	vmul.f32 $1.442695020e+00, v4;
	v2 =	vadd.f32 v6, v2;
	(pc) =	sbr.rel @p0 .LBB2_32-.Ltmp15, $4  }
0x2b2: {  	v5 =	vmul.f32 v5, v7  }
0x2b3: {  	vm0 =	vgt.f32 v7, v1;
	(erf) = vpow2.f32 v4  }
0x2b4: {  	v4 =	vsel vm0, v5, v7  }
0x2b5: {  	v4 =	vmul.f32 $6.400000000e+01, v4  }
0x2b6: {  	v5 =	vadd.f32 v3, v0;
	_ =	sdelay $0x1  }
0x2b7: {  	v5 =	vmul.f32 v5, v3  }
0x2b8: {  	vm0 =	vgt.f32 v3, v1  }
0x2b9: {  	v1 =	vsel vm0, v5, v3  }
0x2ba: {  	v3 =	vmul.f32 $1.442695020e+00, v4;
	v1 =	vmul.f32 $6.400000000e+01, v1;
	_ =	sdelay $0x1  }
0x2bb: {  	(erf) = vpow2.f32 v3;
	v1 =	vmul.f32 $1.442695020e+00, v1;
	_ =	sdelay $0x1  }
0x2bc: {  	(erf) = vpow2.f32 v1;
	_ =	sdelay $0x2  }
0x2bd: {  	v1 =	vpop (erf)  }
0x2be: {  	v1 =	vadd.f32 v1, v2  }
0x2bf: {  	v2 =	vpop (erf)  }
0x2c0: {  	v1 =	vadd.f32 v2, v1  }
0x2c1: {  	v2 =	vpop (erf)  }
0x2c2: {  	v1 =	vadd.f32 v2, v1  }
0x2c3: {  	v2 =	vpop (erf)  }
0x2c4: {  	v1 =	vadd.f32 v2, v1;
	_ =	sdelay $0x1  }
0x2c5: {  	s9 =	simm.s32 $0x0;
	[tilespmem:$0x188F0] =	vst v1  }
0x2c6: {  	[tilespmem:s5], [sflag:$0x2] =	stream.linear.gather [hbm4b:s20+s9], $0xC350, $0x38;
	[tilespmem:$0x18980] =	vst v63  }
0x2c7: {  	v1 =	vld [tilespmem:$0x80];
	_ =	swait.ge [sflag:s6], $0xC350  }
0x2c8: {  	[sflag:s6] =	ssyncset.done $0x0  }
0x2c9: {  	s10 =	simm.s32 $0x0;
	[sflag:s6] =	ssyncadd.s32 $0xFFFF3CB0  }
0x2ca: {  	v2 =	vld [tilespmem:s10+$0x180];
	_ =	sdelay $0x3  }
0x2cb: {  	s10 =	simm.s32 $0x10  }
0x2cc: {  	v3 =	vld [tilespmem:s10+$0x180];
	v4 =	vadd.f32 v2, v0;
	_ =	sdelay $0x1  }
0x2cd: {  	v4 =	vmul.f32 v4, v2  }
0x2ce: {  	vm13 =	vgt.f32 v2, v1  }
0x2cf: {  	v2 =	vsel vm13, v4, v2  }
0x2d0: {  	v6 =	vadd.f32 v3, v0;
	v2 =	vmul.f32 $6.400000000e+01, v2  }
0x2d1: {  	s10 =	simm.s32 $0x20  }
0x2d2: {  	v5 =	vld [tilespmem:s10+$0x180];
	v6 =	vmul.f32 v6, v3;
	v2 =	vmul.f32 $1.442695020e+00, v2  }
0x2d3: {  	vm14 =	vgt.f32 v3, v1  }
0x2d4: {  	v3 =	vsel vm14, v6, v3;
	(erf) = vpow2.f32 v2  }
0x2d5: {  	v3 =	vmul.f32 $6.400000000e+01, v3;
	_ =	sdelay $0x1  }
0x2d6: {  	s10 =	simm.s32 $0x30;
	v4 =	vadd.f32 v5, v0;
	v6 =	vmul.f32 $1.442695020e+00, v3  }
0x2d7: {  	v3 =	vld [tilespmem:s10+$0x180]  }
0x2d8: {  	v4 =	vmul.f32 v4, v5;
	(erf) = vpow2.f32 v6  }
0x2d9: {  	vm15 =	vgt.f32 v5, v1  }
0x2da: {  	v4 =	vsel vm15, v4, v5  }
0x2db: {  	s9 =	simm.s32 $0x100;
	v2 =	vimm.f32 $0.0e+00;
	v4 =	vmul.f32 $6.400000000e+01, v4  }
.LBB2_34:
0x2dc: {  	s10 =	sshra.s32 s9, $0x2;
	p0 =	sne.s32 s9, $0x30D00;
	s9 =	sadd.s32 $0x40, s9;
	v5 =	vadd.f32 v3, v0;
	v6 =	vpop (erf);
	v7 =	vmov v3  }
.Ltmp16:
0x2dd: {  	v3 =	vld [tilespmem:s10+$0x180];
	v4 =	vmul.f32 $1.442695020e+00, v4;
	v2 =	vadd.f32 v6, v2;
	(pc) =	sbr.rel @p0 .LBB2_34-.Ltmp16, $4  }
0x2de: {  	v5 =	vmul.f32 v5, v7  }
0x2df: {  	vm0 =	vgt.f32 v7, v1;
	(erf) = vpow2.f32 v4  }
0x2e0: {  	v4 =	vsel vm0, v5, v7  }
0x2e1: {  	v4 =	vmul.f32 $6.400000000e+01, v4  }
0x2e2: {  	v5 =	vadd.f32 v3, v0;
	_ =	sdelay $0x1  }
0x2e3: {  	v5 =	vmul.f32 v5, v3  }
0x2e4: {  	vm0 =	vgt.f32 v3, v1  }
0x2e5: {  	v3 =	vsel vm0, v5, v3  }
0x2e6: {  	v3 =	vmul.f32 $6.400000000e+01, v3  }
0x2e7: {  	v4 =	vmul.f32 $1.442695020e+00, v4  }
0x2e8: {  	v3 =	vmul.f32 $1.442695020e+00, v3  }
0x2e9: {  	(erf) = vpow2.f32 v4  }
0x2ea: {  	(erf) = vpow2.f32 v3;
	_ =	sdelay $0x5  }
0x2eb: {  	v3 =	vpop (erf)  }
0x2ec: {  	v4 =	vpop (erf)  }
0x2ed: {  	s9 =	simm.s32 $0x0;
	v5 =	vpop (erf)  }
0x2ee: {  	[tilespmem:s4], [sflag:$0x1] =	stream.linear.gather [hbm4b:s21+s9], $0xC350, $0x38;
	v6 =	vpop (erf);
	[tilespmem:$0x18980] =	vst v63  }
0x2ef: {  	_ =	swait.ge [sflag:s7], $0xC350  }
0x2f0: {  	[sflag:s7] =	ssyncset.done $0x0  }
0x2f1: {  	s10 =	simm.s32 $0x0;
	[sflag:s7] =	ssyncadd.s32 $0xFFFF3CB0  }
0x2f2: {  	v7 =	vld [tilespmem:s10+$0xC500];
	_ =	sdelay $0x3  }
0x2f3: {  	s10 =	simm.s32 $0x10  }
0x2f4: {  	v8 =	vld [tilespmem:s10+$0xC500];
	v9 =	vadd.f32 v7, v0;
	_ =	sdelay $0x1  }
0x2f5: {  	v9 =	vmul.f32 v9, v7  }
0x2f6: {  	vm13 =	vgt.f32 v7, v1  }
0x2f7: {  	v2 =	vadd.f32 v3, v2;
	v3 =	vsel vm13, v9, v7  }
0x2f8: {  	v11 =	vadd.f32 v8, v0;
	v3 =	vmul.f32 $6.400000000e+01, v3  }
0x2f9: {  	s10 =	simm.s32 $0x20  }
0x2fa: {  	v10 =	vld [tilespmem:s10+$0xC500];
	v11 =	vmul.f32 v11, v8;
	v3 =	vmul.f32 $1.442695020e+00, v3  }
0x2fb: {  	vm14 =	vgt.f32 v8, v1  }
0x2fc: {  	v7 =	vsel vm14, v11, v8;
	(erf) = vpow2.f32 v3  }
0x2fd: {  	v2 =	vadd.f32 v4, v2;
	v4 =	vmul.f32 $6.400000000e+01, v7;
	_ =	sdelay $0x1  }
0x2fe: {  	s10 =	simm.s32 $0x30;
	v63 =	vadd.f32 v10, v0;
	v4 =	vmul.f32 $1.442695020e+00, v4  }
0x2ff: {  	v3 =	vld [tilespmem:s10+$0xC500]  }
0x300: {  	v7 =	vmul.f32 v63, v10;
	(erf) = vpow2.f32 v4  }
0x301: {  	v2 =	vadd.f32 v5, v2;
	vm15 =	vgt.f32 v10, v1  }
0x302: {  	v5 =	vsel vm15, v7, v10  }
0x303: {  	s9 =	simm.s32 $0x100;
	v2 =	vadd.f32 v6, v2;
	v4 =	vmul.f32 $6.400000000e+01, v5  }
.LBB2_36:
0x304: {  	s10 =	sshra.s32 s9, $0x2;
	p0 =	sne.s32 s9, $0x30D00;
	s9 =	sadd.s32 $0x40, s9;
	v5 =	vadd.f32 v3, v0;
	v6 =	vpop (erf);
	v7 =	vmov v3  }
.Ltmp17:
0x305: {  	v3 =	vld [tilespmem:s10+$0xC500];
	v4 =	vmul.f32 $1.442695020e+00, v4;
	v2 =	vadd.f32 v6, v2;
	(pc) =	sbr.rel @p0 .LBB2_36-.Ltmp17, $4  }
0x306: {  	v5 =	vmul.f32 v5, v7  }
0x307: {  	vm0 =	vgt.f32 v7, v1;
	(erf) = vpow2.f32 v4  }
0x308: {  	v4 =	vsel vm0, v5, v7  }
0x309: {  	v4 =	vmul.f32 $6.400000000e+01, v4  }
0x30a: {  	v5 =	vadd.f32 v3, v0;
	_ =	sdelay $0x1  }
0x30b: {  	v5 =	vmul.f32 v5, v3  }
0x30c: {  	vm0 =	vgt.f32 v3, v1  }
0x30d: {  	v1 =	vsel vm0, v5, v3  }
0x30e: {  	v3 =	vmul.f32 $1.442695020e+00, v4;
	v1 =	vmul.f32 $6.400000000e+01, v1;
	_ =	sdelay $0x1  }
0x30f: {  	(erf) = vpow2.f32 v3;
	v1 =	vmul.f32 $1.442695020e+00, v1;
	_ =	sdelay $0x1  }
0x310: {  	(erf) = vpow2.f32 v1;
	_ =	sdelay $0x2  }
0x311: {  	v1 =	vpop (erf)  }
0x312: {  	v1 =	vadd.f32 v1, v2  }
0x313: {  	v2 =	vpop (erf)  }
0x314: {  	v1 =	vadd.f32 v2, v1  }
0x315: {  	v2 =	vpop (erf)  }
0x316: {  	v1 =	vadd.f32 v2, v1  }
0x317: {  	v2 =	vpop (erf)  }
0x318: {  	v1 =	vadd.f32 v2, v1;
	_ =	sdelay $0x1  }
0x319: {  	s9 =	simm.s32 $0x0;
	[tilespmem:$0x18900] =	vst v1  }
0x31a: {  	[tilespmem:s5], [sflag:$0x2] =	stream.linear.gather [hbm4b:s22+s9], $0xC350, $0x38;
	[tilespmem:$0x18980] =	vst v63  }
0x31b: {  	v1 =	vld [tilespmem:$0x90];
	_ =	swait.ge [sflag:s6], $0xC350  }
0x31c: {  	[sflag:s6] =	ssyncset.done $0x0  }
0x31d: {  	s10 =	simm.s32 $0x0;
	[sflag:s6] =	ssyncadd.s32 $0xFFFF3CB0  }
0x31e: {  	v2 =	vld [tilespmem:s10+$0x180];
	_ =	sdelay $0x3  }
0x31f: {  	s10 =	simm.s32 $0x10  }
0x320: {  	v3 =	vld [tilespmem:s10+$0x180];
	v4 =	vadd.f32 v2, v0;
	_ =	sdelay $0x1  }
0x321: {  	v4 =	vmul.f32 v4, v2  }
0x322: {  	vm13 =	vgt.f32 v2, v1  }
0x323: {  	v2 =	vsel vm13, v4, v2  }
0x324: {  	v6 =	vadd.f32 v3, v0;
	v2 =	vmul.f32 $6.400000000e+01, v2  }
0x325: {  	s10 =	simm.s32 $0x20  }
0x326: {  	v5 =	vld [tilespmem:s10+$0x180];
	v6 =	vmul.f32 v6, v3;
	v2 =	vmul.f32 $1.442695020e+00, v2  }
0x327: {  	vm14 =	vgt.f32 v3, v1  }
0x328: {  	v3 =	vsel vm14, v6, v3;
	(erf) = vpow2.f32 v2  }
0x329: {  	v3 =	vmul.f32 $6.400000000e+01, v3;
	_ =	sdelay $0x1  }
0x32a: {  	s10 =	simm.s32 $0x30;
	v4 =	vadd.f32 v5, v0;
	v6 =	vmul.f32 $1.442695020e+00, v3  }
0x32b: {  	v3 =	vld [tilespmem:s10+$0x180]  }
0x32c: {  	v4 =	vmul.f32 v4, v5;
	(erf) = vpow2.f32 v6  }
0x32d: {  	vm15 =	vgt.f32 v5, v1  }
0x32e: {  	v4 =	vsel vm15, v4, v5  }
0x32f: {  	s9 =	simm.s32 $0x100;
	v2 =	vimm.f32 $0.0e+00;
	v4 =	vmul.f32 $6.400000000e+01, v4  }
.LBB2_38:
0x330: {  	s10 =	sshra.s32 s9, $0x2;
	p0 =	sne.s32 s9, $0x30D00;
	s9 =	sadd.s32 $0x40, s9;
	v5 =	vadd.f32 v3, v0;
	v6 =	vpop (erf);
	v7 =	vmov v3  }
.Ltmp18:
0x331: {  	v3 =	vld [tilespmem:s10+$0x180];
	v4 =	vmul.f32 $1.442695020e+00, v4;
	v2 =	vadd.f32 v6, v2;
	(pc) =	sbr.rel @p0 .LBB2_38-.Ltmp18, $4  }
0x332: {  	v5 =	vmul.f32 v5, v7  }
0x333: {  	vm0 =	vgt.f32 v7, v1;
	(erf) = vpow2.f32 v4  }
0x334: {  	v4 =	vsel vm0, v5, v7  }
0x335: {  	v4 =	vmul.f32 $6.400000000e+01, v4  }
0x336: {  	v5 =	vadd.f32 v3, v0;
	_ =	sdelay $0x1  }
0x337: {  	v5 =	vmul.f32 v5, v3  }
0x338: {  	vm0 =	vgt.f32 v3, v1  }
0x339: {  	v3 =	vsel vm0, v5, v3  }
0x33a: {  	v3 =	vmul.f32 $6.400000000e+01, v3  }
0x33b: {  	v4 =	vmul.f32 $1.442695020e+00, v4  }
0x33c: {  	v3 =	vmul.f32 $1.442695020e+00, v3  }
0x33d: {  	(erf) = vpow2.f32 v4  }
0x33e: {  	(erf) = vpow2.f32 v3;
	_ =	sdelay $0x5  }
0x33f: {  	v3 =	vpop (erf)  }
0x340: {  	v4 =	vpop (erf)  }
0x341: {  	s9 =	simm.s32 $0x0;
	v5 =	vpop (erf)  }
0x342: {  	[tilespmem:s4], [sflag:$0x1] =	stream.linear.gather [hbm4b:s23+s9], $0xC350, $0x38;
	v6 =	vpop (erf);
	[tilespmem:$0x18980] =	vst v63  }
0x343: {  	_ =	swait.ge [sflag:s7], $0xC350  }
0x344: {  	[sflag:s7] =	ssyncset.done $0x0  }
0x345: {  	s10 =	simm.s32 $0x0;
	[sflag:s7] =	ssyncadd.s32 $0xFFFF3CB0  }
0x346: {  	v7 =	vld [tilespmem:s10+$0xC500];
	_ =	sdelay $0x3  }
0x347: {  	s10 =	simm.s32 $0x10  }
0x348: {  	v8 =	vld [tilespmem:s10+$0xC500];
	v9 =	vadd.f32 v7, v0;
	_ =	sdelay $0x1  }
0x349: {  	v9 =	vmul.f32 v9, v7  }
0x34a: {  	vm13 =	vgt.f32 v7, v1  }
0x34b: {  	v2 =	vadd.f32 v3, v2;
	v3 =	vsel vm13, v9, v7  }
0x34c: {  	v11 =	vadd.f32 v8, v0;
	v3 =	vmul.f32 $6.400000000e+01, v3  }
0x34d: {  	s10 =	simm.s32 $0x20  }
0x34e: {  	v10 =	vld [tilespmem:s10+$0xC500];
	v11 =	vmul.f32 v11, v8;
	v3 =	vmul.f32 $1.442695020e+00, v3  }
0x34f: {  	vm14 =	vgt.f32 v8, v1  }
0x350: {  	v7 =	vsel vm14, v11, v8;
	(erf) = vpow2.f32 v3  }
0x351: {  	v2 =	vadd.f32 v4, v2;
	v4 =	vmul.f32 $6.400000000e+01, v7;
	_ =	sdelay $0x1  }
0x352: {  	s10 =	simm.s32 $0x30;
	v63 =	vadd.f32 v10, v0;
	v4 =	vmul.f32 $1.442695020e+00, v4  }
0x353: {  	v3 =	vld [tilespmem:s10+$0xC500]  }
0x354: {  	v7 =	vmul.f32 v63, v10;
	(erf) = vpow2.f32 v4  }
0x355: {  	v2 =	vadd.f32 v5, v2;
	vm15 =	vgt.f32 v10, v1  }
0x356: {  	v5 =	vsel vm15, v7, v10  }
0x357: {  	s9 =	simm.s32 $0x100;
	v2 =	vadd.f32 v6, v2;
	v4 =	vmul.f32 $6.400000000e+01, v5  }
.LBB2_40:
0x358: {  	s10 =	sshra.s32 s9, $0x2;
	p0 =	sne.s32 s9, $0x30D00;
	s9 =	sadd.s32 $0x40, s9;
	v5 =	vadd.f32 v3, v0;
	v6 =	vpop (erf);
	v7 =	vmov v3  }
.Ltmp19:
0x359: {  	v3 =	vld [tilespmem:s10+$0xC500];
	v4 =	vmul.f32 $1.442695020e+00, v4;
	v2 =	vadd.f32 v6, v2;
	(pc) =	sbr.rel @p0 .LBB2_40-.Ltmp19, $4  }
0x35a: {  	v5 =	vmul.f32 v5, v7  }
0x35b: {  	vm0 =	vgt.f32 v7, v1;
	(erf) = vpow2.f32 v4  }
0x35c: {  	v4 =	vsel vm0, v5, v7  }
0x35d: {  	v4 =	vmul.f32 $6.400000000e+01, v4  }
0x35e: {  	v5 =	vadd.f32 v3, v0;
	_ =	sdelay $0x1  }
0x35f: {  	v5 =	vmul.f32 v5, v3  }
0x360: {  	vm0 =	vgt.f32 v3, v1  }
0x361: {  	v1 =	vsel vm0, v5, v3  }
0x362: {  	v3 =	vmul.f32 $1.442695020e+00, v4;
	v1 =	vmul.f32 $6.400000000e+01, v1;
	_ =	sdelay $0x1  }
0x363: {  	(erf) = vpow2.f32 v3;
	v1 =	vmul.f32 $1.442695020e+00, v1;
	_ =	sdelay $0x1  }
0x364: {  	(erf) = vpow2.f32 v1;
	_ =	sdelay $0x2  }
0x365: {  	v1 =	vpop (erf)  }
0x366: {  	v1 =	vadd.f32 v1, v2  }
0x367: {  	v2 =	vpop (erf)  }
0x368: {  	v1 =	vadd.f32 v2, v1  }
0x369: {  	v2 =	vpop (erf)  }
0x36a: {  	v1 =	vadd.f32 v2, v1  }
0x36b: {  	v2 =	vpop (erf)  }
0x36c: {  	v1 =	vadd.f32 v2, v1;
	_ =	sdelay $0x1  }
0x36d: {  	s9 =	simm.s32 $0x0;
	[tilespmem:$0x18910] =	vst v1  }
0x36e: {  	[tilespmem:s5], [sflag:$0x2] =	stream.linear.gather [hbm4b:s24+s9], $0xC350, $0x38;
	[tilespmem:$0x18980] =	vst v63  }
0x36f: {  	v1 =	vld [tilespmem:$0xA0];
	_ =	swait.ge [sflag:s6], $0xC350  }
0x370: {  	[sflag:s6] =	ssyncset.done $0x0  }
0x371: {  	s10 =	simm.s32 $0x0;
	[sflag:s6] =	ssyncadd.s32 $0xFFFF3CB0  }
0x372: {  	v2 =	vld [tilespmem:s10+$0x180];
	_ =	sdelay $0x3  }
0x373: {  	s10 =	simm.s32 $0x10  }
0x374: {  	v3 =	vld [tilespmem:s10+$0x180];
	v4 =	vadd.f32 v2, v0;
	_ =	sdelay $0x1  }
0x375: {  	v4 =	vmul.f32 v4, v2  }
0x376: {  	vm13 =	vgt.f32 v2, v1  }
0x377: {  	v2 =	vsel vm13, v4, v2  }
0x378: {  	v6 =	vadd.f32 v3, v0;
	v2 =	vmul.f32 $6.400000000e+01, v2  }
0x379: {  	s10 =	simm.s32 $0x20  }
0x37a: {  	v5 =	vld [tilespmem:s10+$0x180];
	v6 =	vmul.f32 v6, v3;
	v2 =	vmul.f32 $1.442695020e+00, v2  }
0x37b: {  	vm14 =	vgt.f32 v3, v1  }
0x37c: {  	v3 =	vsel vm14, v6, v3;
	(erf) = vpow2.f32 v2  }
0x37d: {  	v3 =	vmul.f32 $6.400000000e+01, v3;
	_ =	sdelay $0x1  }
0x37e: {  	s10 =	simm.s32 $0x30;
	v4 =	vadd.f32 v5, v0;
	v6 =	vmul.f32 $1.442695020e+00, v3  }
0x37f: {  	v3 =	vld [tilespmem:s10+$0x180]  }
0x380: {  	v4 =	vmul.f32 v4, v5;
	(erf) = vpow2.f32 v6  }
0x381: {  	vm15 =	vgt.f32 v5, v1  }
0x382: {  	v4 =	vsel vm15, v4, v5  }
0x383: {  	s9 =	simm.s32 $0x100;
	v2 =	vimm.f32 $0.0e+00;
	v4 =	vmul.f32 $6.400000000e+01, v4  }
.LBB2_42:
0x384: {  	s10 =	sshra.s32 s9, $0x2;
	p0 =	sne.s32 s9, $0x30D00;
	s9 =	sadd.s32 $0x40, s9;
	v5 =	vadd.f32 v3, v0;
	v6 =	vpop (erf);
	v7 =	vmov v3  }
.Ltmp20:
0x385: {  	v3 =	vld [tilespmem:s10+$0x180];
	v4 =	vmul.f32 $1.442695020e+00, v4;
	v2 =	vadd.f32 v6, v2;
	(pc) =	sbr.rel @p0 .LBB2_42-.Ltmp20, $4  }
0x386: {  	v5 =	vmul.f32 v5, v7  }
0x387: {  	vm0 =	vgt.f32 v7, v1;
	(erf) = vpow2.f32 v4  }
0x388: {  	v4 =	vsel vm0, v5, v7  }
0x389: {  	v4 =	vmul.f32 $6.400000000e+01, v4  }
0x38a: {  	v5 =	vadd.f32 v3, v0;
	_ =	sdelay $0x1  }
0x38b: {  	v5 =	vmul.f32 v5, v3  }
0x38c: {  	vm0 =	vgt.f32 v3, v1  }
0x38d: {  	v3 =	vsel vm0, v5, v3  }
0x38e: {  	v3 =	vmul.f32 $6.400000000e+01, v3  }
0x38f: {  	v4 =	vmul.f32 $1.442695020e+00, v4  }
0x390: {  	v3 =	vmul.f32 $1.442695020e+00, v3  }
0x391: {  	(erf) = vpow2.f32 v4  }
0x392: {  	(erf) = vpow2.f32 v3;
	_ =	sdelay $0x5  }
0x393: {  	v3 =	vpop (erf)  }
0x394: {  	v4 =	vpop (erf)  }
0x395: {  	s9 =	simm.s32 $0x0;
	v5 =	vpop (erf)  }
0x396: {  	[tilespmem:s4], [sflag:$0x1] =	stream.linear.gather [hbm4b:s25+s9], $0xC350, $0x38;
	v6 =	vpop (erf);
	[tilespmem:$0x18980] =	vst v63  }
0x397: {  	_ =	swait.ge [sflag:s7], $0xC350  }
0x398: {  	[sflag:s7] =	ssyncset.done $0x0  }
0x399: {  	s10 =	simm.s32 $0x0;
	[sflag:s7] =	ssyncadd.s32 $0xFFFF3CB0  }
0x39a: {  	v7 =	vld [tilespmem:s10+$0xC500];
	_ =	sdelay $0x3  }
0x39b: {  	s10 =	simm.s32 $0x10  }
0x39c: {  	v8 =	vld [tilespmem:s10+$0xC500];
	v9 =	vadd.f32 v7, v0;
	_ =	sdelay $0x1  }
0x39d: {  	v9 =	vmul.f32 v9, v7  }
0x39e: {  	vm13 =	vgt.f32 v7, v1  }
0x39f: {  	v2 =	vadd.f32 v3, v2;
	v3 =	vsel vm13, v9, v7  }
0x3a0: {  	v11 =	vadd.f32 v8, v0;
	v3 =	vmul.f32 $6.400000000e+01, v3  }
0x3a1: {  	s10 =	simm.s32 $0x20  }
0x3a2: {  	v10 =	vld [tilespmem:s10+$0xC500];
	v11 =	vmul.f32 v11, v8;
	v3 =	vmul.f32 $1.442695020e+00, v3  }
0x3a3: {  	vm14 =	vgt.f32 v8, v1  }
0x3a4: {  	v7 =	vsel vm14, v11, v8;
	(erf) = vpow2.f32 v3  }
0x3a5: {  	v2 =	vadd.f32 v4, v2;
	v4 =	vmul.f32 $6.400000000e+01, v7;
	_ =	sdelay $0x1  }
0x3a6: {  	s10 =	simm.s32 $0x30;
	v63 =	vadd.f32 v10, v0;
	v4 =	vmul.f32 $1.442695020e+00, v4  }
0x3a7: {  	v3 =	vld [tilespmem:s10+$0xC500]  }
0x3a8: {  	v7 =	vmul.f32 v63, v10;
	(erf) = vpow2.f32 v4  }
0x3a9: {  	v2 =	vadd.f32 v5, v2;
	vm15 =	vgt.f32 v10, v1  }
0x3aa: {  	v5 =	vsel vm15, v7, v10  }
0x3ab: {  	s9 =	simm.s32 $0x100;
	v2 =	vadd.f32 v6, v2;
	v4 =	vmul.f32 $6.400000000e+01, v5  }
.LBB2_44:
0x3ac: {  	s10 =	sshra.s32 s9, $0x2;
	p0 =	sne.s32 s9, $0x30D00;
	s9 =	sadd.s32 $0x40, s9;
	v5 =	vadd.f32 v3, v0;
	v6 =	vpop (erf);
	v7 =	vmov v3  }
.Ltmp21:
0x3ad: {  	v3 =	vld [tilespmem:s10+$0xC500];
	v4 =	vmul.f32 $1.442695020e+00, v4;
	v2 =	vadd.f32 v6, v2;
	(pc) =	sbr.rel @p0 .LBB2_44-.Ltmp21, $4  }
0x3ae: {  	v5 =	vmul.f32 v5, v7  }
0x3af: {  	vm0 =	vgt.f32 v7, v1;
	(erf) = vpow2.f32 v4  }
0x3b0: {  	v4 =	vsel vm0, v5, v7  }
0x3b1: {  	v4 =	vmul.f32 $6.400000000e+01, v4  }
0x3b2: {  	v5 =	vadd.f32 v3, v0;
	_ =	sdelay $0x1  }
0x3b3: {  	v5 =	vmul.f32 v5, v3  }
0x3b4: {  	vm0 =	vgt.f32 v3, v1  }
0x3b5: {  	v1 =	vsel vm0, v5, v3  }
0x3b6: {  	v3 =	vmul.f32 $1.442695020e+00, v4;
	v1 =	vmul.f32 $6.400000000e+01, v1;
	_ =	sdelay $0x1  }
0x3b7: {  	(erf) = vpow2.f32 v3;
	v1 =	vmul.f32 $1.442695020e+00, v1;
	_ =	sdelay $0x1  }
0x3b8: {  	(erf) = vpow2.f32 v1;
	_ =	sdelay $0x2  }
0x3b9: {  	v1 =	vpop (erf)  }
0x3ba: {  	v1 =	vadd.f32 v1, v2  }
0x3bb: {  	v2 =	vpop (erf)  }
0x3bc: {  	v1 =	vadd.f32 v2, v1  }
0x3bd: {  	v2 =	vpop (erf)  }
0x3be: {  	v1 =	vadd.f32 v2, v1  }
0x3bf: {  	v2 =	vpop (erf)  }
0x3c0: {  	v1 =	vadd.f32 v2, v1;
	_ =	sdelay $0x1  }
0x3c1: {  	s9 =	simm.s32 $0x0;
	[tilespmem:$0x18920] =	vst v1  }
0x3c2: {  	[tilespmem:s5], [sflag:$0x2] =	stream.linear.gather [hbm4b:s28+s9], $0xC350, $0x38;
	[tilespmem:$0x18980] =	vst v63  }
0x3c3: {  	v1 =	vld [tilespmem:$0xB0];
	_ =	swait.ge [sflag:s6], $0xC350  }
0x3c4: {  	[sflag:s6] =	ssyncset.done $0x0  }
0x3c5: {  	s10 =	simm.s32 $0x0;
	[sflag:s6] =	ssyncadd.s32 $0xFFFF3CB0  }
0x3c6: {  	v2 =	vld [tilespmem:s10+$0x180];
	_ =	sdelay $0x3  }
0x3c7: {  	s10 =	simm.s32 $0x10  }
0x3c8: {  	v3 =	vld [tilespmem:s10+$0x180];
	v4 =	vadd.f32 v2, v0;
	_ =	sdelay $0x1  }
0x3c9: {  	v4 =	vmul.f32 v4, v2  }
0x3ca: {  	vm13 =	vgt.f32 v2, v1  }
0x3cb: {  	v2 =	vsel vm13, v4, v2  }
0x3cc: {  	v6 =	vadd.f32 v3, v0;
	v2 =	vmul.f32 $6.400000000e+01, v2  }
0x3cd: {  	s10 =	simm.s32 $0x20  }
0x3ce: {  	v5 =	vld [tilespmem:s10+$0x180];
	v6 =	vmul.f32 v6, v3;
	v2 =	vmul.f32 $1.442695020e+00, v2  }
0x3cf: {  	vm14 =	vgt.f32 v3, v1  }
0x3d0: {  	v3 =	vsel vm14, v6, v3;
	(erf) = vpow2.f32 v2  }
0x3d1: {  	v3 =	vmul.f32 $6.400000000e+01, v3;
	_ =	sdelay $0x1  }
0x3d2: {  	s10 =	simm.s32 $0x30;
	v4 =	vadd.f32 v5, v0;
	v6 =	vmul.f32 $1.442695020e+00, v3  }
0x3d3: {  	v3 =	vld [tilespmem:s10+$0x180]  }
0x3d4: {  	v4 =	vmul.f32 v4, v5;
	(erf) = vpow2.f32 v6  }
0x3d5: {  	vm15 =	vgt.f32 v5, v1  }
0x3d6: {  	v4 =	vsel vm15, v4, v5  }
0x3d7: {  	s9 =	simm.s32 $0x100;
	v2 =	vimm.f32 $0.0e+00;
	v4 =	vmul.f32 $6.400000000e+01, v4  }
.LBB2_46:
0x3d8: {  	s10 =	sshra.s32 s9, $0x2;
	p0 =	sne.s32 s9, $0x30D00;
	s9 =	sadd.s32 $0x40, s9;
	v5 =	vadd.f32 v3, v0;
	v6 =	vpop (erf);
	v7 =	vmov v3  }
.Ltmp22:
0x3d9: {  	v3 =	vld [tilespmem:s10+$0x180];
	v4 =	vmul.f32 $1.442695020e+00, v4;
	v2 =	vadd.f32 v6, v2;
	(pc) =	sbr.rel @p0 .LBB2_46-.Ltmp22, $4  }
0x3da: {  	v5 =	vmul.f32 v5, v7  }
0x3db: {  	vm0 =	vgt.f32 v7, v1;
	(erf) = vpow2.f32 v4  }
0x3dc: {  	v4 =	vsel vm0, v5, v7  }
0x3dd: {  	v4 =	vmul.f32 $6.400000000e+01, v4  }
0x3de: {  	v5 =	vadd.f32 v3, v0;
	_ =	sdelay $0x1  }
0x3df: {  	v5 =	vmul.f32 v5, v3  }
0x3e0: {  	vm0 =	vgt.f32 v3, v1  }
0x3e1: {  	v3 =	vsel vm0, v5, v3  }
0x3e2: {  	v3 =	vmul.f32 $6.400000000e+01, v3  }
0x3e3: {  	v4 =	vmul.f32 $1.442695020e+00, v4  }
0x3e4: {  	v3 =	vmul.f32 $1.442695020e+00, v3  }
0x3e5: {  	(erf) = vpow2.f32 v4  }
0x3e6: {  	(erf) = vpow2.f32 v3;
	_ =	sdelay $0x5  }
0x3e7: {  	v3 =	vpop (erf)  }
0x3e8: {  	v4 =	vpop (erf)  }
0x3e9: {  	s9 =	simm.s32 $0x0;
	v5 =	vpop (erf)  }
0x3ea: {  	[tilespmem:s4], [sflag:$0x1] =	stream.linear.gather [hbm4b:s29+s9], $0xC350, $0x38;
	v6 =	vpop (erf);
	[tilespmem:$0x18980] =	vst v63  }
0x3eb: {  	_ =	swait.ge [sflag:s7], $0xC350  }
0x3ec: {  	[sflag:s7] =	ssyncset.done $0x0  }
0x3ed: {  	s10 =	simm.s32 $0x0;
	[sflag:s7] =	ssyncadd.s32 $0xFFFF3CB0  }
0x3ee: {  	v7 =	vld [tilespmem:s10+$0xC500];
	_ =	sdelay $0x3  }
0x3ef: {  	s10 =	simm.s32 $0x10  }
0x3f0: {  	v8 =	vld [tilespmem:s10+$0xC500];
	v9 =	vadd.f32 v7, v0;
	_ =	sdelay $0x1  }
0x3f1: {  	v9 =	vmul.f32 v9, v7  }
0x3f2: {  	vm13 =	vgt.f32 v7, v1  }
0x3f3: {  	v2 =	vadd.f32 v3, v2;
	v3 =	vsel vm13, v9, v7  }
0x3f4: {  	v11 =	vadd.f32 v8, v0;
	v3 =	vmul.f32 $6.400000000e+01, v3  }
0x3f5: {  	s10 =	simm.s32 $0x20  }
0x3f6: {  	v10 =	vld [tilespmem:s10+$0xC500];
	v11 =	vmul.f32 v11, v8;
	v3 =	vmul.f32 $1.442695020e+00, v3  }
0x3f7: {  	vm14 =	vgt.f32 v8, v1  }
0x3f8: {  	v7 =	vsel vm14, v11, v8;
	(erf) = vpow2.f32 v3  }
0x3f9: {  	v2 =	vadd.f32 v4, v2;
	v4 =	vmul.f32 $6.400000000e+01, v7;
	_ =	sdelay $0x1  }
0x3fa: {  	s10 =	simm.s32 $0x30;
	v63 =	vadd.f32 v10, v0;
	v4 =	vmul.f32 $1.442695020e+00, v4  }
0x3fb: {  	v3 =	vld [tilespmem:s10+$0xC500]  }
0x3fc: {  	v7 =	vmul.f32 v63, v10;
	(erf) = vpow2.f32 v4  }
0x3fd: {  	v2 =	vadd.f32 v5, v2;
	vm15 =	vgt.f32 v10, v1  }
0x3fe: {  	v5 =	vsel vm15, v7, v10  }
0x3ff: {  	s9 =	simm.s32 $0x100;
	v2 =	vadd.f32 v6, v2;
	v4 =	vmul.f32 $6.400000000e+01, v5  }
.LBB2_48:
0x400: {  	s10 =	sshra.s32 s9, $0x2;
	p0 =	sne.s32 s9, $0x30D00;
	s9 =	sadd.s32 $0x40, s9;
	v5 =	vadd.f32 v3, v0;
	v6 =	vpop (erf);
	v7 =	vmov v3  }
.Ltmp23:
0x401: {  	v3 =	vld [tilespmem:s10+$0xC500];
	v4 =	vmul.f32 $1.442695020e+00, v4;
	v2 =	vadd.f32 v6, v2;
	(pc) =	sbr.rel @p0 .LBB2_48-.Ltmp23, $4  }
0x402: {  	v5 =	vmul.f32 v5, v7  }
0x403: {  	vm0 =	vgt.f32 v7, v1;
	(erf) = vpow2.f32 v4  }
0x404: {  	v4 =	vsel vm0, v5, v7  }
0x405: {  	v4 =	vmul.f32 $6.400000000e+01, v4  }
0x406: {  	v5 =	vadd.f32 v3, v0;
	_ =	sdelay $0x1  }
0x407: {  	v5 =	vmul.f32 v5, v3  }
0x408: {  	vm0 =	vgt.f32 v3, v1  }
0x409: {  	v1 =	vsel vm0, v5, v3  }
0x40a: {  	v3 =	vmul.f32 $1.442695020e+00, v4;
	v1 =	vmul.f32 $6.400000000e+01, v1;
	_ =	sdelay $0x1  }
0x40b: {  	(erf) = vpow2.f32 v3;
	v1 =	vmul.f32 $1.442695020e+00, v1;
	_ =	sdelay $0x1  }
0x40c: {  	(erf) = vpow2.f32 v1;
	_ =	sdelay $0x2  }
0x40d: {  	v1 =	vpop (erf)  }
0x40e: {  	v1 =	vadd.f32 v1, v2  }
0x40f: {  	v2 =	vpop (erf)  }
0x410: {  	v1 =	vadd.f32 v2, v1  }
0x411: {  	v2 =	vpop (erf)  }
0x412: {  	v1 =	vadd.f32 v2, v1  }
0x413: {  	v2 =	vpop (erf)  }
0x414: {  	v1 =	vadd.f32 v2, v1;
	_ =	sdelay $0x1  }
0x415: {  	s9 =	simm.s32 $0x0;
	[tilespmem:$0x18930] =	vst v1  }
0x416: {  	[tilespmem:s5], [sflag:$0x2] =	stream.linear.gather [hbm4b:s30+s9], $0xC350, $0x38;
	[tilespmem:$0x18980] =	vst v63  }
0x417: {  	v1 =	vld [tilespmem:$0xC0];
	_ =	swait.ge [sflag:s6], $0xC350  }
0x418: {  	[sflag:s6] =	ssyncset.done $0x0  }
0x419: {  	s10 =	simm.s32 $0x0;
	[sflag:s6] =	ssyncadd.s32 $0xFFFF3CB0  }
0x41a: {  	v2 =	vld [tilespmem:s10+$0x180];
	_ =	sdelay $0x3  }
0x41b: {  	s10 =	simm.s32 $0x10  }
0x41c: {  	v3 =	vld [tilespmem:s10+$0x180];
	v4 =	vadd.f32 v2, v0;
	_ =	sdelay $0x1  }
0x41d: {  	v4 =	vmul.f32 v4, v2  }
0x41e: {  	vm13 =	vgt.f32 v2, v1  }
0x41f: {  	v2 =	vsel vm13, v4, v2  }
0x420: {  	v6 =	vadd.f32 v3, v0;
	v2 =	vmul.f32 $6.400000000e+01, v2  }
0x421: {  	s10 =	simm.s32 $0x20  }
0x422: {  	v5 =	vld [tilespmem:s10+$0x180];
	v6 =	vmul.f32 v6, v3;
	v2 =	vmul.f32 $1.442695020e+00, v2  }
0x423: {  	vm14 =	vgt.f32 v3, v1  }
0x424: {  	v3 =	vsel vm14, v6, v3;
	(erf) = vpow2.f32 v2  }
0x425: {  	v3 =	vmul.f32 $6.400000000e+01, v3;
	_ =	sdelay $0x1  }
0x426: {  	s10 =	simm.s32 $0x30;
	v4 =	vadd.f32 v5, v0;
	v6 =	vmul.f32 $1.442695020e+00, v3  }
0x427: {  	v3 =	vld [tilespmem:s10+$0x180]  }
0x428: {  	v4 =	vmul.f32 v4, v5;
	(erf) = vpow2.f32 v6  }
0x429: {  	vm15 =	vgt.f32 v5, v1  }
0x42a: {  	v4 =	vsel vm15, v4, v5  }
0x42b: {  	s9 =	simm.s32 $0x100;
	v2 =	vimm.f32 $0.0e+00;
	v4 =	vmul.f32 $6.400000000e+01, v4  }
.LBB2_50:
0x42c: {  	s10 =	sshra.s32 s9, $0x2;
	p0 =	sne.s32 s9, $0x30D00;
	s9 =	sadd.s32 $0x40, s9;
	v5 =	vadd.f32 v3, v0;
	v6 =	vpop (erf);
	v7 =	vmov v3  }
.Ltmp24:
0x42d: {  	v3 =	vld [tilespmem:s10+$0x180];
	v4 =	vmul.f32 $1.442695020e+00, v4;
	v2 =	vadd.f32 v6, v2;
	(pc) =	sbr.rel @p0 .LBB2_50-.Ltmp24, $4  }
0x42e: {  	v5 =	vmul.f32 v5, v7  }
0x42f: {  	vm0 =	vgt.f32 v7, v1;
	(erf) = vpow2.f32 v4  }
0x430: {  	v4 =	vsel vm0, v5, v7  }
0x431: {  	v4 =	vmul.f32 $6.400000000e+01, v4  }
0x432: {  	v5 =	vadd.f32 v3, v0;
	_ =	sdelay $0x1  }
0x433: {  	v5 =	vmul.f32 v5, v3  }
0x434: {  	vm0 =	vgt.f32 v3, v1  }
0x435: {  	v3 =	vsel vm0, v5, v3  }
0x436: {  	v3 =	vmul.f32 $6.400000000e+01, v3  }
0x437: {  	v4 =	vmul.f32 $1.442695020e+00, v4  }
0x438: {  	v3 =	vmul.f32 $1.442695020e+00, v3  }
0x439: {  	(erf) = vpow2.f32 v4  }
0x43a: {  	(erf) = vpow2.f32 v3;
	_ =	sdelay $0x5  }
0x43b: {  	v3 =	vpop (erf)  }
0x43c: {  	v4 =	vpop (erf)  }
0x43d: {  	v5 =	vpop (erf)  }
0x43e: {  	v6 =	vpop (erf)  }
0x43f: {  	_ =	swait.ge [sflag:s7], $0xC350  }
0x440: {  	[sflag:s7] =	ssyncset.done $0x0  }
0x441: {  	s9 =	simm.s32 $0x0;
	[sflag:s7] =	ssyncadd.s32 $0xFFFF3CB0  }
0x442: {  	v7 =	vld [tilespmem:s9+$0xC500];
	_ =	sdelay $0x3  }
0x443: {  	s10 =	simm.s32 $0x10  }
0x444: {  	v8 =	vld [tilespmem:s10+$0xC500];
	v9 =	vadd.f32 v7, v0;
	_ =	sdelay $0x1  }
0x445: {  	v9 =	vmul.f32 v9, v7  }
0x446: {  	vm13 =	vgt.f32 v7, v1  }
0x447: {  	v2 =	vadd.f32 v3, v2;
	v3 =	vsel vm13, v9, v7  }
0x448: {  	v11 =	vadd.f32 v8, v0;
	v3 =	vmul.f32 $6.400000000e+01, v3  }
0x449: {  	s10 =	simm.s32 $0x20  }
0x44a: {  	v10 =	vld [tilespmem:s10+$0xC500];
	v11 =	vmul.f32 v11, v8;
	v3 =	vmul.f32 $1.442695020e+00, v3  }
0x44b: {  	vm14 =	vgt.f32 v8, v1  }
0x44c: {  	v7 =	vsel vm14, v11, v8;
	(erf) = vpow2.f32 v3  }
0x44d: {  	v2 =	vadd.f32 v4, v2;
	v4 =	vmul.f32 $6.400000000e+01, v7;
	_ =	sdelay $0x1  }
0x44e: {  	s10 =	simm.s32 $0x30;
	v63 =	vadd.f32 v10, v0;
	v4 =	vmul.f32 $1.442695020e+00, v4  }
0x44f: {  	v3 =	vld [tilespmem:s10+$0xC500]  }
0x450: {  	v7 =	vmul.f32 v63, v10;
	(erf) = vpow2.f32 v4  }
0x451: {  	v2 =	vadd.f32 v5, v2;
	vm15 =	vgt.f32 v10, v1  }
0x452: {  	v5 =	vsel vm15, v7, v10  }
0x453: {  	v2 =	vadd.f32 v6, v2;
	s9 =	simm.s32 $0x100;
	v4 =	vmul.f32 $6.400000000e+01, v5  }
.LBB2_52:
0x454: {  	s10 =	sshra.s32 s9, $0x2;
	p0 =	sne.s32 s9, $0x30D00;
	s9 =	sadd.s32 $0x40, s9;
	v5 =	vadd.f32 v3, v0;
	v6 =	vpop (erf);
	v7 =	vmov v3  }
.Ltmp25:
0x455: {  	v3 =	vld [tilespmem:s10+$0xC500];
	v4 =	vmul.f32 $1.442695020e+00, v4;
	v2 =	vadd.f32 v6, v2;
	(pc) =	sbr.rel @p0 .LBB2_52-.Ltmp25, $4  }
0x456: {  	v5 =	vmul.f32 v5, v7  }
0x457: {  	vm0 =	vgt.f32 v7, v1;
	(erf) = vpow2.f32 v4  }
0x458: {  	v4 =	vsel vm0, v5, v7  }
0x459: {  	v4 =	vmul.f32 $6.400000000e+01, v4  }
0x45a: {  	v0 =	vadd.f32 v3, v0;
	_ =	sdelay $0x1  }
0x45b: {  	v0 =	vmul.f32 v0, v3  }
0x45c: {  	vm0 =	vgt.f32 v3, v1  }
0x45d: {  	v0 =	vsel vm0, v0, v3  }
0x45e: {  	v59 =	vmul.f32 $1.442695020e+00, v4;
	v0 =	vmul.f32 $6.400000000e+01, v0;
	_ =	sdelay $0x1  }
0x45f: {  	(erf) = vpow2.f32 v59;
	v0 =	vmul.f32 $1.442695020e+00, v0;
	_ =	sdelay $0x1  }
0x460: {  	(erf) = vpow2.f32 v0;
	_ =	sdelay $0x2  }
0x461: {  	v60 =	vpop (erf)  }
0x462: {  	v0 =	vadd.f32 v60, v2  }
0x463: {  	v61 =	vpop (erf)  }
0x464: {  	v0 =	vadd.f32 v61, v0  }
0x465: {  	v62 =	vpop (erf)  }
0x466: {  	v0 =	vadd.f32 v62, v0  }
0x467: {  	v63 =	vpop (erf)  }
0x468: {  	s8 =	sadd.s32 $0x1, s8;
	v0 =	vadd.f32 v63, v0  }
0x469: {  	p0 =	sne.s32 s8, s1  }
.Ltmp26:
0x46a: {  	s9 =	simm.s32 $0x18880;
	[tilespmem:$0x18940] =	vst v0;
	(pc) =	sbr.rel @p0 .LBB2_1-.Ltmp26, $4  }
0x46b: {  	[hbm4b:s31+s3] =	stream.linear.scatter [tilespmem:s9], [sflag:$0x3], $0xD0, $0x38;
	[tilespmem:$0x18980] =	vst v63  }
0x46c: {  	_ =	swait.ge [sflag:s2], $0xD0  }
0x46d: {  	[sflag:s2] =	ssyncset.done $0x0  }
0x46e: {  	[sflag:s2] =	ssyncadd.s32 $0xFFFFFF30  }
0x46f: {  	_ =	sfence.sel $0x180000  }
0x470: {  	[bflag:$0x0] =	sbarrier.arrive $0xFFFF  }
0x471: {  	_ =	strace $0x9000004A  }
0x472: {  	s0 =	stileid.u32;
	[bflag:$0x2] =	sbarrier.arrive $0xFFFF  }
0x473: {  	p0 =	sne.s32 s0, $0x0;
	s0 =	rddreg [dreg:$0x2]  }
0x474: {  	s0 =	sadd.s32 @!p0 $0x100000, s0  }
0x475: {  	[sflag:s0] =	ssyncadd.tile.s32 @!p0 $0x1;
	_ =	shalt  }
.Lfunc_end2:
_tile_overlayer_lowered:
.L_overlay_start_2:
0x476: {  	(tag) =	ssettag $0x2  }
0x477: {  	s0 =	rddreg [dreg:$0x0];
	s2 =	stileid.u32  }
0x478: {  	s1 =	rddreg [dreg:$0x1];
	p0 =	sne.s32 s2, $0x0  }
0x479: {  	s3 =	rddreg [dreg:$0x2];
	[bflag:$0x3] =	sbarrier.arrive $0xFFFF;
	s2 =	simm.s32 @!p0 $0x1C03  }
0x47a: {  	[timem:s3], [sflag:s2] =	dma.local @!p0 [hbm:s0], s1  }
0x47b: {  	s0 =	simm.s32 @!p0 $0x3  }
0x47c: {  	_ =	swait.ge @!p0 [sflag:s0], s1  }
0x47d: {  	s1 =	ssub.s32 @!p0 $0x0, s1;
	[sflag:s0] =	ssyncset.done @!p0 $0x0  }
0x47e: {  	[sflag:s0] =	ssyncadd.s32 @!p0 s1  }
0x47f: {  	[bflag:$0x3] =	sbarrier.arrive $0xFFFF  }
0x480: {  	_ =	shalt  }

// kernel: kernel.7.cloned.1.call-start
scs
__scs_entry_jumppad:
0x0: {  	(pc) =	sbr.rel $0x88, $3  }
0x1: {  	(tag) =	ssettag $0x0;
	lr =	simm.s32 $0x1  }
0x2: {  	[smem:$0x3F9E] =	sst lr;
	_ =	strace $0xD0000000  }
0x3: {  	_ = 	snop  }
0x4: {  	_ = 	snop  }
0x5: {  	_ = 	snop  }
0x6: {  	_ = 	snop  }
0x7: {  	_ = 	snop  }
__scs_overlays_trampoline_lowered:
0x8: {  	[smem:$0x3FAD] =	sst s0  }
0x9: {  	[smem:$0x3FAE] =	sst s1  }
0xa: {  	[smem:$0x3FAF] =	sst s2  }
0xb: {  	[smem:$0x3FB0] =	sst s3  }
0xc: {  	[smem:$0x3FB1] =	sst s4  }
0xd: {  	[smem:$0x3FB2] =	sst s5  }
0xe: {  	[smem:$0x3FB3] =	sst s6  }
0xf: {  	[smem:$0x3FB4] =	sst s7  }
0x10: {  	[smem:$0x3FB5] =	sst s8  }
0x11: {  	[smem:$0x3FB6] =	sst s9;
	s0 =	simm.s32 @!p0 $0x0  }
0x12: {  	s1 =	sld [smem:$0x3F9C];
	s0 =	simm.s32 @p0 $0x1  }
0x13: {  	[smem:$0x3FB7] =	sst s0;
	s0 =	simm.s32 @!p1 $0x0  }
0x14: {  	s2 =	sld [smem:$0x3F9B];
	s0 =	simm.s32 @p1 $0x1  }
0x15: {  	[smem:$0x3FB8] =	sst s0;
	s0 =	simm.s32 @!p2 $0x0  }
0x16: {  	s3 =	sld [smem:$0x3FDB];
	s0 =	simm.s32 @p2 $0x1  }
0x17: {  	s4 =	simm.s32 $0x1BF5;
	[smem:$0x3FBA] =	sst s0  }
0x18: {  	s0 =	sld [smem:$0x3F9D];
	_ =	swait.ge [sflag:s4], $0x0  }
0x19: {  	s7 =	sld [smem:$0x3F9E]  }
0x1a: {  	s8 =	sadd.s32 $0xFFFFE003, lr  }
0x1b: {  	s9 =	sadd.s32 $0xFFFFFEF7, lr;
	s5 =	simm.s32 $0xFFFFFFFF;
	p2 =	slt.u32 s8, $0xFFFFF086  }
0x1c: {  	p1 =	slt.u32 s9, $0xF7A;
	s5 =	simm.s32 @!p2 $0x0  }
0x1d: {  	s5 =	simm.s32 @p1 $0x1;
	p0 =	seq.s32 s7, s2  }
0x1e: {  	s7 =	smul.u32 @!p0 $0xF7A, s2;
	p2 =	seq.s32 @!p0 s5, $0x0  }
0x1f: {  	s9 =	smul.u32 $0xF7A, s1;
	s8 =	simm.s32 @!p0 $0x1BF5;
	p2 =	por !p2, p0  }
0x20: {  	[sflag:s8] =	ssyncset.s32 @!p0 $0xFFFFF086;
	s6 =	sadd.s32 @!p0 s3, s7;
	s7 =	simm.s32 @!p0 $0x108  }
0x21: {  	s3 =	sadd.s32 s3, s9;
	s6 =	sadd.s32 @!p0 $0x88, s6;
	s7 =	simm.s32 @p2 $0x1082  }
0x22: {  	[simem:s7], [sflag:s8] =	dma.local @!p0 [hbm:s6], $0xF7A  }
0x23: {  	s9 =	sor.u32 $0xD0000000, s2;
	s6 =	simm.s32 $0x108;
	_ =	swait.ge @!p0 [sflag:s8], $0x0  }
0x24: {  	s3 =	sadd.s32 $0x88, s3;
	s6 =	simm.s32 @!p1 $0x1082;
	[sflag:s4] =	ssyncset.s32 $0xFFFFF086  }
0x25: {  	[simem:s6], [sflag:s4] =	dma.local [hbm:s3], $0xF7A  }
0x26: {  	[smem:$0x3F9E] =	sst s1;
	(tag) =	ssettag s2;
	_ =	strace s9  }
0x27: {  	s1 =	sld [smem:$0x3FAE]  }
0x28: {  	s2 =	sld [smem:$0x3FAF]  }
0x29: {  	s4 =	sld [smem:$0x3FB1]  }
0x2a: {  	p0 =	seq.s32 s5, $0x0;
	s5 =	sld [smem:$0x3FB2]  }
0x2b: {  	s6 =	sld [smem:$0x3FB3]  }
0x2c: {  	s7 =	sld [smem:$0x3FB4]  }
0x2d: {  	s3 =	simm.s32 $0x108;
	s8 =	sld [smem:$0x3FB5]  }
0x2e: {  	s3 =	simm.s32 @!p0 $0x1082;
	s9 =	sld [smem:$0x3FB6]  }
0x2f: {  	lr =	sadd.s32 s0, s3;
	s0 =	sld [smem:$0x3FAD]  }
0x30: {  	s3 =	sld [smem:$0x3FB0]  }
0x31: {  	[smem:$0x3FB9] =	sst s10  }
0x32: {  	s10 =	sld [smem:$0x3FB7];
	_ =	sdelay $0x3  }
0x33: {  	p0 =	seq.s32 s10, $0x1;
	s10 =	sld [smem:$0x3FB9];
	_ =	sdelay $0x3  }
0x34: {  	[smem:$0x3FB9] =	sst s10  }
0x35: {  	s10 =	sld [smem:$0x3FB8];
	_ =	sdelay $0x3  }
0x36: {  	p1 =	seq.s32 s10, $0x1;
	s10 =	sld [smem:$0x3FB9];
	_ =	sdelay $0x3  }
0x37: {  	[smem:$0x3FB9] =	sst s10  }
0x38: {  	s10 =	sld [smem:$0x3FBA]  }
0x39: {  	_ = 	snop;
	(pc) =	sbr.ind lr, $3  }
0x3a: {  	_ = 	snop  }
0x3b: {  	_ = 	snop  }
0x3c: {  	p2 =	seq.s32 s10, $0x1;
	s10 =	sld [smem:$0x3FB9]  }
0x3d: {  	_ =	shalt  }
0x3e: {  	_ =	shalt  }
0x3f: {  	_ =	shalt  }
0x40: {  	_ =	shalt  }
0x41: {  	_ =	shalt  }
0x42: {  	_ =	shalt  }
0x43: {  	_ =	shalt  }
0x44: {  	_ =	shalt  }
0x45: {  	_ =	shalt  }
0x46: {  	_ =	shalt  }
0x47: {  	_ =	shalt  }
0x48: {  	_ =	shalt  }
0x49: {  	_ =	shalt  }
0x4a: {  	_ =	shalt  }
0x4b: {  	_ =	shalt  }
0x4c: {  	_ =	shalt  }
0x4d: {  	_ =	shalt  }
0x4e: {  	_ =	shalt  }
0x4f: {  	_ =	shalt  }
0x50: {  	_ =	shalt  }
0x51: {  	_ =	shalt  }
0x52: {  	_ =	shalt  }
0x53: {  	_ =	shalt  }
0x54: {  	_ =	shalt  }
0x55: {  	_ =	shalt  }
0x56: {  	_ =	shalt  }
0x57: {  	_ =	shalt  }
0x58: {  	_ =	shalt  }
0x59: {  	_ =	shalt  }
0x5a: {  	_ =	shalt  }
0x5b: {  	_ =	shalt  }
0x5c: {  	_ =	shalt  }
0x5d: {  	_ =	shalt  }
0x5e: {  	_ =	shalt  }
0x5f: {  	_ =	shalt  }
0x60: {  	_ =	shalt  }
0x61: {  	_ =	shalt  }
0x62: {  	_ =	shalt  }
0x63: {  	_ =	shalt  }
0x64: {  	_ =	shalt  }
0x65: {  	_ =	shalt  }
0x66: {  	_ =	shalt  }
0x67: {  	_ =	shalt  }
0x68: {  	_ =	shalt  }
0x69: {  	_ =	shalt  }
0x6a: {  	_ =	shalt  }
0x6b: {  	_ =	shalt  }
0x6c: {  	_ =	shalt  }
0x6d: {  	_ =	shalt  }
0x6e: {  	_ =	shalt  }
0x6f: {  	_ =	shalt  }
0x70: {  	_ =	shalt  }
0x71: {  	_ =	shalt  }
0x72: {  	_ =	shalt  }
0x73: {  	_ =	shalt  }
0x74: {  	_ =	shalt  }
0x75: {  	_ =	shalt  }
0x76: {  	_ =	shalt  }
0x77: {  	_ =	shalt  }
0x78: {  	_ =	shalt  }
0x79: {  	_ =	shalt  }
0x7a: {  	_ =	shalt  }
0x7b: {  	_ =	shalt  }
0x7c: {  	_ =	shalt  }
0x7d: {  	_ =	shalt  }
0x7e: {  	_ =	shalt  }
0x7f: {  	_ =	shalt  }
0x80: {  	_ =	shalt  }
0x81: {  	_ =	shalt  }
0x82: {  	_ =	shalt  }
0x83: {  	_ =	shalt  }
0x84: {  	_ =	shalt  }
0x85: {  	_ =	shalt  }
0x86: {  	_ =	shalt  }
0x87: {  	_ =	shalt  }
.Lfunc_end0:
.L_simem_size_0:
called_computation_lowered:
.L_overlay_start_0:
0x88: {  	s2 =	sld [smem:$0x3FD9]  }
0x89: {  	s3 =	sld [smem:$0x3FFE];
	_ =	sdelay $0x1  }
0x8a: {  	s1 =	srdreg.scid  }
0x8b: {  	s0 =	sand.u32 $0x1, s1  }
0x8c: {  	s17 =	sshll.u32 s0, $0xA;
	s2 =	sadd.s32 s3, s2  }
0x8d: {  	s2 =	sadd.s32 s2, s17  }
0x8e: {  	[smem:$0x3FC5] =	sst s2  }
0x8f: {  	_ = 	snop  }
0x90: {  	s2 =	sld [smem:$0x3FC8];
	(tm) =	ssettm $0x1  }
0x91: {  	s18 =	sld [smem:$0x3FFB];
	_ =	sdelay $0x3  }
0x92: {  	_ =	strace s18  }
0x93: {  	s3 =	sld [smem:$0x3FFC];
	_ =	sdelay $0x3  }
0x94: {  	_ =	strace s3  }
0x95: {  	s3 =	sld [smem:$0x3FFD];
	_ =	sdelay $0x3  }
0x96: {  	_ =	strace s3  }
0x97: {  	_ =	strace $0x8FFFFFFF  }
0x98: {  	s19 =	sld [smem:$0x3FDB];
	_ =	sdelay $0x1  }
0x99: {  	s4 =	simm.s32 $_scs_section_size  }
0x9a: {  	s5 =	simm.s32 $_size__tile_overlayer_lowered;
	s6 =	simm.s32 $_tile_overlayer_lowered  }
0x9b: {  	s22 =	simm.s32 $0x1BFF;
	s21 =	sshll.u32 s6, $0x1;
	s3 =	sadd.s32 s4, s19  }
0x9c: {  	s7 =	simm.s32 $0x0;
	s20 =	sshll.u32 s5, $0x1;
	s5 =	sadd.s32 s21, s3  }
0x9d: {  	[timem:s7], [sflag:s22] =	dma.local [hbm:s5], s20  }
0x9e: {  	_ =	swait.ge [sflag:s22], s20  }
0x9f: {  	s4 =	ssub.s32 $0x0, s20;
	[sflag:s22] =	ssyncset.done $0x0  }
0xa0: {  	[sflag:s22] =	ssyncadd.s32 s4;
	_ =	sdelay $0x1  }
0xa1: {  	s23 =	simm.s32 $0x1B8B  }
0xa2: {  	_ =	swait.ge [sflag:s23], $0x1  }
0xa3: {  	[sflag:s23] =	ssyncset.done $0x0  }
0xa4: {  	s25 =	simm.s32 $0x1B8E;
	s24 =	sld [smem:$0x3FFE];
	[sflag:s23] =	ssyncadd.s32 $0xFFFFFFFF  }
0xa5: {  	s26 =	simm.s32 $execute0_lowered;
	[smem:$0x3FD2] =	sst s25  }
0xa6: {  	s5 =	sshll.u32 s26, $0x1;
	_ =	strace $0x80000046;
	[dreg:$0x1] =	wrdreg $0xFFFFFFFF  }
0xa7: {  	s28 =	simm.s32 $_size_execute0_lowered;
	s3 =	sadd.s32 s3, s5;
	[dreg:$0x0] =	wrdreg $0x0  }
0xa8: {  	s5 =	sshll.u32 s28, $0x1;
	[dreg:$0x2] =	wrdreg s3  }
0xa9: {  	[dreg:$0x3] =	wrdreg s5  }
0xaa: {  	[dreg:$0x4] =	wrdreg $0xC0  }
0xab: {  	_ =	task [dreg:s7], $0x5FFFF  }
0xac: {  	[dreg:$0x1] =	wrdreg $0xFFFFFFFF  }
0xad: {  	[dreg:$0x0] =	wrdreg $0x60  }
0xae: {  	[dreg:$0x2] =	wrdreg s2  }
0xaf: {  	[dreg:$0x3] =	wrdreg s24  }
0xb0: {  	[dreg:$0x4] =	wrdreg $0x9  }
0xb1: {  	_ =	task.clear_ibuf [dreg:s7], $0x5FFFF;
	_ =	strace $0x90000046  }
0xb2: {  	s29 =	simm.s32 $0x9;
	_ =	strace $0x80000048  }
0xb3: {  	_ =	swait.ge [sflag:s29], $0x1  }
0xb4: {  	[sflag:s29] =	ssyncadd.s32 $0xFFFFFFFF  }
0xb5: {  	_ =	strace $0x90000048  }
0xb6: {  	_ =	sfence  }
0xb7: {  	s30 =	sld [smem:$0x0];
	_ =	sdelay $0x2  }
0xb8: {  	s31 =	sshll.u32 s1, $0xD;
	s1 =	sshrl.u32 s1, $0x2  }
0xb9: {  	s3 =	sand.u32 $0x4000, s31;
	s1 =	sadd.s32 s1, s30  }
0xba: {  	s0 =	sor.u32 s3, s0;
	s1 =	sshll.u32 s1, $0x11  }
0xbb: {  	s0 =	sor.u32 s1, s0  }
0xbc: {  	s0 =	sadd.s32 $0x8F2B, s0  }
0xbd: {  	[sflag:s0] =	ssyncadd.remote.s32 $0x1  }
0xbe: {  	_ =	sfence.sel $0xFFFF  }
0xbf: {  	[dreg:$0x0] =	wrdreg $0xFFFFFFFF;
	(pc) =	sbr.abs _section_cstart, $3  }
0xc0: {  	[dreg:$0x1] =	wrdreg $0xFFFFFFFF  }
0xc1: {  	_ =	task.clear_ibuf [dreg:s7], $0x2FFFF;
	_ =	strace $0x9FFFFFFF  }
0xc2: {  	(tm) =	ssettm $0x7FFFFFFF  }
0xc3: {  	_ =	shalt  }
tec
execute0_lowered:
.L_overlay_start_1:
0x0: {  	(tag) =	ssettag $0x1  }
0x1: {  	s1 =	srdreg.scid  }
0x2: {  	s3 =	rddreg [dreg:$0x0];
	s0 =	stileid.u32;
	s6 =	sand.u32 $0x1, s1  }
0x3: {  	s10 =	rddreg [dreg:$0x1];
	s4 =	sshll.u32 s0, $0x6;
	s5 =	sshll.u32 s6, $0x5  }
0x4: {  	s2 =	simm.s32 $0x0;
	s1 =	rddreg [dreg:$0x2];
	s5 =	sor.u32 s5, s4  }
0x5: {  	[smem:$0x7FF] =	sst s2;
	s11 =	sshrl.u32 s5, $0x3  }
0x6: {  	_ =	strace $0x80000047;
	s4 =	sadd.s32 s3, s11;
	s3 =	simm.s32 $0x2  }
0x7: {  	[tilespmem:s2], [sflag:$0x2] =	stream.linear.gather [hbm4b:s4+s2], $0x20, $0x38;
	[tilespmem:$0x180] =	vst v63  }
0x8: {  	_ =	swait.ge [sflag:s3], $0x20  }
0x9: {  	[sflag:s3] =	ssyncset.done $0x0  }
0xa: {  	v0 =	vmov s5;
	s5 =	sor.u32 $0x10, s5;
	[sflag:s3] =	ssyncadd.s32 $0xFFFFFFE0  }
0xb: {  	v0 =	vmul.u32 $0x186A0, v0;
	v1 =	vmov s5;
	v2 =	vld [tilespmem:$0x0]  }
0xc: {  	v3 =	vlaneseq.u32;
	v1 =	vmul.u32 $0x186A0, v1;
	v4 =	vld [tilespmem:$0x10]  }
0xd: {  	v3 =	vmul.u32 $0x186A0, v3;
	v0 =	vbroadcast v0, $0x0  }
0xe: {  	s12 =	ssub.s32 $0x2, s6;
	v1 =	vbroadcast v1, $0x0  }
0xf: {  	s13 =	sshrl.u32 s12, $0x1;
	v0 =	vadd.s32 v3, v0  }
0x10: {  	s7 =	simm.s32 $0x80;
	s8 =	simm.s32 $0x100;
	s31 =	ssub.s32 s12, s13;
	v1 =	vadd.s32 v3, v1;
	v2 =	vadd.s32 v2, v0  }
0x11: {  	s5 =	sadd.s32 $0xC39400, s10;
	s10 =	sadd.s32 s11, s10;
	s11 =	smax.u32 s31, $0x1;
	[tilespmem:$0x80] =	vst v2;
	v2 =	vadd.s32 v4, v1  }
0x12: {  	s9 =	simm.s32 $0x1;
	s6 =	simm.s32 $0x20;
	p0 =	sne.s32 s11, $0x1;
	[tilespmem:$0x90] =	vst v2  }
0x13: {  	[tilespmem:s8], [sflag:$0x1] =	stream.indirect.gather [hbm4b:s5+s6], $0x1, s7, s6, $0xb8;
	[tilespmem:$0x180] =	vst v63  }
.Ltmp0:
0x14: {  	_ =	swait.ge [sflag:s9], $0x20;
	(pc) =	sbr.rel @!p0 .LBB2_2-.Ltmp0, $4  }
0x15: {  	[sflag:s9] =	ssyncset.done $0x0  }
0x16: {  	s10 =	sadd.s32 $0x186E400, s10;
	[sflag:s9] =	ssyncadd.s32 $0xFFFFFFE0  }
0x17: {  	[hbm4b:s10+s2] =	stream.linear.scatter [tilespmem:s8], [sflag:$0x2], $0x20, $0x38;
	[tilespmem:$0x180] =	vst v63  }
0x18: {  	s11 =	sadd.s32 $0xFFFFFFFF, s11;
	_ =	swait.ge [sflag:s3], $0x20  }
.LBB2_1:
0x19: {  	p0 =	sne.s32 s11, $0x1;
	s11 =	sadd.s32 $0xFFFFFFFF, s11;
	[sflag:s3] =	ssyncset.done $0x0  }
0x1a: {  	[sflag:s3] =	ssyncadd.s32 $0xFFFFFFE0  }
0x1b: {  	[tilespmem:s2], [sflag:$0x2] =	stream.linear.gather [hbm4b:s4+s2], $0x20, $0x38;
	[tilespmem:$0x180] =	vst v63  }
0x1c: {  	_ =	swait.ge [sflag:s3], $0x20  }
0x1d: {  	[sflag:s3] =	ssyncset.done $0x0  }
0x1e: {  	[sflag:s3] =	ssyncadd.s32 $0xFFFFFFE0  }
0x1f: {  	v2 =	vld [tilespmem:$0x0]  }
0x20: {  	v3 =	vld [tilespmem:$0x10];
	_ =	sdelay $0x3  }
0x21: {  	v2 =	vadd.s32 v2, v0  }
0x22: {  	[tilespmem:$0x80] =	vst v2;
	v2 =	vadd.s32 v3, v1  }
0x23: {  	[tilespmem:$0x90] =	vst v2  }
0x24: {  	[tilespmem:s8], [sflag:$0x1] =	stream.indirect.gather [hbm4b:s5+s6], $0x1, s7, s6, $0xb8;
	[tilespmem:$0x180] =	vst v63  }
.Ltmp1:
0x25: {  	_ =	swait.ge [sflag:s9], $0x20;
	(pc) =	sbr.rel @p0 .LBB2_1-.Ltmp1, $4  }
0x26: {  	[sflag:s9] =	ssyncset.done $0x0  }
0x27: {  	[sflag:s9] =	ssyncadd.s32 $0xFFFFFFE0  }
0x28: {  	[hbm4b:s10+s2] =	stream.linear.scatter [tilespmem:s8], [sflag:$0x2], $0x20, $0x38;
	[tilespmem:$0x180] =	vst v63  }
0x29: {  	_ =	swait.ge [sflag:s3], $0x20  }
.LBB2_2:
0x2a: {  	[sflag:s3] =	ssyncset.done $0x0  }
0x2b: {  	[sflag:s3] =	ssyncadd.s32 $0xFFFFFFE0  }
0x2c: {  	_ =	sfence.sel $0x180000  }
0x2d: {  	[bflag:$0x0] =	sbarrier.arrive $0xFFFF  }
0x2e: {  	p0 =	sne.s32 s0, $0x0;
	_ =	strace $0x90000047  }
0x2f: {  	s0 =	sadd.s32 @!p0 $0x100000, s1;
	[bflag:$0x2] =	sbarrier.arrive $0xFFFF  }
0x30: {  	[sflag:s0] =	ssyncadd.tile.s32 @!p0 $0x1;
	_ =	shalt  }
.Lfunc_end2:
_tile_overlayer_lowered:
.L_overlay_start_2:
0x31: {  	(tag) =	ssettag $0x2  }
0x32: {  	s0 =	rddreg [dreg:$0x0];
	s2 =	stileid.u32  }
0x33: {  	s1 =	rddreg [dreg:$0x1];
	p0 =	sne.s32 s2, $0x0  }
0x34: {  	s3 =	rddreg [dreg:$0x2];
	[bflag:$0x3] =	sbarrier.arrive $0xFFFF;
	s2 =	simm.s32 @!p0 $0x1C02  }
0x35: {  	[timem:s3], [sflag:s2] =	dma.local @!p0 [hbm:s0], s1  }
0x36: {  	s0 =	simm.s32 @!p0 $0x2  }
0x37: {  	_ =	swait.ge @!p0 [sflag:s0], s1  }
0x38: {  	s1 =	ssub.s32 @!p0 $0x0, s1;
	[sflag:s0] =	ssyncset.done @!p0 $0x0  }
0x39: {  	[sflag:s0] =	ssyncadd.s32 @!p0 s1  }
0x3a: {  	[bflag:$0x3] =	sbarrier.arrive $0xFFFF  }
0x3b: {  	_ =	shalt  }

</sc_bundles>
